<compile_context>
chip_gen: v7x
topology: tpu7x:2x2x1
jax: 0.10.2.dev20260603
libtpu: 0.0.44.dev20260713+nightly
codegen_flags: <defaults>
</compile_context>

<pallas_src>
import jax
import jax.numpy as jnp
from jax import lax
from jax.experimental import pallas as pl
from jax.experimental.pallas import tpu as pltpu
from jax.experimental.pallas import tpu_sc as plsc

B, N, M, D = 8, 1024, 48, 3
NUM_RS = 12
NUM_AT = 4
RC = 12.0
ETA = 4.0
ATOMS_PER_W = 256
NBLK = ATOMS_PER_W // 16
PITCH = M + 1

_CUT = (
    0.9999999945295114,
    -2.4674005624317474,
    2.029347420621804,
    -0.6675792150852533,
    0.11751490420139771,
    -0.012679491820734435,
    0.0007969553419935056,
)

_RSQRT_MAGIC = 0x5F3759DF


def _sc_body(x_hbm, nbrs_hbm, z_hbm, out_hbm, x_v, nbrs_v, z_v, stage_v, tab_v,
             sem):
    c = lax.axis_index("c")
    s = lax.axis_index("s")
    wid = s * 2 + c
    b = wid // 4
    n0 = (wid % 4) * ATOMS_PER_W

    cp1 = pltpu.async_copy(x_hbm.at[b], x_v, sem)
    cp2 = pltpu.async_copy(nbrs_hbm.at[b, :, pl.ds(n0, ATOMS_PER_W)], nbrs_v, sem)
    cp3 = pltpu.async_copy(z_hbm.at[b, :, pl.ds(n0, ATOMS_PER_W)], z_v, sem)

    zeros = jnp.zeros((16,), jnp.float32)
    itab = lax.iota(jnp.int32, 16)
    tab_v[...] = jnp.where(itab == 1, 0, jnp.where(itab >= 6, itab - 5, 4))

    @plsc.parallel_loop(0, 5 * NUM_RS * ATOMS_PER_W // 16)
    def zero_body(i):
        stage_v[pl.ds(i * 16, 16)] = zeros

    cp1.wait()
    cp2.wait()
    cp3.wait()

    iota = lax.iota(jnp.int32, 16)

    @plsc.parallel_loop(0, NBLK * M, unroll=3)
    def m_body(q):
        blk = q & (NBLK - 1)
        m = q >> 4
        atomv = blk * 16 + iota
        cbase = n0 + blk * 16
        cx = x_v[pl.ds(cbase, 16)]
        cy = x_v[pl.ds(N + cbase, 16)]
        cz = x_v[pl.ds(2 * N + cbase, 16)]
        nbr = nbrs_v[m, pl.ds(blk * 16, 16)]
        zz = z_v[m, pl.ds(blk * 16, 16)]
        gx = plsc.load_gather(x_v, [nbr])
        gy = plsc.load_gather(x_v, [nbr + N])
        gz = plsc.load_gather(x_v, [nbr + 2 * N])
        dx = gx - cx
        dy = gy - cy
        dz = gz - cz
        r2 = dx * dx + dy * dy + dz * dz
        yi = _RSQRT_MAGIC - (plsc.bitcast(r2, jnp.int32) >> 1)
        y = plsc.bitcast(yi, jnp.float32)
        h = -0.5 * r2
        y = y * (1.5 + h * y * y)
        y = y * (1.5 + h * y * y)
        r = r2 * y
        v = jnp.minimum(r2 * (1.0 / (RC * RC)), 1.0)
        fc = jnp.float32(_CUT[6])
        fc = fc * v + _CUT[5]
        fc = fc * v + _CUT[4]
        fc = fc * v + _CUT[3]
        fc = fc * v + _CUT[2]
        fc = fc * v + _CUT[1]
        fc = fc * v + _CUT[0]
        slot = plsc.load_gather(tab_v, [zz])
        rs0 = jnp.clip((r + 0.5).astype(jnp.int32), 1, 10)
        d0 = r - rs0.astype(jnp.float32)
        base = slot * (NUM_RS * ATOMS_PER_W) + rs0 * ATOMS_PER_W + atomv
        for k in range(-1, 2):
            t = d0 - jnp.float32(k)
            e = jnp.exp(t * t * (-ETA))
            plsc.addupdate_scatter(stage_v, [base + k * ATOMS_PER_W], e * fc)

    obase = b * N + n0
    handles = []
    for rs in range(NUM_RS):
        for a in range(NUM_AT):
            src = stage_v.at[pl.ds((a * NUM_RS + rs) * ATOMS_PER_W, ATOMS_PER_W)]
            dst = out_hbm.at[rs * NUM_AT + a, pl.ds(obase, ATOMS_PER_W)]
            handles.append(pltpu.async_copy(src, dst, sem))
    for hh in handles:
        hh.wait()


def kernel(X, Nbrs, Nbrs_Z):
    x_planar = X.transpose(0, 2, 1).reshape(B, D * N)
    nbrs_t = Nbrs.transpose(0, 2, 1)
    z_t = Nbrs_Z.transpose(0, 2, 1)
    mesh = plsc.VectorSubcoreMesh(core_axis_name="c", subcore_axis_name="s")
    out = pl.kernel(
        _sc_body,
        out_type=jax.ShapeDtypeStruct((NUM_RS * NUM_AT, B * N), jnp.float32),
        mesh=mesh,
        compiler_params=pltpu.CompilerParams(needs_layout_passes=False),
        scratch_types=[
            pltpu.VMEM((D * N,), jnp.float32),
            pltpu.VMEM((M, ATOMS_PER_W), jnp.int32),
            pltpu.VMEM((M, ATOMS_PER_W), jnp.int32),
            pltpu.VMEM((5 * NUM_RS * ATOMS_PER_W,), jnp.float32),
            pltpu.VMEM((16,), jnp.int32),
            pltpu.SemaphoreType.DMA,
        ],
    )(x_planar, nbrs_t, z_t)
    return out.reshape(NUM_RS * NUM_AT, B, N)

# --- scband reference (transcript-rebuilt; emitter-appended) ---
"""Pipeline reference for scband-atomic-conv-47923245089375 (READ-ONLY COPY).

The authoritative reference and input builder live on the scoring server;
editing this copy changes nothing except your own understanding.
"""

import jax, jax.numpy as jnp
import numpy as np

ATOM_TYPES = [1, 6, 7, 8]
RADIAL_PARAMS = [(12.0, float(rs), 4.0) for rs in range(12)]
BOXSIZE = None

B, N, M, d = 8, 1024, 48, 3


def setup_inputs(seed: int = 0) -> dict:
    key = jax.random.key(seed)
    k1, k2, k3 = jax.random.split(key, 3)
    X = jax.random.normal(k1, (B, N, d), dtype=jnp.float32)
    Nbrs = jax.random.randint(k2, (B, N, M), 0, N, dtype=jnp.int32)
    Nbrs_Z = jax.random.randint(k3, (B, N, M), 0, 9, dtype=jnp.int32)
    return {"X": X, "Nbrs": Nbrs, "Nbrs_Z": Nbrs_Z}


def reference(X, Nbrs, Nbrs_Z):
    # DistanceTensor: gather neighbor coordinates per batch element
    nbr_coords = jax.vmap(lambda x, nb: x[nb])(X, Nbrs)  # (B, N, M, d)
    D = nbr_coords - X[:, :, None, :]
    if BOXSIZE is not None:
        D = D - BOXSIZE * jnp.round(D / BOXSIZE)
    # DistanceMatrix
    R = jnp.sqrt(jnp.maximum(jnp.sum(D * D, axis=3), 1e-12))  # (B, N, M)
    rsf_zeros = jnp.zeros_like(R)
    sym = []
    for (rc, rs, e) in RADIAL_PARAMS:
        # RadialSymmetryFunction = GaussianDistanceMatrix * RadialCutoff
        K = jnp.exp(-e * (R - rs) ** 2)
        T = 0.5 * (jnp.cos(np.pi * R / rc) + 1.0)
        FC = jnp.where(R <= rc, T, jnp.zeros_like(T))
        rsf = K * FC
        if not ATOM_TYPES:
            cond = jnp.not_equal(Nbrs_Z, 0)
            sym.append(jnp.sum(jnp.where(cond, rsf, rsf_zeros), axis=2))
        else:
            for at in ATOM_TYPES:
                cond = jnp.equal(Nbrs_Z, at)
                sym.append(jnp.sum(jnp.where(cond, rsf, rsf_zeros), axis=2))
    layer = jnp.stack(sym)  # (l, B, N) with l = len(RADIAL_PARAMS) * len(ATOM_TYPES)
    return layer

if __name__ == "__main__":
    import jax
    _d = setup_inputs()
    print(jax.jit(kernel)(*tuple(_d.values())))

</pallas_src>

<mosaic_0001>
#map = affine_map<(d0, d1) -> (0, 0)>
#map1 = affine_map<(d0, d1) -> (0, 0, 0)>
module attributes {stable_mosaic.version = 14 : i64} {
  func.func @_sc_body(%arg0: i32, %arg1: i32, %arg2: memref<8x3072xf32, #tpu.memory_space<hbm>>, %arg3: memref<8x48x1024xi32, #tpu.memory_space<hbm>>, %arg4: memref<8x48x1024xi32, #tpu.memory_space<hbm>>, %arg5: memref<48x8192xf32, #tpu.memory_space<hbm>>, %arg6: memref<3072xf32, #tpu.memory_space<vmem>>, %arg7: memref<48x256xi32, #tpu.memory_space<vmem>>, %arg8: memref<48x256xi32, #tpu.memory_space<vmem>>, %arg9: memref<15360xf32, #tpu.memory_space<vmem>>, %arg10: memref<16xi32, #tpu.memory_space<vmem>>, %arg11: memref<!tpu.dma_semaphore, #tpu.memory_space<semaphore_mem>>) attributes {dimension_semantics = [#tpu.dimension_semantics<core_parallel>, #tpu.dimension_semantics<subcore_parallel>], iteration_bounds = array<i64: 2, 16>, scalar_prefetch = 0 : i64, scratch_operands = 6 : i64, tpu.core_type = #tpu.core_type<sc_vector_subcore>, window_params = [{transform_indices = #map}, {transform_indices = #map1}, {transform_indices = #map1}, {transform_indices = #map}]} {
    %mul3A = arith.constant 2 : i32
    %mul3A_0 = arith.muli %arg1, %mul3A : i32
    %add3A = arith.addi %mul3A_0, %arg0 : i32
    %jit3A = arith.constant 4 : i32
    %div3A = arith.divsi %add3A, %jit3A : i32
    %sign3A = arith.constant 0 : i32
    %sign3A_1 = arith.cmpi sgt, %add3A, %sign3A : i32
    %sign3A_2 = arith.extui %sign3A_1 : i1 to i32
    %sign3A_3 = arith.constant 0 : i32
    %sign3A_4 = arith.cmpi slt, %add3A, %sign3A_3 : i32
    %sign3A_5 = arith.extui %sign3A_4 : i1 to i32
    %sign3A_6 = arith.subi %sign3A_2, %sign3A_5 : i32
    %sign3A_7 = arith.constant 0 : i32
    %sign3A_8 = arith.cmpi sgt, %jit3A, %sign3A_7 : i32
    %sign3A_9 = arith.extui %sign3A_8 : i1 to i32
    %sign3A_10 = arith.constant 0 : i32
    %sign3A_11 = arith.cmpi slt, %jit3A, %sign3A_10 : i32
    %sign3A_12 = arith.extui %sign3A_11 : i1 to i32
    %sign3A_13 = arith.subi %sign3A_9, %sign3A_12 : i32
    %ne3A = arith.cmpi ne, %sign3A_6, %sign3A_13 : i32
    %rem3A = arith.remsi %add3A, %jit3A : i32
    %ne3A_14 = arith.constant 0 : i32
    %ne3A_15 = arith.cmpi ne, %rem3A, %ne3A_14 : i32
    %and3A = arith.andi %ne3A, %ne3A_15 : i1
    %sub3A = arith.constant 1 : i32
    %sub3A_16 = arith.subi %div3A, %sub3A : i32
    %select_n3A = arith.select %and3A, %sub3A_16, %div3A : i32
    %jit3A_17 = arith.constant 4 : i32
    %eq3A = arith.constant 0 : i32
    %eq3A_18 = arith.cmpi eq, %jit3A_17, %eq3A : i32
    %jit3A_19 = arith.constant 1 : i32
    %select_n3A_20 = arith.select %eq3A_18, %jit3A_19, %jit3A_17 : i32
    %rem3A_21 = arith.remsi %add3A, %select_n3A_20 : i32
    %ne3A_22 = arith.constant 0 : i32
    %ne3A_23 = arith.cmpi ne, %rem3A_21, %ne3A_22 : i32
    %lt3A = arith.constant 0 : i32
    %lt3A_24 = arith.cmpi slt, %rem3A_21, %lt3A : i32
    %lt3A_25 = arith.constant 0 : i32
    %lt3A_26 = arith.cmpi slt, %select_n3A_20, %lt3A_25 : i32
    %ne3A_27 = arith.xori %lt3A_24, %lt3A_26 : i1
    %and3A_28 = arith.andi %ne3A_27, %ne3A_23 : i1
    %add3A_29 = arith.addi %rem3A_21, %select_n3A_20 : i32
    %select_n3A_30 = arith.select %and3A_28, %add3A_29, %rem3A_21 : i32
    %mul3A_31 = arith.constant 256 : i32
    %mul3A_32 = arith.muli %select_n3A_30, %mul3A_31 : i32
    %dma_start3A = arith.constant 0 : i32
    %dma_start3A_33 = tpu.memref_slice %arg2[%select_n3A, %dma_start3A] : memref<8x3072xf32, #tpu.memory_space<hbm>> -> memref<1x3072xf32, #tpu.memory_space<hbm>>
    %dma_start3A_34 = tpu.memref_squeeze %dma_start3A_33 : memref<1x3072xf32, #tpu.memory_space<hbm>> -> memref<3072xf32, #tpu.memory_space<hbm>>
    %dma_start3A_35 = arith.constant 0 : i32
    %dma_start3A_36 = tpu.memref_slice %arg2[%select_n3A, %dma_start3A_35] : memref<8x3072xf32, #tpu.memory_space<hbm>> -> memref<1x3072xf32, #tpu.memory_space<hbm>>
    %dma_start3A_37 = tpu.memref_squeeze %dma_start3A_36 : memref<1x3072xf32, #tpu.memory_space<hbm>> -> memref<3072xf32, #tpu.memory_space<hbm>>
    tpu.enqueue_dma source(%dma_start3A_37 : memref<3072xf32, #tpu.memory_space<hbm>>) target(%arg6 : memref<3072xf32, #tpu.memory_space<vmem>>) target_semaphore(%arg11 : memref<!tpu.dma_semaphore, #tpu.memory_space<semaphore_mem>>)
    %dma_start3A_38 = arith.constant 0 : i32
    %dma_start3A_39 = tpu.memref_slice %arg3[%select_n3A, %dma_start3A_38, %mul3A_32] : memref<8x48x1024xi32, #tpu.memory_space<hbm>> -> memref<1x48x256xi32, #tpu.memory_space<hbm>>
    %dma_start3A_40 = tpu.memref_squeeze %dma_start3A_39 : memref<1x48x256xi32, #tpu.memory_space<hbm>> -> memref<48x256xi32, #tpu.memory_space<hbm>>
    %dma_start3A_41 = arith.constant 0 : i32
    %dma_start3A_42 = tpu.memref_slice %arg3[%select_n3A, %dma_start3A_41, %mul3A_32] : memref<8x48x1024xi32, #tpu.memory_space<hbm>> -> memref<1x48x256xi32, #tpu.memory_space<hbm>>
    %dma_start3A_43 = tpu.memref_squeeze %dma_start3A_42 : memref<1x48x256xi32, #tpu.memory_space<hbm>> -> memref<48x256xi32, #tpu.memory_space<hbm>>
    tpu.enqueue_dma source(%dma_start3A_43 : memref<48x256xi32, #tpu.memory_space<hbm>>) target(%arg7 : memref<48x256xi32, #tpu.memory_space<vmem>>) target_semaphore(%arg11 : memref<!tpu.dma_semaphore, #tpu.memory_space<semaphore_mem>>)
    %dma_start3A_44 = arith.constant 0 : i32
    %dma_start3A_45 = tpu.memref_slice %arg4[%select_n3A, %dma_start3A_44, %mul3A_32] : memref<8x48x1024xi32, #tpu.memory_space<hbm>> -> memref<1x48x256xi32, #tpu.memory_space<hbm>>
    %dma_start3A_46 = tpu.memref_squeeze %dma_start3A_45 : memref<1x48x256xi32, #tpu.memory_space<hbm>> -> memref<48x256xi32, #tpu.memory_space<hbm>>
    %dma_start3A_47 = arith.constant 0 : i32
    %dma_start3A_48 = tpu.memref_slice %arg4[%select_n3A, %dma_start3A_47, %mul3A_32] : memref<8x48x1024xi32, #tpu.memory_space<hbm>> -> memref<1x48x256xi32, #tpu.memory_space<hbm>>
    %dma_start3A_49 = tpu.memref_squeeze %dma_start3A_48 : memref<1x48x256xi32, #tpu.memory_space<hbm>> -> memref<48x256xi32, #tpu.memory_space<hbm>>
    tpu.enqueue_dma source(%dma_start3A_49 : memref<48x256xi32, #tpu.memory_space<hbm>>) target(%arg8 : memref<48x256xi32, #tpu.memory_space<vmem>>) target_semaphore(%arg11 : memref<!tpu.dma_semaphore, #tpu.memory_space<semaphore_mem>>)
    %broadcast_in_dim3A = arith.constant 0.000000e+00 : f32
    %broadcast_in_dim3A_50 = vector.broadcast %broadcast_in_dim3A : f32 to vector<16xf32>
    %iota3A = tpu.iota {dimensions = array<i32: 0>} : vector<16xi32>
    %eq3A_51 = arith.constant 1 : i32
    %eq3A_52 = vector.broadcast %eq3A_51 : i32 to vector<16xi32>
    %eq3A_53 = arith.cmpi eq, %iota3A, %eq3A_52 : vector<16xi32>
    %ge3A = arith.constant 6 : i32
    %ge3A_54 = vector.broadcast %ge3A : i32 to vector<16xi32>
    %ge3A_55 = arith.cmpi sge, %iota3A, %ge3A_54 : vector<16xi32>
    %sub3A_56 = arith.constant 5 : i32
    %sub3A_57 = vector.broadcast %sub3A_56 : i32 to vector<16xi32>
    %sub3A_58 = arith.subi %iota3A, %sub3A_57 : vector<16xi32>
    %jit3A_59 = arith.constant 4 : i32
    %broadcast_in_dim3A_60 = vector.broadcast %jit3A_59 : i32 to vector<16xi32>
    %select_n3A_61 = arith.select %ge3A_55, %sub3A_58, %broadcast_in_dim3A_60 : vector<16xi1>, vector<16xi32>
    %jit3A_62 = arith.constant 0 : i32
    %broadcast_in_dim3A_63 = vector.broadcast %jit3A_62 : i32 to vector<16xi32>
    %select_n3A_64 = arith.select %eq3A_53, %broadcast_in_dim3A_63, %select_n3A_61 : vector<16xi1>, vector<16xi32>
    %swap3A = arith.constant 0 : index
    %swap3A_65 = tpu.vector_load %arg10[%swap3A] {strides = array<i32>} : memref<16xi32, #tpu.memory_space<vmem>>, vector<16xi32>,
    tpu.vector_store %arg10[%swap3A], %select_n3A_64 {strides = array<i32>} : memref<16xi32, #tpu.memory_space<vmem>>, vector<16xi32>,
    %parallel_loop3A = arith.constant 0 : i32
    %parallel_loop3A_66 = arith.constant 960 : i32
    %parallel_loop3A_67 = arith.constant 1 : i32
    scf.for %parallel_loop3A_956 = %parallel_loop3A to %parallel_loop3A_66 step %parallel_loop3A_67  : i32 {
      %parallel_loop3A_957 = arith.constant 16 : i32
      %parallel_loop3A_958 = arith.muli %parallel_loop3A_956, %parallel_loop3A_957 : i32
      %parallel_loop3A_959 = arith.index_cast %parallel_loop3A_958 : i32 to index
      %parallel_loop3A_960 = tpu.vector_load %arg9[%parallel_loop3A_959] {strides = array<i32>} : memref<15360xf32, #tpu.memory_space<vmem>>, vector<16xf32>,
      tpu.vector_store %arg9[%parallel_loop3A_959], %broadcast_in_dim3A_50 {strides = array<i32>} : memref<15360xf32, #tpu.memory_space<vmem>>, vector<16xf32>,
    } {sc.loop_unroll_factor = 1 : i64, sc.parallel_access}
    %dma_wait3A = arith.constant 0 : i32
    %dma_wait3A_68 = tpu.memref_slice %arg2[%select_n3A, %dma_wait3A] : memref<8x3072xf32, #tpu.memory_space<hbm>> -> memref<1x3072xf32, #tpu.memory_space<hbm>>
    %dma_wait3A_69 = tpu.memref_squeeze %dma_wait3A_68 : memref<1x3072xf32, #tpu.memory_space<hbm>> -> memref<3072xf32, #tpu.memory_space<hbm>>
    %dma_wait3A_70 = arith.constant 0 : i32
    %dma_wait3A_71 = tpu.memref_slice %arg2[%select_n3A, %dma_wait3A_70] : memref<8x3072xf32, #tpu.memory_space<hbm>> -> memref<1x3072xf32, #tpu.memory_space<hbm>>
    %dma_wait3A_72 = tpu.memref_squeeze %dma_wait3A_71 : memref<1x3072xf32, #tpu.memory_space<hbm>> -> memref<3072xf32, #tpu.memory_space<hbm>>
    tpu.wait_dma2 semaphore(%arg11 : memref<!tpu.dma_semaphore, #tpu.memory_space<semaphore_mem>>) src(%dma_wait3A_72 : memref<3072xf32, #tpu.memory_space<hbm>>) dst(%arg6 : memref<3072xf32, #tpu.memory_space<vmem>>)
    %dma_wait3A_73 = arith.constant 0 : i32
    %dma_wait3A_74 = tpu.memref_slice %arg3[%select_n3A, %dma_wait3A_73, %mul3A_32] : memref<8x48x1024xi32, #tpu.memory_space<hbm>> -> memref<1x48x256xi32, #tpu.memory_space<hbm>>
    %dma_wait3A_75 = tpu.memref_squeeze %dma_wait3A_74 : memref<1x48x256xi32, #tpu.memory_space<hbm>> -> memref<48x256xi32, #tpu.memory_space<hbm>>
    %dma_wait3A_76 = arith.constant 0 : i32
    %dma_wait3A_77 = tpu.memref_slice %arg3[%select_n3A, %dma_wait3A_76, %mul3A_32] : memref<8x48x1024xi32, #tpu.memory_space<hbm>> -> memref<1x48x256xi32, #tpu.memory_space<hbm>>
    %dma_wait3A_78 = tpu.memref_squeeze %dma_wait3A_77 : memref<1x48x256xi32, #tpu.memory_space<hbm>> -> memref<48x256xi32, #tpu.memory_space<hbm>>
    tpu.wait_dma2 semaphore(%arg11 : memref<!tpu.dma_semaphore, #tpu.memory_space<semaphore_mem>>) src(%dma_wait3A_78 : memref<48x256xi32, #tpu.memory_space<hbm>>) dst(%arg7 : memref<48x256xi32, #tpu.memory_space<vmem>>)
    %dma_wait3A_79 = arith.constant 0 : i32
    %dma_wait3A_80 = tpu.memref_slice %arg4[%select_n3A, %dma_wait3A_79, %mul3A_32] : memref<8x48x1024xi32, #tpu.memory_space<hbm>> -> memref<1x48x256xi32, #tpu.memory_space<hbm>>
    %dma_wait3A_81 = tpu.memref_squeeze %dma_wait3A_80 : memref<1x48x256xi32, #tpu.memory_space<hbm>> -> memref<48x256xi32, #tpu.memory_space<hbm>>
    %dma_wait3A_82 = arith.constant 0 : i32
    %dma_wait3A_83 = tpu.memref_slice %arg4[%select_n3A, %dma_wait3A_82, %mul3A_32] : memref<8x48x1024xi32, #tpu.memory_space<hbm>> -> memref<1x48x256xi32, #tpu.memory_space<hbm>>
    %dma_wait3A_84 = tpu.memref_squeeze %dma_wait3A_83 : memref<1x48x256xi32, #tpu.memory_space<hbm>> -> memref<48x256xi32, #tpu.memory_space<hbm>>
    tpu.wait_dma2 semaphore(%arg11 : memref<!tpu.dma_semaphore, #tpu.memory_space<semaphore_mem>>) src(%dma_wait3A_84 : memref<48x256xi32, #tpu.memory_space<hbm>>) dst(%arg8 : memref<48x256xi32, #tpu.memory_space<vmem>>)
    %iota3A_85 = tpu.iota {dimensions = array<i32: 0>} : vector<16xi32>
    %parallel_loop3A_86 = arith.constant 0 : i32
    %parallel_loop3A_87 = arith.constant 768 : i32
    %parallel_loop3A_88 = arith.constant 1 : i32
    scf.for %parallel_loop3A_956 = %parallel_loop3A_86 to %parallel_loop3A_87 step %parallel_loop3A_88  : i32 {
      %parallel_loop3A_957 = arith.constant 15 : i32
      %parallel_loop3A_958 = arith.andi %parallel_loop3A_956, %parallel_loop3A_957 : i32
      %parallel_loop3A_959 = arith.constant 4 : i32
      %parallel_loop3A_960 = arith.shrsi %parallel_loop3A_956, %parallel_loop3A_959 : i32
      %parallel_loop3A_961 = arith.constant 16 : i32
      %parallel_loop3A_962 = arith.muli %parallel_loop3A_958, %parallel_loop3A_961 : i32
      %parallel_loop3A_963 = vector.broadcast %parallel_loop3A_962 : i32 to vector<16xi32>
      %parallel_loop3A_964 = arith.addi %parallel_loop3A_963, %iota3A_85 : vector<16xi32>
      %parallel_loop3A_965 = arith.constant 16 : i32
      %parallel_loop3A_966 = arith.muli %parallel_loop3A_958, %parallel_loop3A_965 : i32
      %parallel_loop3A_967 = arith.addi %mul3A_32, %parallel_loop3A_966 : i32
      %parallel_loop3A_968 = arith.index_cast %parallel_loop3A_967 : i32 to index
      %parallel_loop3A_969 = tpu.vector_load %arg6[%parallel_loop3A_968] {strides = array<i32>} : memref<3072xf32, #tpu.memory_space<vmem>>, vector<16xf32>,
      %parallel_loop3A_970 = arith.constant 1024 : i32
      %parallel_loop3A_971 = arith.addi %parallel_loop3A_970, %parallel_loop3A_967 : i32
      %parallel_loop3A_972 = arith.index_cast %parallel_loop3A_971 : i32 to index
      %parallel_loop3A_973 = tpu.vector_load %arg6[%parallel_loop3A_972] {strides = array<i32>} : memref<3072xf32, #tpu.memory_space<vmem>>, vector<16xf32>,
      %parallel_loop3A_974 = arith.constant 2048 : i32
      %parallel_loop3A_975 = arith.addi %parallel_loop3A_974, %parallel_loop3A_967 : i32
      %parallel_loop3A_976 = arith.index_cast %parallel_loop3A_975 : i32 to index
      %parallel_loop3A_977 = tpu.vector_load %arg6[%parallel_loop3A_976] {strides = array<i32>} : memref<3072xf32, #tpu.memory_space<vmem>>, vector<16xf32>,
      %parallel_loop3A_978 = arith.constant 16 : i32
      %parallel_loop3A_979 = arith.muli %parallel_loop3A_958, %parallel_loop3A_978 : i32
      %parallel_loop3A_980 = arith.index_cast %parallel_loop3A_960 : i32 to index
      %parallel_loop3A_981 = arith.index_cast %parallel_loop3A_979 : i32 to index
      %parallel_loop3A_982 = tpu.vector_load %arg7[%parallel_loop3A_980, %parallel_loop3A_981] {strides = array<i32>} : memref<48x256xi32, #tpu.memory_space<vmem>>, vector<16xi32>,
      %parallel_loop3A_983 = arith.constant 16 : i32
      %parallel_loop3A_984 = arith.muli %parallel_loop3A_958, %parallel_loop3A_983 : i32
      %parallel_loop3A_985 = arith.index_cast %parallel_loop3A_960 : i32 to index
      %parallel_loop3A_986 = arith.index_cast %parallel_loop3A_984 : i32 to index
      %parallel_loop3A_987 = tpu.vector_load %arg8[%parallel_loop3A_985, %parallel_loop3A_986] {strides = array<i32>} : memref<48x256xi32, #tpu.memory_space<vmem>>, vector<16xi32>,
      %parallel_loop3A_988 = tpu.vector_load_idx %arg6[%parallel_loop3A_982] : memref<3072xf32, #tpu.memory_space<vmem>>[vector<16xi32>], vector<16xf32>,
      %parallel_loop3A_989 = arith.constant 1024 : i32
      %parallel_loop3A_990 = vector.broadcast %parallel_loop3A_989 : i32 to vector<16xi32>
      %parallel_loop3A_991 = arith.addi %parallel_loop3A_982, %parallel_loop3A_990 : vector<16xi32>
      %parallel_loop3A_992 = tpu.vector_load_idx %arg6[%parallel_loop3A_991] : memref<3072xf32, #tpu.memory_space<vmem>>[vector<16xi32>], vector<16xf32>,
      %parallel_loop3A_993 = arith.constant 2048 : i32
      %parallel_loop3A_994 = vector.broadcast %parallel_loop3A_993 : i32 to vector<16xi32>
      %parallel_loop3A_995 = arith.addi %parallel_loop3A_982, %parallel_loop3A_994 : vector<16xi32>
      %parallel_loop3A_996 = tpu.vector_load_idx %arg6[%parallel_loop3A_995] : memref<3072xf32, #tpu.memory_space<vmem>>[vector<16xi32>], vector<16xf32>,
      %parallel_loop3A_997 = arith.subf %parallel_loop3A_988, %parallel_loop3A_969 : vector<16xf32>
      %parallel_loop3A_998 = arith.subf %parallel_loop3A_992, %parallel_loop3A_973 : vector<16xf32>
      %parallel_loop3A_999 = arith.subf %parallel_loop3A_996, %parallel_loop3A_977 : vector<16xf32>
      %parallel_loop3A_1000 = arith.mulf %parallel_loop3A_997, %parallel_loop3A_997 : vector<16xf32>
      %parallel_loop3A_1001 = arith.mulf %parallel_loop3A_998, %parallel_loop3A_998 : vector<16xf32>
      %parallel_loop3A_1002 = arith.addf %parallel_loop3A_1000, %parallel_loop3A_1001 : vector<16xf32>
      %parallel_loop3A_1003 = arith.mulf %parallel_loop3A_999, %parallel_loop3A_999 : vector<16xf32>
      %parallel_loop3A_1004 = arith.addf %parallel_loop3A_1002, %parallel_loop3A_1003 : vector<16xf32>
      %parallel_loop3A_1005 = vector.bitcast %parallel_loop3A_1004 : vector<16xf32> to vector<16xi32>
      %parallel_loop3A_1006 = arith.constant 1 : i32
      %parallel_loop3A_1007 = vector.broadcast %parallel_loop3A_1006 : i32 to vector<16xi32>
      %parallel_loop3A_1008 = arith.shrsi %parallel_loop3A_1005, %parallel_loop3A_1007 : vector<16xi32>
      %parallel_loop3A_1009 = arith.constant 1597463007 : i32
      %parallel_loop3A_1010 = vector.broadcast %parallel_loop3A_1009 : i32 to vector<16xi32>
      %parallel_loop3A_1011 = arith.subi %parallel_loop3A_1010, %parallel_loop3A_1008 : vector<16xi32>
      %parallel_loop3A_1012 = vector.bitcast %parallel_loop3A_1011 : vector<16xi32> to vector<16xf32>
      %parallel_loop3A_1013 = arith.constant -5.000000e-01 : f32
      %parallel_loop3A_1014 = vector.broadcast %parallel_loop3A_1013 : f32 to vector<16xf32>
      %parallel_loop3A_1015 = arith.mulf %parallel_loop3A_1014, %parallel_loop3A_1004 : vector<16xf32>
      %parallel_loop3A_1016 = arith.mulf %parallel_loop3A_1015, %parallel_loop3A_1012 : vector<16xf32>
      %parallel_loop3A_1017 = arith.mulf %parallel_loop3A_1016, %parallel_loop3A_1012 : vector<16xf32>
      %parallel_loop3A_1018 = arith.constant 1.500000e+00 : f32
      %parallel_loop3A_1019 = vector.broadcast %parallel_loop3A_1018 : f32 to vector<16xf32>
      %parallel_loop3A_1020 = arith.addf %parallel_loop3A_1019, %parallel_loop3A_1017 : vector<16xf32>
      %parallel_loop3A_1021 = arith.mulf %parallel_loop3A_1012, %parallel_loop3A_1020 : vector<16xf32>
      %parallel_loop3A_1022 = arith.mulf %parallel_loop3A_1015, %parallel_loop3A_1021 : vector<16xf32>
      %parallel_loop3A_1023 = arith.mulf %parallel_loop3A_1022, %parallel_loop3A_1021 : vector<16xf32>
      %parallel_loop3A_1024 = arith.constant 1.500000e+00 : f32
      %parallel_loop3A_1025 = vector.broadcast %parallel_loop3A_1024 : f32 to vector<16xf32>
      %parallel_loop3A_1026 = arith.addf %parallel_loop3A_1025, %parallel_loop3A_1023 : vector<16xf32>
      %parallel_loop3A_1027 = arith.mulf %parallel_loop3A_1021, %parallel_loop3A_1026 : vector<16xf32>
      %parallel_loop3A_1028 = arith.mulf %parallel_loop3A_1004, %parallel_loop3A_1027 : vector<16xf32>
      %parallel_loop3A_1029 = arith.constant 0.0069444445 : f32
      %parallel_loop3A_1030 = vector.broadcast %parallel_loop3A_1029 : f32 to vector<16xf32>
      %parallel_loop3A_1031 = arith.mulf %parallel_loop3A_1004, %parallel_loop3A_1030 : vector<16xf32>
      %parallel_loop3A_1032 = arith.constant 1.000000e+00 : f32
      %parallel_loop3A_1033 = vector.broadcast %parallel_loop3A_1032 : f32 to vector<16xf32>
      %parallel_loop3A_1034 = arith.minimumf %parallel_loop3A_1031, %parallel_loop3A_1033 : vector<16xf32>
      %parallel_loop3A_1035 = arith.constant 7.9695537E-4 : f32
      %parallel_loop3A_1036 = vector.broadcast %parallel_loop3A_1035 : f32 to vector<16xf32>
      %parallel_loop3A_1037 = arith.mulf %parallel_loop3A_1036, %parallel_loop3A_1034 : vector<16xf32>
      %parallel_loop3A_1038 = arith.constant -0.0126794921 : f32
      %parallel_loop3A_1039 = vector.broadcast %parallel_loop3A_1038 : f32 to vector<16xf32>
      %parallel_loop3A_1040 = arith.addf %parallel_loop3A_1037, %parallel_loop3A_1039 : vector<16xf32>
      %parallel_loop3A_1041 = arith.mulf %parallel_loop3A_1040, %parallel_loop3A_1034 : vector<16xf32>
      %parallel_loop3A_1042 = arith.constant 0.117514901 : f32
      %parallel_loop3A_1043 = vector.broadcast %parallel_loop3A_1042 : f32 to vector<16xf32>
      %parallel_loop3A_1044 = arith.addf %parallel_loop3A_1041, %parallel_loop3A_1043 : vector<16xf32>
      %parallel_loop3A_1045 = arith.mulf %parallel_loop3A_1044, %parallel_loop3A_1034 : vector<16xf32>
      %parallel_loop3A_1046 = arith.constant -0.667579233 : f32
      %parallel_loop3A_1047 = vector.broadcast %parallel_loop3A_1046 : f32 to vector<16xf32>
      %parallel_loop3A_1048 = arith.addf %parallel_loop3A_1045, %parallel_loop3A_1047 : vector<16xf32>
      %parallel_loop3A_1049 = arith.mulf %parallel_loop3A_1048, %parallel_loop3A_1034 : vector<16xf32>
      %parallel_loop3A_1050 = arith.constant 2.02934742 : f32
      %parallel_loop3A_1051 = vector.broadcast %parallel_loop3A_1050 : f32 to vector<16xf32>
      %parallel_loop3A_1052 = arith.addf %parallel_loop3A_1049, %parallel_loop3A_1051 : vector<16xf32>
      %parallel_loop3A_1053 = arith.mulf %parallel_loop3A_1052, %parallel_loop3A_1034 : vector<16xf32>
      %parallel_loop3A_1054 = arith.constant -2.46740055 : f32
      %parallel_loop3A_1055 = vector.broadcast %parallel_loop3A_1054 : f32 to vector<16xf32>
      %parallel_loop3A_1056 = arith.addf %parallel_loop3A_1053, %parallel_loop3A_1055 : vector<16xf32>
      %parallel_loop3A_1057 = arith.mulf %parallel_loop3A_1056, %parallel_loop3A_1034 : vector<16xf32>
      %parallel_loop3A_1058 = arith.constant 1.000000e+00 : f32
      %parallel_loop3A_1059 = vector.broadcast %parallel_loop3A_1058 : f32 to vector<16xf32>
      %parallel_loop3A_1060 = arith.addf %parallel_loop3A_1057, %parallel_loop3A_1059 : vector<16xf32>
      %parallel_loop3A_1061 = tpu.vector_load_idx %arg10[%parallel_loop3A_987] : memref<16xi32, #tpu.memory_space<vmem>>[vector<16xi32>], vector<16xi32>,
      %parallel_loop3A_1062 = arith.constant 5.000000e-01 : f32
      %parallel_loop3A_1063 = vector.broadcast %parallel_loop3A_1062 : f32 to vector<16xf32>
      %parallel_loop3A_1064 = arith.addf %parallel_loop3A_1028, %parallel_loop3A_1063 : vector<16xf32>
      %parallel_loop3A_1065 = arith.fptosi %parallel_loop3A_1064 : vector<16xf32> to vector<16xi32>
      %parallel_loop3A_1066 = arith.constant 1 : i32
      %parallel_loop3A_1067 = arith.constant 10 : i32
      %parallel_loop3A_1068 = vector.broadcast %parallel_loop3A_1066 : i32 to vector<16xi32>
      %parallel_loop3A_1069 = arith.maxsi %parallel_loop3A_1068, %parallel_loop3A_1065 : vector<16xi32>
      %parallel_loop3A_1070 = vector.broadcast %parallel_loop3A_1067 : i32 to vector<16xi32>
      %parallel_loop3A_1071 = arith.minsi %parallel_loop3A_1070, %parallel_loop3A_1069 : vector<16xi32>
      %parallel_loop3A_1072 = arith.sitofp %parallel_loop3A_1071 : vector<16xi32> to vector<16xf32>
      %parallel_loop3A_1073 = arith.subf %parallel_loop3A_1028, %parallel_loop3A_1072 : vector<16xf32>
      %parallel_loop3A_1074 = arith.constant 3072 : i32
      %parallel_loop3A_1075 = vector.broadcast %parallel_loop3A_1074 : i32 to vector<16xi32>
      %parallel_loop3A_1076 = arith.muli %parallel_loop3A_1061, %parallel_loop3A_1075 : vector<16xi32>
      %parallel_loop3A_1077 = arith.constant 256 : i32
      %parallel_loop3A_1078 = vector.broadcast %parallel_loop3A_1077 : i32 to vector<16xi32>
      %parallel_loop3A_1079 = arith.muli %parallel_loop3A_1071, %parallel_loop3A_1078 : vector<16xi32>
      %parallel_loop3A_1080 = arith.addi %parallel_loop3A_1076, %parallel_loop3A_1079 : vector<16xi32>
      %parallel_loop3A_1081 = arith.addi %parallel_loop3A_1080, %parallel_loop3A_964 : vector<16xi32>
      %parallel_loop3A_1082 = arith.constant -1.000000e+00 : f32
      %parallel_loop3A_1083 = vector.broadcast %parallel_loop3A_1082 : f32 to vector<16xf32>
      %parallel_loop3A_1084 = arith.subf %parallel_loop3A_1073, %parallel_loop3A_1083 : vector<16xf32>
      %parallel_loop3A_1085 = arith.mulf %parallel_loop3A_1084, %parallel_loop3A_1084 : vector<16xf32>
      %parallel_loop3A_1086 = arith.constant -4.000000e+00 : f32
      %parallel_loop3A_1087 = vector.broadcast %parallel_loop3A_1086 : f32 to vector<16xf32>
      %parallel_loop3A_1088 = arith.mulf %parallel_loop3A_1085, %parallel_loop3A_1087 : vector<16xf32>
      %parallel_loop3A_1089 = math.exp %parallel_loop3A_1088 : vector<16xf32>
      %parallel_loop3A_1090 = arith.constant -256 : i32
      %parallel_loop3A_1091 = vector.broadcast %parallel_loop3A_1090 : i32 to vector<16xi32>
      %parallel_loop3A_1092 = arith.addi %parallel_loop3A_1081, %parallel_loop3A_1091 : vector<16xi32>
      %parallel_loop3A_1093 = arith.mulf %parallel_loop3A_1089, %parallel_loop3A_1060 : vector<16xf32>
      tpu.vector_store_idx %arg9[%parallel_loop3A_1092], %parallel_loop3A_1093 {add = true} : memref<15360xf32, #tpu.memory_space<vmem>>[vector<16xi32>], vector<16xf32>,
      %parallel_loop3A_1094 = arith.constant 0.000000e+00 : f32
      %parallel_loop3A_1095 = vector.broadcast %parallel_loop3A_1094 : f32 to vector<16xf32>
      %parallel_loop3A_1096 = arith.subf %parallel_loop3A_1073, %parallel_loop3A_1095 : vector<16xf32>
      %parallel_loop3A_1097 = arith.mulf %parallel_loop3A_1096, %parallel_loop3A_1096 : vector<16xf32>
      %parallel_loop3A_1098 = arith.constant -4.000000e+00 : f32
      %parallel_loop3A_1099 = vector.broadcast %parallel_loop3A_1098 : f32 to vector<16xf32>
      %parallel_loop3A_1100 = arith.mulf %parallel_loop3A_1097, %parallel_loop3A_1099 : vector<16xf32>
      %parallel_loop3A_1101 = math.exp %parallel_loop3A_1100 : vector<16xf32>
      %parallel_loop3A_1102 = arith.constant 0 : i32
      %parallel_loop3A_1103 = vector.broadcast %parallel_loop3A_1102 : i32 to vector<16xi32>
      %parallel_loop3A_1104 = arith.addi %parallel_loop3A_1081, %parallel_loop3A_1103 : vector<16xi32>
      %parallel_loop3A_1105 = arith.mulf %parallel_loop3A_1101, %parallel_loop3A_1060 : vector<16xf32>
      tpu.vector_store_idx %arg9[%parallel_loop3A_1104], %parallel_loop3A_1105 {add = true} : memref<15360xf32, #tpu.memory_space<vmem>>[vector<16xi32>], vector<16xf32>,
      %parallel_loop3A_1106 = arith.constant 1.000000e+00 : f32
      %parallel_loop3A_1107 = vector.broadcast %parallel_loop3A_1106 : f32 to vector<16xf32>
      %parallel_loop3A_1108 = arith.subf %parallel_loop3A_1073, %parallel_loop3A_1107 : vector<16xf32>
      %parallel_loop3A_1109 = arith.mulf %parallel_loop3A_1108, %parallel_loop3A_1108 : vector<16xf32>
      %parallel_loop3A_1110 = arith.constant -4.000000e+00 : f32
      %parallel_loop3A_1111 = vector.broadcast %parallel_loop3A_1110 : f32 to vector<16xf32>
      %parallel_loop3A_1112 = arith.mulf %parallel_loop3A_1109, %parallel_loop3A_1111 : vector<16xf32>
      %parallel_loop3A_1113 = math.exp %parallel_loop3A_1112 : vector<16xf32>
      %parallel_loop3A_1114 = arith.constant 256 : i32
      %parallel_loop3A_1115 = vector.broadcast %parallel_loop3A_1114 : i32 to vector<16xi32>
      %parallel_loop3A_1116 = arith.addi %parallel_loop3A_1081, %parallel_loop3A_1115 : vector<16xi32>
      %parallel_loop3A_1117 = arith.mulf %parallel_loop3A_1113, %parallel_loop3A_1060 : vector<16xf32>
      tpu.vector_store_idx %arg9[%parallel_loop3A_1116], %parallel_loop3A_1117 {add = true} : memref<15360xf32, #tpu.memory_space<vmem>>[vector<16xi32>], vector<16xf32>,
    } {sc.loop_unroll_factor = 3 : i64, sc.parallel_access}
    %mul3A_89 = arith.constant 1024 : i32
    %mul3A_90 = arith.muli %select_n3A, %mul3A_89 : i32
    %add3A_91 = arith.addi %mul3A_90, %mul3A_32 : i32
    %dma_start3A_92 = arith.constant 0 : i32
    %dma_start3A_93 = arith.constant 0 : i32
    %dma_start3A_94 = tpu.memref_slice %arg9[%dma_start3A_93] : memref<15360xf32, #tpu.memory_space<vmem>> -> memref<256xf32, #tpu.memory_space<vmem>>
    %dma_start3A_95 = tpu.memref_slice %arg5[%dma_start3A_92, %add3A_91] : memref<48x8192xf32, #tpu.memory_space<hbm>> -> memref<1x256xf32, #tpu.memory_space<hbm>>
    %dma_start3A_96 = tpu.memref_squeeze %dma_start3A_95 : memref<1x256xf32, #tpu.memory_space<hbm>> -> memref<256xf32, #tpu.memory_space<hbm>>
    %dma_start3A_97 = tpu.memref_slice %arg5[%dma_start3A_92, %add3A_91] : memref<48x8192xf32, #tpu.memory_space<hbm>> -> memref<1x256xf32, #tpu.memory_space<hbm>>
    %dma_start3A_98 = tpu.memref_squeeze %dma_start3A_97 : memref<1x256xf32, #tpu.memory_space<hbm>> -> memref<256xf32, #tpu.memory_space<hbm>>
    %dma_start3A_99 = arith.constant 0 : i32
    %dma_start3A_100 = tpu.memref_slice %arg9[%dma_start3A_99] : memref<15360xf32, #tpu.memory_space<vmem>> -> memref<256xf32, #tpu.memory_space<vmem>>
    tpu.enqueue_dma source(%dma_start3A_100 : memref<256xf32, #tpu.memory_space<vmem>>) target(%dma_start3A_98 : memref<256xf32, #tpu.memory_space<hbm>>) target_semaphore(%arg11 : memref<!tpu.dma_semaphore, #tpu.memory_space<semaphore_mem>>)
    %dma_start3A_101 = arith.constant 1 : i32
    %dma_start3A_102 = arith.constant 3072 : i32
    %dma_start3A_103 = tpu.memref_slice %arg9[%dma_start3A_102] : memref<15360xf32, #tpu.memory_space<vmem>> -> memref<256xf32, #tpu.memory_space<vmem>>
    %dma_start3A_104 = tpu.memref_slice %arg5[%dma_start3A_101, %add3A_91] : memref<48x8192xf32, #tpu.memory_space<hbm>> -> memref<1x256xf32, #tpu.memory_space<hbm>>
    %dma_start3A_105 = tpu.memref_squeeze %dma_start3A_104 : memref<1x256xf32, #tpu.memory_space<hbm>> -> memref<256xf32, #tpu.memory_space<hbm>>
    %dma_start3A_106 = tpu.memref_slice %arg5[%dma_start3A_101, %add3A_91] : memref<48x8192xf32, #tpu.memory_space<hbm>> -> memref<1x256xf32, #tpu.memory_space<hbm>>
    %dma_start3A_107 = tpu.memref_squeeze %dma_start3A_106 : memref<1x256xf32, #tpu.memory_space<hbm>> -> memref<256xf32, #tpu.memory_space<hbm>>
    %dma_start3A_108 = arith.constant 3072 : i32
    %dma_start3A_109 = tpu.memref_slice %arg9[%dma_start3A_108] : memref<15360xf32, #tpu.memory_space<vmem>> -> memref<256xf32, #tpu.memory_space<vmem>>
    tpu.enqueue_dma source(%dma_start3A_109 : memref<256xf32, #tpu.memory_space<vmem>>) target(%dma_start3A_107 : memref<256xf32, #tpu.memory_space<hbm>>) target_semaphore(%arg11 : memref<!tpu.dma_semaphore, #tpu.memory_space<semaphore_mem>>)
    %dma_start3A_110 = arith.constant 2 : i32
    %dma_start3A_111 = arith.constant 6144 : i32
    %dma_start3A_112 = tpu.memref_slice %arg9[%dma_start3A_111] : memref<15360xf32, #tpu.memory_space<vmem>> -> memref<256xf32, #tpu.memory_space<vmem>>
    %dma_start3A_113 = tpu.memref_slice %arg5[%dma_start3A_110, %add3A_91] : memref<48x8192xf32, #tpu.memory_space<hbm>> -> memref<1x256xf32, #tpu.memory_space<hbm>>
    %dma_start3A_114 = tpu.memref_squeeze %dma_start3A_113 : memref<1x256xf32, #tpu.memory_space<hbm>> -> memref<256xf32, #tpu.memory_space<hbm>>
    %dma_start3A_115 = tpu.memref_slice %arg5[%dma_start3A_110, %add3A_91] : memref<48x8192xf32, #tpu.memory_space<hbm>> -> memref<1x256xf32, #tpu.memory_space<hbm>>
    %dma_start3A_116 = tpu.memref_squeeze %dma_start3A_115 : memref<1x256xf32, #tpu.memory_space<hbm>> -> memref<256xf32, #tpu.memory_space<hbm>>
    %dma_start3A_117 = arith.constant 6144 : i32
    %dma_start3A_118 = tpu.memref_slice %arg9[%dma_start3A_117] : memref<15360xf32, #tpu.memory_space<vmem>> -> memref<256xf32, #tpu.memory_space<vmem>>
    tpu.enqueue_dma source(%dma_start3A_118 : memref<256xf32, #tpu.memory_space<vmem>>) target(%dma_start3A_116 : memref<256xf32, #tpu.memory_space<hbm>>) target_semaphore(%arg11 : memref<!tpu.dma_semaphore, #tpu.memory_space<semaphore_mem>>)
    %dma_start3A_119 = arith.constant 3 : i32
    %dma_start3A_120 = arith.constant 9216 : i32
    %dma_start3A_121 = tpu.memref_slice %arg9[%dma_start3A_120] : memref<15360xf32, #tpu.memory_space<vmem>> -> memref<256xf32, #tpu.memory_space<vmem>>
    %dma_start3A_122 = tpu.memref_slice %arg5[%dma_start3A_119, %add3A_91] : memref<48x8192xf32, #tpu.memory_space<hbm>> -> memref<1x256xf32, #tpu.memory_space<hbm>>
    %dma_start3A_123 = tpu.memref_squeeze %dma_start3A_122 : memref<1x256xf32, #tpu.memory_space<hbm>> -> memref<256xf32, #tpu.memory_space<hbm>>
    %dma_start3A_124 = tpu.memref_slice %arg5[%dma_start3A_119, %add3A_91] : memref<48x8192xf32, #tpu.memory_space<hbm>> -> memref<1x256xf32, #tpu.memory_space<hbm>>
    %dma_start3A_125 = tpu.memref_squeeze %dma_start3A_124 : memref<1x256xf32, #tpu.memory_space<hbm>> -> memref<256xf32, #tpu.memory_space<hbm>>
    %dma_start3A_126 = arith.constant 9216 : i32
    %dma_start3A_127 = tpu.memref_slice %arg9[%dma_start3A_126] : memref<15360xf32, #tpu.memory_space<vmem>> -> memref<256xf32, #tpu.memory_space<vmem>>
    tpu.enqueue_dma source(%dma_start3A_127 : memref<256xf32, #tpu.memory_space<vmem>>) target(%dma_start3A_125 : memref<256xf32, #tpu.memory_space<hbm>>) target_semaphore(%arg11 : memref<!tpu.dma_semaphore, #tpu.memory_space<semaphore_mem>>)
    %dma_start3A_128 = arith.constant 4 : i32
    %dma_start3A_129 = arith.constant 256 : i32
    %dma_start3A_130 = tpu.memref_slice %arg9[%dma_start3A_129] : memref<15360xf32, #tpu.memory_space<vmem>> -> memref<256xf32, #tpu.memory_space<vmem>>
    %dma_start3A_131 = tpu.memref_slice %arg5[%dma_start3A_128, %add3A_91] : memref<48x8192xf32, #tpu.memory_space<hbm>> -> memref<1x256xf32, #tpu.memory_space<hbm>>
    %dma_start3A_132 = tpu.memref_squeeze %dma_start3A_131 : memref<1x256xf32, #tpu.memory_space<hbm>> -> memref<256xf32, #tpu.memory_space<hbm>>
    %dma_start3A_133 = tpu.memref_slice %arg5[%dma_start3A_128, %add3A_91] : memref<48x8192xf32, #tpu.memory_space<hbm>> -> memref<1x256xf32, #tpu.memory_space<hbm>>
    %dma_start3A_134 = tpu.memref_squeeze %dma_start3A_133 : memref<1x256xf32, #tpu.memory_space<hbm>> -> memref<256xf32, #tpu.memory_space<hbm>>
    %dma_start3A_135 = arith.constant 256 : i32
    %dma_start3A_136 = tpu.memref_slice %arg9[%dma_start3A_135] : memref<15360xf32, #tpu.memory_space<vmem>> -> memref<256xf32, #tpu.memory_space<vmem>>
    tpu.enqueue_dma source(%dma_start3A_136 : memref<256xf32, #tpu.memory_space<vmem>>) target(%dma_start3A_134 : memref<256xf32, #tpu.memory_space<hbm>>) target_semaphore(%arg11 : memref<!tpu.dma_semaphore, #tpu.memory_space<semaphore_mem>>)
    %dma_start3A_137 = arith.constant 5 : i32
    %dma_start3A_138 = arith.constant 3328 : i32
    %dma_start3A_139 = tpu.memref_slice %arg9[%dma_start3A_138] : memref<15360xf32, #tpu.memory_space<vmem>> -> memref<256xf32, #tpu.memory_space<vmem>>
    %dma_start3A_140 = tpu.memref_slice %arg5[%dma_start3A_137, %add3A_91] : memref<48x8192xf32, #tpu.memory_space<hbm>> -> memref<1x256xf32, #tpu.memory_space<hbm>>
    %dma_start3A_141 = tpu.memref_squeeze %dma_start3A_140 : memref<1x256xf32, #tpu.memory_space<hbm>> -> memref<256xf32, #tpu.memory_space<hbm>>
    %dma_start3A_142 = tpu.memref_slice %arg5[%dma_start3A_137, %add3A_91] : memref<48x8192xf32, #tpu.memory_space<hbm>> -> memref<1x256xf32, #tpu.memory_space<hbm>>
    %dma_start3A_143 = tpu.memref_squeeze %dma_start3A_142 : memref<1x256xf32, #tpu.memory_space<hbm>> -> memref<256xf32, #tpu.memory_space<hbm>>
    %dma_start3A_144 = arith.constant 3328 : i32
    %dma_start3A_145 = tpu.memref_slice %arg9[%dma_start3A_144] : memref<15360xf32, #tpu.memory_space<vmem>> -> memref<256xf32, #tpu.memory_space<vmem>>
    tpu.enqueue_dma source(%dma_start3A_145 : memref<256xf32, #tpu.memory_space<vmem>>) target(%dma_start3A_143 : memref<256xf32, #tpu.memory_space<hbm>>) target_semaphore(%arg11 : memref<!tpu.dma_semaphore, #tpu.memory_space<semaphore_mem>>)
    %dma_start3A_146 = arith.constant 6 : i32
    %dma_start3A_147 = arith.constant 6400 : i32
    %dma_start3A_148 = tpu.memref_slice %arg9[%dma_start3A_147] : memref<15360xf32, #tpu.memory_space<vmem>> -> memref<256xf32, #tpu.memory_space<vmem>>
    %dma_start3A_149 = tpu.memref_slice %arg5[%dma_start3A_146, %add3A_91] : memref<48x8192xf32, #tpu.memory_space<hbm>> -> memref<1x256xf32, #tpu.memory_space<hbm>>
    %dma_start3A_150 = tpu.memref_squeeze %dma_start3A_149 : memref<1x256xf32, #tpu.memory_space<hbm>> -> memref<256xf32, #tpu.memory_space<hbm>>
    %dma_start3A_151 = tpu.memref_slice %arg5[%dma_start3A_146, %add3A_91] : memref<48x8192xf32, #tpu.memory_space<hbm>> -> memref<1x256xf32, #tpu.memory_space<hbm>>
    %dma_start3A_152 = tpu.memref_squeeze %dma_start3A_151 : memref<1x256xf32, #tpu.memory_space<hbm>> -> memref<256xf32, #tpu.memory_space<hbm>>
    %dma_start3A_153 = arith.constant 6400 : i32
    %dma_start3A_154 = tpu.memref_slice %arg9[%dma_start3A_153] : memref<15360xf32, #tpu.memory_space<vmem>> -> memref<256xf32, #tpu.memory_space<vmem>>
    tpu.enqueue_dma source(%dma_start3A_154 : memref<256xf32, #tpu.memory_space<vmem>>) target(%dma_start3A_152 : memref<256xf32, #tpu.memory_space<hbm>>) target_semaphore(%arg11 : memref<!tpu.dma_semaphore, #tpu.memory_space<semaphore_mem>>)
    %dma_start3A_155 = arith.constant 7 : i32
    %dma_start3A_156 = arith.constant 9472 : i32
    %dma_start3A_157 = tpu.memref_slice %arg9[%dma_start3A_156] : memref<15360xf32, #tpu.memory_space<vmem>> -> memref<256xf32, #tpu.memory_space<vmem>>
    %dma_start3A_158 = tpu.memref_slice %arg5[%dma_start3A_155, %add3A_91] : memref<48x8192xf32, #tpu.memory_space<hbm>> -> memref<1x256xf32, #tpu.memory_space<hbm>>
    %dma_start3A_159 = tpu.memref_squeeze %dma_start3A_158 : memref<1x256xf32, #tpu.memory_space<hbm>> -> memref<256xf32, #tpu.memory_space<hbm>>
    %dma_start3A_160 = tpu.memref_slice %arg5[%dma_start3A_155, %add3A_91] : memref<48x8192xf32, #tpu.memory_space<hbm>> -> memref<1x256xf32, #tpu.memory_space<hbm>>
    %dma_start3A_161 = tpu.memref_squeeze %dma_start3A_160 : memref<1x256xf32, #tpu.memory_space<hbm>> -> memref<256xf32, #tpu.memory_space<hbm>>
    %dma_start3A_162 = arith.constant 9472 : i32
    %dma_start3A_163 = tpu.memref_slice %arg9[%dma_start3A_162] : memref<15360xf32, #tpu.memory_space<vmem>> -> memref<256xf32, #tpu.memory_space<vmem>>
    tpu.enqueue_dma source(%dma_start3A_163 : memref<256xf32, #tpu.memory_space<vmem>>) target(%dma_start3A_161 : memref<256xf32, #tpu.memory_space<hbm>>) target_semaphore(%arg11 : memref<!tpu.dma_semaphore, #tpu.memory_space<semaphore_mem>>)
    %dma_start3A_164 = arith.constant 8 : i32
    %dma_start3A_165 = arith.constant 512 : i32
    %dma_start3A_166 = tpu.memref_slice %arg9[%dma_start3A_165] : memref<15360xf32, #tpu.memory_space<vmem>> -> memref<256xf32, #tpu.memory_space<vmem>>
    %dma_start3A_167 = tpu.memref_slice %arg5[%dma_start3A_164, %add3A_91] : memref<48x8192xf32, #tpu.memory_space<hbm>> -> memref<1x256xf32, #tpu.memory_space<hbm>>
    %dma_start3A_168 = tpu.memref_squeeze %dma_start3A_167 : memref<1x256xf32, #tpu.memory_space<hbm>> -> memref<256xf32, #tpu.memory_space<hbm>>
    %dma_start3A_169 = tpu.memref_slice %arg5[%dma_start3A_164, %add3A_91] : memref<48x8192xf32, #tpu.memory_space<hbm>> -> memref<1x256xf32, #tpu.memory_space<hbm>>
    %dma_start3A_170 = tpu.memref_squeeze %dma_start3A_169 : memref<1x256xf32, #tpu.memory_space<hbm>> -> memref<256xf32, #tpu.memory_space<hbm>>
    %dma_start3A_171 = arith.constant 512 : i32
    %dma_start3A_172 = tpu.memref_slice %arg9[%dma_start3A_171] : memref<15360xf32, #tpu.memory_space<vmem>> -> memref<256xf32, #tpu.memory_space<vmem>>
    tpu.enqueue_dma source(%dma_start3A_172 : memref<256xf32, #tpu.memory_space<vmem>>) target(%dma_start3A_170 : memref<256xf32, #tpu.memory_space<hbm>>) target_semaphore(%arg11 : memref<!tpu.dma_semaphore, #tpu.memory_space<semaphore_mem>>)
    %dma_start3A_173 = arith.constant 9 : i32
    %dma_start3A_174 = arith.constant 3584 : i32
    %dma_start3A_175 = tpu.memref_slice %arg9[%dma_start3A_174] : memref<15360xf32, #tpu.memory_space<vmem>> -> memref<256xf32, #tpu.memory_space<vmem>>
    %dma_start3A_176 = tpu.memref_slice %arg5[%dma_start3A_173, %add3A_91] : memref<48x8192xf32, #tpu.memory_space<hbm>> -> memref<1x256xf32, #tpu.memory_space<hbm>>
    %dma_start3A_177 = tpu.memref_squeeze %dma_start3A_176 : memref<1x256xf32, #tpu.memory_space<hbm>> -> memref<256xf32, #tpu.memory_space<hbm>>
    %dma_start3A_178 = tpu.memref_slice %arg5[%dma_start3A_173, %add3A_91] : memref<48x8192xf32, #tpu.memory_space<hbm>> -> memref<1x256xf32, #tpu.memory_space<hbm>>
    %dma_start3A_179 = tpu.memref_squeeze %dma_start3A_178 : memref<1x256xf32, #tpu.memory_space<hbm>> -> memref<256xf32, #tpu.memory_space<hbm>>
    %dma_start3A_180 = arith.constant 3584 : i32
    %dma_start3A_181 = tpu.memref_slice %arg9[%dma_start3A_180] : memref<15360xf32, #tpu.memory_space<vmem>> -> memref<256xf32, #tpu.memory_space<vmem>>
    tpu.enqueue_dma source(%dma_start3A_181 : memref<256xf32, #tpu.memory_space<vmem>>) target(%dma_start3A_179 : memref<256xf32, #tpu.memory_space<hbm>>) target_semaphore(%arg11 : memref<!tpu.dma_semaphore, #tpu.memory_space<semaphore_mem>>)
    %dma_start3A_182 = arith.constant 10 : i32
    %dma_start3A_183 = arith.constant 6656 : i32
    %dma_start3A_184 = tpu.memref_slice %arg9[%dma_start3A_183] : memref<15360xf32, #tpu.memory_space<vmem>> -> memref<256xf32, #tpu.memory_space<vmem>>
    %dma_start3A_185 = tpu.memref_slice %arg5[%dma_start3A_182, %add3A_91] : memref<48x8192xf32, #tpu.memory_space<hbm>> -> memref<1x256xf32, #tpu.memory_space<hbm>>
    %dma_start3A_186 = tpu.memref_squeeze %dma_start3A_185 : memref<1x256xf32, #tpu.memory_space<hbm>> -> memref<256xf32, #tpu.memory_space<hbm>>
    %dma_start3A_187 = tpu.memref_slice %arg5[%dma_start3A_182, %add3A_91] : memref<48x8192xf32, #tpu.memory_space<hbm>> -> memref<1x256xf32, #tpu.memory_space<hbm>>
    %dma_start3A_188 = tpu.memref_squeeze %dma_start3A_187 : memref<1x256xf32, #tpu.memory_space<hbm>> -> memref<256xf32, #tpu.memory_space<hbm>>
    %dma_start3A_189 = arith.constant 6656 : i32
    %dma_start3A_190 = tpu.memref_slice %arg9[%dma_start3A_189] : memref<15360xf32, #tpu.memory_space<vmem>> -> memref<256xf32, #tpu.memory_space<vmem>>
    tpu.enqueue_dma source(%dma_start3A_190 : memref<256xf32, #tpu.memory_space<vmem>>) target(%dma_start3A_188 : memref<256xf32, #tpu.memory_space<hbm>>) target_semaphore(%arg11 : memref<!tpu.dma_semaphore, #tpu.memory_space<semaphore_mem>>)
    %dma_start3A_191 = arith.constant 11 : i32
    %dma_start3A_192 = arith.constant 9728 : i32
    %dma_start3A_193 = tpu.memref_slice %arg9[%dma_start3A_192] : memref<15360xf32, #tpu.memory_space<vmem>> -> memref<256xf32, #tpu.memory_space<vmem>>
    %dma_start3A_194 = tpu.memref_slice %arg5[%dma_start3A_191, %add3A_91] : memref<48x8192xf32, #tpu.memory_space<hbm>> -> memref<1x256xf32, #tpu.memory_space<hbm>>
    %dma_start3A_195 = tpu.memref_squeeze %dma_start3A_194 : memref<1x256xf32, #tpu.memory_space<hbm>> -> memref<256xf32, #tpu.memory_space<hbm>>
    %dma_start3A_196 = tpu.memref_slice %arg5[%dma_start3A_191, %add3A_91] : memref<48x8192xf32, #tpu.memory_space<hbm>> -> memref<1x256xf32, #tpu.memory_space<hbm>>
    %dma_start3A_197 = tpu.memref_squeeze %dma_start3A_196 : memref<1x256xf32, #tpu.memory_space<hbm>> -> memref<256xf32, #tpu.memory_space<hbm>>
    %dma_start3A_198 = arith.constant 9728 : i32
    %dma_start3A_199 = tpu.memref_slice %arg9[%dma_start3A_198] : memref<15360xf32, #tpu.memory_space<vmem>> -> memref<256xf32, #tpu.memory_space<vmem>>
    tpu.enqueue_dma source(%dma_start3A_199 : memref<256xf32, #tpu.memory_space<vmem>>) target(%dma_start3A_197 : memref<256xf32, #tpu.memory_space<hbm>>) target_semaphore(%arg11 : memref<!tpu.dma_semaphore, #tpu.memory_space<semaphore_mem>>)
    %dma_start3A_200 = arith.constant 12 : i32
    %dma_start3A_201 = arith.constant 768 : i32
    %dma_start3A_202 = tpu.memref_slice %arg9[%dma_start3A_201] : memref<15360xf32, #tpu.memory_space<vmem>> -> memref<256xf32, #tpu.memory_space<vmem>>
    %dma_start3A_203 = tpu.memref_slice %arg5[%dma_start3A_200, %add3A_91] : memref<48x8192xf32, #tpu.memory_space<hbm>> -> memref<1x256xf32, #tpu.memory_space<hbm>>
    %dma_start3A_204 = tpu.memref_squeeze %dma_start3A_203 : memref<1x256xf32, #tpu.memory_space<hbm>> -> memref<256xf32, #tpu.memory_space<hbm>>
    %dma_start3A_205 = tpu.memref_slice %arg5[%dma_start3A_200, %add3A_91] : memref<48x8192xf32, #tpu.memory_space<hbm>> -> memref<1x256xf32, #tpu.memory_space<hbm>>
    %dma_start3A_206 = tpu.memref_squeeze %dma_start3A_205 : memref<1x256xf32, #tpu.memory_space<hbm>> -> memref<256xf32, #tpu.memory_space<hbm>>
    %dma_start3A_207 = arith.constant 768 : i32
    %dma_start3A_208 = tpu.memref_slice %arg9[%dma_start3A_207] : memref<15360xf32, #tpu.memory_space<vmem>> -> memref<256xf32, #tpu.memory_space<vmem>>
    tpu.enqueue_dma source(%dma_start3A_208 : memref<256xf32, #tpu.memory_space<vmem>>) target(%dma_start3A_206 : memref<256xf32, #tpu.memory_space<hbm>>) target_semaphore(%arg11 : memref<!tpu.dma_semaphore, #tpu.memory_space<semaphore_mem>>)
    %dma_start3A_209 = arith.constant 13 : i32
    %dma_start3A_210 = arith.constant 3840 : i32
    %dma_start3A_211 = tpu.memref_slice %arg9[%dma_start3A_210] : memref<15360xf32, #tpu.memory_space<vmem>> -> memref<256xf32, #tpu.memory_space<vmem>>
    %dma_start3A_212 = tpu.memref_slice %arg5[%dma_start3A_209, %add3A_91] : memref<48x8192xf32, #tpu.memory_space<hbm>> -> memref<1x256xf32, #tpu.memory_space<hbm>>
    %dma_start3A_213 = tpu.memref_squeeze %dma_start3A_212 : memref<1x256xf32, #tpu.memory_space<hbm>> -> memref<256xf32, #tpu.memory_space<hbm>>
    %dma_start3A_214 = tpu.memref_slice %arg5[%dma_start3A_209, %add3A_91] : memref<48x8192xf32, #tpu.memory_space<hbm>> -> memref<1x256xf32, #tpu.memory_space<hbm>>
    %dma_start3A_215 = tpu.memref_squeeze %dma_start3A_214 : memref<1x256xf32, #tpu.memory_space<hbm>> -> memref<256xf32, #tpu.memory_space<hbm>>
    %dma_start3A_216 = arith.constant 3840 : i32
    %dma_start3A_217 = tpu.memref_slice %arg9[%dma_start3A_216] : memref<15360xf32, #tpu.memory_space<vmem>> -> memref<256xf32, #tpu.memory_space<vmem>>
    tpu.enqueue_dma source(%dma_start3A_217 : memref<256xf32, #tpu.memory_space<vmem>>) target(%dma_start3A_215 : memref<256xf32, #tpu.memory_space<hbm>>) target_semaphore(%arg11 : memref<!tpu.dma_semaphore, #tpu.memory_space<semaphore_mem>>)
    %dma_start3A_218 = arith.constant 14 : i32
    %dma_start3A_219 = arith.constant 6912 : i32
    %dma_start3A_220 = tpu.memref_slice %arg9[%dma_start3A_219] : memref<15360xf32, #tpu.memory_space<vmem>> -> memref<256xf32, #tpu.memory_space<vmem>>
    %dma_start3A_221 = tpu.memref_slice %arg5[%dma_start3A_218, %add3A_91] : memref<48x8192xf32, #tpu.memory_space<hbm>> -> memref<1x256xf32, #tpu.memory_space<hbm>>
    %dma_start3A_222 = tpu.memref_squeeze %dma_start3A_221 : memref<1x256xf32, #tpu.memory_space<hbm>> -> memref<256xf32, #tpu.memory_space<hbm>>
    %dma_start3A_223 = tpu.memref_slice %arg5[%dma_start3A_218, %add3A_91] : memref<48x8192xf32, #tpu.memory_space<hbm>> -> memref<1x256xf32, #tpu.memory_space<hbm>>
    %dma_start3A_224 = tpu.memref_squeeze %dma_start3A_223 : memref<1x256xf32, #tpu.memory_space<hbm>> -> memref<256xf32, #tpu.memory_space<hbm>>
    %dma_start3A_225 = arith.constant 6912 : i32
    %dma_start3A_226 = tpu.memref_slice %arg9[%dma_start3A_225] : memref<15360xf32, #tpu.memory_space<vmem>> -> memref<256xf32, #tpu.memory_space<vmem>>
    tpu.enqueue_dma source(%dma_start3A_226 : memref<256xf32, #tpu.memory_space<vmem>>) target(%dma_start3A_224 : memref<256xf32, #tpu.memory_space<hbm>>) target_semaphore(%arg11 : memref<!tpu.dma_semaphore, #tpu.memory_space<semaphore_mem>>)
    %dma_start3A_227 = arith.constant 15 : i32
    %dma_start3A_228 = arith.constant 9984 : i32
    %dma_start3A_229 = tpu.memref_slice %arg9[%dma_start3A_228] : memref<15360xf32, #tpu.memory_space<vmem>> -> memref<256xf32, #tpu.memory_space<vmem>>
    %dma_start3A_230 = tpu.memref_slice %arg5[%dma_start3A_227, %add3A_91] : memref<48x8192xf32, #tpu.memory_space<hbm>> -> memref<1x256xf32, #tpu.memory_space<hbm>>
    %dma_start3A_231 = tpu.memref_squeeze %dma_start3A_230 : memref<1x256xf32, #tpu.memory_space<hbm>> -> memref<256xf32, #tpu.memory_space<hbm>>
    %dma_start3A_232 = tpu.memref_slice %arg5[%dma_start3A_227, %add3A_91] : memref<48x8192xf32, #tpu.memory_space<hbm>> -> memref<1x256xf32, #tpu.memory_space<hbm>>
    %dma_start3A_233 = tpu.memref_squeeze %dma_start3A_232 : memref<1x256xf32, #tpu.memory_space<hbm>> -> memref<256xf32, #tpu.memory_space<hbm>>
    %dma_start3A_234 = arith.constant 9984 : i32
    %dma_start3A_235 = tpu.memref_slice %arg9[%dma_start3A_234] : memref<15360xf32, #tpu.memory_space<vmem>> -> memref<256xf32, #tpu.memory_space<vmem>>
    tpu.enqueue_dma source(%dma_start3A_235 : memref<256xf32, #tpu.memory_space<vmem>>) target(%dma_start3A_233 : memref<256xf32, #tpu.memory_space<hbm>>) target_semaphore(%arg11 : memref<!tpu.dma_semaphore, #tpu.memory_space<semaphore_mem>>)
    %dma_start3A_236 = arith.constant 16 : i32
    %dma_start3A_237 = arith.constant 1024 : i32
    %dma_start3A_238 = tpu.memref_slice %arg9[%dma_start3A_237] : memref<15360xf32, #tpu.memory_space<vmem>> -> memref<256xf32, #tpu.memory_space<vmem>>
    %dma_start3A_239 = tpu.memref_slice %arg5[%dma_start3A_236, %add3A_91] : memref<48x8192xf32, #tpu.memory_space<hbm>> -> memref<1x256xf32, #tpu.memory_space<hbm>>
    %dma_start3A_240 = tpu.memref_squeeze %dma_start3A_239 : memref<1x256xf32, #tpu.memory_space<hbm>> -> memref<256xf32, #tpu.memory_space<hbm>>
    %dma_start3A_241 = tpu.memref_slice %arg5[%dma_start3A_236, %add3A_91] : memref<48x8192xf32, #tpu.memory_space<hbm>> -> memref<1x256xf32, #tpu.memory_space<hbm>>
    %dma_start3A_242 = tpu.memref_squeeze %dma_start3A_241 : memref<1x256xf32, #tpu.memory_space<hbm>> -> memref<256xf32, #tpu.memory_space<hbm>>
    %dma_start3A_243 = arith.constant 1024 : i32
    %dma_start3A_244 = tpu.memref_slice %arg9[%dma_start3A_243] : memref<15360xf32, #tpu.memory_space<vmem>> -> memref<256xf32, #tpu.memory_space<vmem>>
    tpu.enqueue_dma source(%dma_start3A_244 : memref<256xf32, #tpu.memory_space<vmem>>) target(%dma_start3A_242 : memref<256xf32, #tpu.memory_space<hbm>>) target_semaphore(%arg11 : memref<!tpu.dma_semaphore, #tpu.memory_space<semaphore_mem>>)
    %dma_start3A_245 = arith.constant 17 : i32
    %dma_start3A_246 = arith.constant 4096 : i32
    %dma_start3A_247 = tpu.memref_slice %arg9[%dma_start3A_246] : memref<15360xf32, #tpu.memory_space<vmem>> -> memref<256xf32, #tpu.memory_space<vmem>>
    %dma_start3A_248 = tpu.memref_slice %arg5[%dma_start3A_245, %add3A_91] : memref<48x8192xf32, #tpu.memory_space<hbm>> -> memref<1x256xf32, #tpu.memory_space<hbm>>
    %dma_start3A_249 = tpu.memref_squeeze %dma_start3A_248 : memref<1x256xf32, #tpu.memory_space<hbm>> -> memref<256xf32, #tpu.memory_space<hbm>>
    %dma_start3A_250 = tpu.memref_slice %arg5[%dma_start3A_245, %add3A_91] : memref<48x8192xf32, #tpu.memory_space<hbm>> -> memref<1x256xf32, #tpu.memory_space<hbm>>
    %dma_start3A_251 = tpu.memref_squeeze %dma_start3A_250 : memref<1x256xf32, #tpu.memory_space<hbm>> -> memref<256xf32, #tpu.memory_space<hbm>>
    %dma_start3A_252 = arith.constant 4096 : i32
    %dma_start3A_253 = tpu.memref_slice %arg9[%dma_start3A_252] : memref<15360xf32, #tpu.memory_space<vmem>> -> memref<256xf32, #tpu.memory_space<vmem>>
    tpu.enqueue_dma source(%dma_start3A_253 : memref<256xf32, #tpu.memory_space<vmem>>) target(%dma_start3A_251 : memref<256xf32, #tpu.memory_space<hbm>>) target_semaphore(%arg11 : memref<!tpu.dma_semaphore, #tpu.memory_space<semaphore_mem>>)
    %dma_start3A_254 = arith.constant 18 : i32
    %dma_start3A_255 = arith.constant 7168 : i32
    %dma_start3A_256 = tpu.memref_slice %arg9[%dma_start3A_255] : memref<15360xf32, #tpu.memory_space<vmem>> -> memref<256xf32, #tpu.memory_space<vmem>>
    %dma_start3A_257 = tpu.memref_slice %arg5[%dma_start3A_254, %add3A_91] : memref<48x8192xf32, #tpu.memory_space<hbm>> -> memref<1x256xf32, #tpu.memory_space<hbm>>
    %dma_start3A_258 = tpu.memref_squeeze %dma_start3A_257 : memref<1x256xf32, #tpu.memory_space<hbm>> -> memref<256xf32, #tpu.memory_space<hbm>>
    %dma_start3A_259 = tpu.memref_slice %arg5[%dma_start3A_254, %add3A_91] : memref<48x8192xf32, #tpu.memory_space<hbm>> -> memref<1x256xf32, #tpu.memory_space<hbm>>
    %dma_start3A_260 = tpu.memref_squeeze %dma_start3A_259 : memref<1x256xf32, #tpu.memory_space<hbm>> -> memref<256xf32, #tpu.memory_space<hbm>>
    %dma_start3A_261 = arith.constant 7168 : i32
    %dma_start3A_262 = tpu.memref_slice %arg9[%dma_start3A_261] : memref<15360xf32, #tpu.memory_space<vmem>> -> memref<256xf32, #tpu.memory_space<vmem>>
    tpu.enqueue_dma source(%dma_start3A_262 : memref<256xf32, #tpu.memory_space<vmem>>) target(%dma_start3A_260 : memref<256xf32, #tpu.memory_space<hbm>>) target_semaphore(%arg11 : memref<!tpu.dma_semaphore, #tpu.memory_space<semaphore_mem>>)
    %dma_start3A_263 = arith.constant 19 : i32
    %dma_start3A_264 = arith.constant 10240 : i32
    %dma_start3A_265 = tpu.memref_slice %arg9[%dma_start3A_264] : memref<15360xf32, #tpu.memory_space<vmem>> -> memref<256xf32, #tpu.memory_space<vmem>>
    %dma_start3A_266 = tpu.memref_slice %arg5[%dma_start3A_263, %add3A_91] : memref<48x8192xf32, #tpu.memory_space<hbm>> -> memref<1x256xf32, #tpu.memory_space<hbm>>
    %dma_start3A_267 = tpu.memref_squeeze %dma_start3A_266 : memref<1x256xf32, #tpu.memory_space<hbm>> -> memref<256xf32, #tpu.memory_space<hbm>>
    %dma_start3A_268 = tpu.memref_slice %arg5[%dma_start3A_263, %add3A_91] : memref<48x8192xf32, #tpu.memory_space<hbm>> -> memref<1x256xf32, #tpu.memory_space<hbm>>
    %dma_start3A_269 = tpu.memref_squeeze %dma_start3A_268 : memref<1x256xf32, #tpu.memory_space<hbm>> -> memref<256xf32, #tpu.memory_space<hbm>>
    %dma_start3A_270 = arith.constant 10240 : i32
    %dma_start3A_271 = tpu.memref_slice %arg9[%dma_start3A_270] : memref<15360xf32, #tpu.memory_space<vmem>> -> memref<256xf32, #tpu.memory_space<vmem>>
    tpu.enqueue_dma source(%dma_start3A_271 : memref<256xf32, #tpu.memory_space<vmem>>) target(%dma_start3A_269 : memref<256xf32, #tpu.memory_space<hbm>>) target_semaphore(%arg11 : memref<!tpu.dma_semaphore, #tpu.memory_space<semaphore_mem>>)
    %dma_start3A_272 = arith.constant 20 : i32
    %dma_start3A_273 = arith.constant 1280 : i32
    %dma_start3A_274 = tpu.memref_slice %arg9[%dma_start3A_273] : memref<15360xf32, #tpu.memory_space<vmem>> -> memref<256xf32, #tpu.memory_space<vmem>>
    %dma_start3A_275 = tpu.memref_slice %arg5[%dma_start3A_272, %add3A_91] : memref<48x8192xf32, #tpu.memory_space<hbm>> -> memref<1x256xf32, #tpu.memory_space<hbm>>
    %dma_start3A_276 = tpu.memref_squeeze %dma_start3A_275 : memref<1x256xf32, #tpu.memory_space<hbm>> -> memref<256xf32, #tpu.memory_space<hbm>>
    %dma_start3A_277 = tpu.memref_slice %arg5[%dma_start3A_272, %add3A_91] : memref<48x8192xf32, #tpu.memory_space<hbm>> -> memref<1x256xf32, #tpu.memory_space<hbm>>
    %dma_start3A_278 = tpu.memref_squeeze %dma_start3A_277 : memref<1x256xf32, #tpu.memory_space<hbm>> -> memref<256xf32, #tpu.memory_space<hbm>>
    %dma_start3A_279 = arith.constant 1280 : i32
    %dma_start3A_280 = tpu.memref_slice %arg9[%dma_start3A_279] : memref<15360xf32, #tpu.memory_space<vmem>> -> memref<256xf32, #tpu.memory_space<vmem>>
    tpu.enqueue_dma source(%dma_start3A_280 : memref<256xf32, #tpu.memory_space<vmem>>) target(%dma_start3A_278 : memref<256xf32, #tpu.memory_space<hbm>>) target_semaphore(%arg11 : memref<!tpu.dma_semaphore, #tpu.memory_space<semaphore_mem>>)
    %dma_start3A_281 = arith.constant 21 : i32
    %dma_start3A_282 = arith.constant 4352 : i32
    %dma_start3A_283 = tpu.memref_slice %arg9[%dma_start3A_282] : memref<15360xf32, #tpu.memory_space<vmem>> -> memref<256xf32, #tpu.memory_space<vmem>>
    %dma_start3A_284 = tpu.memref_slice %arg5[%dma_start3A_281, %add3A_91] : memref<48x8192xf32, #tpu.memory_space<hbm>> -> memref<1x256xf32, #tpu.memory_space<hbm>>
    %dma_start3A_285 = tpu.memref_squeeze %dma_start3A_284 : memref<1x256xf32, #tpu.memory_space<hbm>> -> memref<256xf32, #tpu.memory_space<hbm>>
    %dma_start3A_286 = tpu.memref_slice %arg5[%dma_start3A_281, %add3A_91] : memref<48x8192xf32, #tpu.memory_space<hbm>> -> memref<1x256xf32, #tpu.memory_space<hbm>>
    %dma_start3A_287 = tpu.memref_squeeze %dma_start3A_286 : memref<1x256xf32, #tpu.memory_space<hbm>> -> memref<256xf32, #tpu.memory_space<hbm>>
    %dma_start3A_288 = arith.constant 4352 : i32
    %dma_start3A_289 = tpu.memref_slice %arg9[%dma_start3A_288] : memref<15360xf32, #tpu.memory_space<vmem>> -> memref<256xf32, #tpu.memory_space<vmem>>
    tpu.enqueue_dma source(%dma_start3A_289 : memref<256xf32, #tpu.memory_space<vmem>>) target(%dma_start3A_287 : memref<256xf32, #tpu.memory_space<hbm>>) target_semaphore(%arg11 : memref<!tpu.dma_semaphore, #tpu.memory_space<semaphore_mem>>)
    %dma_start3A_290 = arith.constant 22 : i32
    %dma_start3A_291 = arith.constant 7424 : i32
    %dma_start3A_292 = tpu.memref_slice %arg9[%dma_start3A_291] : memref<15360xf32, #tpu.memory_space<vmem>> -> memref<256xf32, #tpu.memory_space<vmem>>
    %dma_start3A_293 = tpu.memref_slice %arg5[%dma_start3A_290, %add3A_91] : memref<48x8192xf32, #tpu.memory_space<hbm>> -> memref<1x256xf32, #tpu.memory_space<hbm>>
    %dma_start3A_294 = tpu.memref_squeeze %dma_start3A_293 : memref<1x256xf32, #tpu.memory_space<hbm>> -> memref<256xf32, #tpu.memory_space<hbm>>
    %dma_start3A_295 = tpu.memref_slice %arg5[%dma_start3A_290, %add3A_91] : memref<48x8192xf32, #tpu.memory_space<hbm>> -> memref<1x256xf32, #tpu.memory_space<hbm>>
    %dma_start3A_296 = tpu.memref_squeeze %dma_start3A_295 : memref<1x256xf32, #tpu.memory_space<hbm>> -> memref<256xf32, #tpu.memory_space<hbm>>
    %dma_start3A_297 = arith.constant 7424 : i32
    %dma_start3A_298 = tpu.memref_slice %arg9[%dma_start3A_297] : memref<15360xf32, #tpu.memory_space<vmem>> -> memref<256xf32, #tpu.memory_space<vmem>>
    tpu.enqueue_dma source(%dma_start3A_298 : memref<256xf32, #tpu.memory_space<vmem>>) target(%dma_start3A_296 : memref<256xf32, #tpu.memory_space<hbm>>) target_semaphore(%arg11 : memref<!tpu.dma_semaphore, #tpu.memory_space<semaphore_mem>>)
    %dma_start3A_299 = arith.constant 23 : i32
    %dma_start3A_300 = arith.constant 10496 : i32
    %dma_start3A_301 = tpu.memref_slice %arg9[%dma_start3A_300] : memref<15360xf32, #tpu.memory_space<vmem>> -> memref<256xf32, #tpu.memory_space<vmem>>
    %dma_start3A_302 = tpu.memref_slice %arg5[%dma_start3A_299, %add3A_91] : memref<48x8192xf32, #tpu.memory_space<hbm>> -> memref<1x256xf32, #tpu.memory_space<hbm>>
    %dma_start3A_303 = tpu.memref_squeeze %dma_start3A_302 : memref<1x256xf32, #tpu.memory_space<hbm>> -> memref<256xf32, #tpu.memory_space<hbm>>
    %dma_start3A_304 = tpu.memref_slice %arg5[%dma_start3A_299, %add3A_91] : memref<48x8192xf32, #tpu.memory_space<hbm>> -> memref<1x256xf32, #tpu.memory_space<hbm>>
    %dma_start3A_305 = tpu.memref_squeeze %dma_start3A_304 : memref<1x256xf32, #tpu.memory_space<hbm>> -> memref<256xf32, #tpu.memory_space<hbm>>
    %dma_start3A_306 = arith.constant 10496 : i32
    %dma_start3A_307 = tpu.memref_slice %arg9[%dma_start3A_306] : memref<15360xf32, #tpu.memory_space<vmem>> -> memref<256xf32, #tpu.memory_space<vmem>>
    tpu.enqueue_dma source(%dma_start3A_307 : memref<256xf32, #tpu.memory_space<vmem>>) target(%dma_start3A_305 : memref<256xf32, #tpu.memory_space<hbm>>) target_semaphore(%arg11 : memref<!tpu.dma_semaphore, #tpu.memory_space<semaphore_mem>>)
    %dma_start3A_308 = arith.constant 24 : i32
    %dma_start3A_309 = arith.constant 1536 : i32
    %dma_start3A_310 = tpu.memref_slice %arg9[%dma_start3A_309] : memref<15360xf32, #tpu.memory_space<vmem>> -> memref<256xf32, #tpu.memory_space<vmem>>
    %dma_start3A_311 = tpu.memref_slice %arg5[%dma_start3A_308, %add3A_91] : memref<48x8192xf32, #tpu.memory_space<hbm>> -> memref<1x256xf32, #tpu.memory_space<hbm>>
    %dma_start3A_312 = tpu.memref_squeeze %dma_start3A_311 : memref<1x256xf32, #tpu.memory_space<hbm>> -> memref<256xf32, #tpu.memory_space<hbm>>
    %dma_start3A_313 = tpu.memref_slice %arg5[%dma_start3A_308, %add3A_91] : memref<48x8192xf32, #tpu.memory_space<hbm>> -> memref<1x256xf32, #tpu.memory_space<hbm>>
    %dma_start3A_314 = tpu.memref_squeeze %dma_start3A_313 : memref<1x256xf32, #tpu.memory_space<hbm>> -> memref<256xf32, #tpu.memory_space<hbm>>
    %dma_start3A_315 = arith.constant 1536 : i32
    %dma_start3A_316 = tpu.memref_slice %arg9[%dma_start3A_315] : memref<15360xf32, #tpu.memory_space<vmem>> -> memref<256xf32, #tpu.memory_space<vmem>>
    tpu.enqueue_dma source(%dma_start3A_316 : memref<256xf32, #tpu.memory_space<vmem>>) target(%dma_start3A_314 : memref<256xf32, #tpu.memory_space<hbm>>) target_semaphore(%arg11 : memref<!tpu.dma_semaphore, #tpu.memory_space<semaphore_mem>>)
    %dma_start3A_317 = arith.constant 25 : i32
    %dma_start3A_318 = arith.constant 4608 : i32
    %dma_start3A_319 = tpu.memref_slice %arg9[%dma_start3A_318] : memref<15360xf32, #tpu.memory_space<vmem>> -> memref<256xf32, #tpu.memory_space<vmem>>
    %dma_start3A_320 = tpu.memref_slice %arg5[%dma_start3A_317, %add3A_91] : memref<48x8192xf32, #tpu.memory_space<hbm>> -> memref<1x256xf32, #tpu.memory_space<hbm>>
    %dma_start3A_321 = tpu.memref_squeeze %dma_start3A_320 : memref<1x256xf32, #tpu.memory_space<hbm>> -> memref<256xf32, #tpu.memory_space<hbm>>
    %dma_start3A_322 = tpu.memref_slice %arg5[%dma_start3A_317, %add3A_91] : memref<48x8192xf32, #tpu.memory_space<hbm>> -> memref<1x256xf32, #tpu.memory_space<hbm>>
    %dma_start3A_323 = tpu.memref_squeeze %dma_start3A_322 : memref<1x256xf32, #tpu.memory_space<hbm>> -> memref<256xf32, #tpu.memory_space<hbm>>
    %dma_start3A_324 = arith.constant 4608 : i32
    %dma_start3A_325 = tpu.memref_slice %arg9[%dma_start3A_324] : memref<15360xf32, #tpu.memory_space<vmem>> -> memref<256xf32, #tpu.memory_space<vmem>>
    tpu.enqueue_dma source(%dma_start3A_325 : memref<256xf32, #tpu.memory_space<vmem>>) target(%dma_start3A_323 : memref<256xf32, #tpu.memory_space<hbm>>) target_semaphore(%arg11 : memref<!tpu.dma_semaphore, #tpu.memory_space<semaphore_mem>>)
    %dma_start3A_326 = arith.constant 26 : i32
    %dma_start3A_327 = arith.constant 7680 : i32
    %dma_start3A_328 = tpu.memref_slice %arg9[%dma_start3A_327] : memref<15360xf32, #tpu.memory_space<vmem>> -> memref<256xf32, #tpu.memory_space<vmem>>
    %dma_start3A_329 = tpu.memref_slice %arg5[%dma_start3A_326, %add3A_91] : memref<48x8192xf32, #tpu.memory_space<hbm>> -> memref<1x256xf32, #tpu.memory_space<hbm>>
    %dma_start3A_330 = tpu.memref_squeeze %dma_start3A_329 : memref<1x256xf32, #tpu.memory_space<hbm>> -> memref<256xf32, #tpu.memory_space<hbm>>
    %dma_start3A_331 = tpu.memref_slice %arg5[%dma_start3A_326, %add3A_91] : memref<48x8192xf32, #tpu.memory_space<hbm>> -> memref<1x256xf32, #tpu.memory_space<hbm>>
    %dma_start3A_332 = tpu.memref_squeeze %dma_start3A_331 : memref<1x256xf32, #tpu.memory_space<hbm>> -> memref<256xf32, #tpu.memory_space<hbm>>
    %dma_start3A_333 = arith.constant 7680 : i32
    %dma_start3A_334 = tpu.memref_slice %arg9[%dma_start3A_333] : memref<15360xf32, #tpu.memory_space<vmem>> -> memref<256xf32, #tpu.memory_space<vmem>>
    tpu.enqueue_dma source(%dma_start3A_334 : memref<256xf32, #tpu.memory_space<vmem>>) target(%dma_start3A_332 : memref<256xf32, #tpu.memory_space<hbm>>) target_semaphore(%arg11 : memref<!tpu.dma_semaphore, #tpu.memory_space<semaphore_mem>>)
    %dma_start3A_335 = arith.constant 27 : i32
    %dma_start3A_336 = arith.constant 10752 : i32
    %dma_start3A_337 = tpu.memref_slice %arg9[%dma_start3A_336] : memref<15360xf32, #tpu.memory_space<vmem>> -> memref<256xf32, #tpu.memory_space<vmem>>
    %dma_start3A_338 = tpu.memref_slice %arg5[%dma_start3A_335, %add3A_91] : memref<48x8192xf32, #tpu.memory_space<hbm>> -> memref<1x256xf32, #tpu.memory_space<hbm>>
    %dma_start3A_339 = tpu.memref_squeeze %dma_start3A_338 : memref<1x256xf32, #tpu.memory_space<hbm>> -> memref<256xf32, #tpu.memory_space<hbm>>
    %dma_start3A_340 = tpu.memref_slice %arg5[%dma_start3A_335, %add3A_91] : memref<48x8192xf32, #tpu.memory_space<hbm>> -> memref<1x256xf32, #tpu.memory_space<hbm>>
    %dma_start3A_341 = tpu.memref_squeeze %dma_start3A_340 : memref<1x256xf32, #tpu.memory_space<hbm>> -> memref<256xf32, #tpu.memory_space<hbm>>
    %dma_start3A_342 = arith.constant 10752 : i32
    %dma_start3A_343 = tpu.memref_slice %arg9[%dma_start3A_342] : memref<15360xf32, #tpu.memory_space<vmem>> -> memref<256xf32, #tpu.memory_space<vmem>>
    tpu.enqueue_dma source(%dma_start3A_343 : memref<256xf32, #tpu.memory_space<vmem>>) target(%dma_start3A_341 : memref<256xf32, #tpu.memory_space<hbm>>) target_semaphore(%arg11 : memref<!tpu.dma_semaphore, #tpu.memory_space<semaphore_mem>>)
    %dma_start3A_344 = arith.constant 28 : i32
    %dma_start3A_345 = arith.constant 1792 : i32
    %dma_start3A_346 = tpu.memref_slice %arg9[%dma_start3A_345] : memref<15360xf32, #tpu.memory_space<vmem>> -> memref<256xf32, #tpu.memory_space<vmem>>
    %dma_start3A_347 = tpu.memref_slice %arg5[%dma_start3A_344, %add3A_91] : memref<48x8192xf32, #tpu.memory_space<hbm>> -> memref<1x256xf32, #tpu.memory_space<hbm>>
    %dma_start3A_348 = tpu.memref_squeeze %dma_start3A_347 : memref<1x256xf32, #tpu.memory_space<hbm>> -> memref<256xf32, #tpu.memory_space<hbm>>
    %dma_start3A_349 = tpu.memref_slice %arg5[%dma_start3A_344, %add3A_91] : memref<48x8192xf32, #tpu.memory_space<hbm>> -> memref<1x256xf32, #tpu.memory_space<hbm>>
    %dma_start3A_350 = tpu.memref_squeeze %dma_start3A_349 : memref<1x256xf32, #tpu.memory_space<hbm>> -> memref<256xf32, #tpu.memory_space<hbm>>
    %dma_start3A_351 = arith.constant 1792 : i32
    %dma_start3A_352 = tpu.memref_slice %arg9[%dma_start3A_351] : memref<15360xf32, #tpu.memory_space<vmem>> -> memref<256xf32, #tpu.memory_space<vmem>>
    tpu.enqueue_dma source(%dma_start3A_352 : memref<256xf32, #tpu.memory_space<vmem>>) target(%dma_start3A_350 : memref<256xf32, #tpu.memory_space<hbm>>) target_semaphore(%arg11 : memref<!tpu.dma_semaphore, #tpu.memory_space<semaphore_mem>>)
    %dma_start3A_353 = arith.constant 29 : i32
    %dma_start3A_354 = arith.constant 4864 : i32
    %dma_start3A_355 = tpu.memref_slice %arg9[%dma_start3A_354] : memref<15360xf32, #tpu.memory_space<vmem>> -> memref<256xf32, #tpu.memory_space<vmem>>
    %dma_start3A_356 = tpu.memref_slice %arg5[%dma_start3A_353, %add3A_91] : memref<48x8192xf32, #tpu.memory_space<hbm>> -> memref<1x256xf32, #tpu.memory_space<hbm>>
    %dma_start3A_357 = tpu.memref_squeeze %dma_start3A_356 : memref<1x256xf32, #tpu.memory_space<hbm>> -> memref<256xf32, #tpu.memory_space<hbm>>
    %dma_start3A_358 = tpu.memref_slice %arg5[%dma_start3A_353, %add3A_91] : memref<48x8192xf32, #tpu.memory_space<hbm>> -> memref<1x256xf32, #tpu.memory_space<hbm>>
    %dma_start3A_359 = tpu.memref_squeeze %dma_start3A_358 : memref<1x256xf32, #tpu.memory_space<hbm>> -> memref<256xf32, #tpu.memory_space<hbm>>
    %dma_start3A_360 = arith.constant 4864 : i32
    %dma_start3A_361 = tpu.memref_slice %arg9[%dma_start3A_360] : memref<15360xf32, #tpu.memory_space<vmem>> -> memref<256xf32, #tpu.memory_space<vmem>>
    tpu.enqueue_dma source(%dma_start3A_361 : memref<256xf32, #tpu.memory_space<vmem>>) target(%dma_start3A_359 : memref<256xf32, #tpu.memory_space<hbm>>) target_semaphore(%arg11 : memref<!tpu.dma_semaphore, #tpu.memory_space<semaphore_mem>>)
    %dma_start3A_362 = arith.constant 30 : i32
    %dma_start3A_363 = arith.constant 7936 : i32
    %dma_start3A_364 = tpu.memref_slice %arg9[%dma_start3A_363] : memref<15360xf32, #tpu.memory_space<vmem>> -> memref<256xf32, #tpu.memory_space<vmem>>
    %dma_start3A_365 = tpu.memref_slice %arg5[%dma_start3A_362, %add3A_91] : memref<48x8192xf32, #tpu.memory_space<hbm>> -> memref<1x256xf32, #tpu.memory_space<hbm>>
    %dma_start3A_366 = tpu.memref_squeeze %dma_start3A_365 : memref<1x256xf32, #tpu.memory_space<hbm>> -> memref<256xf32, #tpu.memory_space<hbm>>
    %dma_start3A_367 = tpu.memref_slice %arg5[%dma_start3A_362, %add3A_91] : memref<48x8192xf32, #tpu.memory_space<hbm>> -> memref<1x256xf32, #tpu.memory_space<hbm>>
    %dma_start3A_368 = tpu.memref_squeeze %dma_start3A_367 : memref<1x256xf32, #tpu.memory_space<hbm>> -> memref<256xf32, #tpu.memory_space<hbm>>
    %dma_start3A_369 = arith.constant 7936 : i32
    %dma_start3A_370 = tpu.memref_slice %arg9[%dma_start3A_369] : memref<15360xf32, #tpu.memory_space<vmem>> -> memref<256xf32, #tpu.memory_space<vmem>>
    tpu.enqueue_dma source(%dma_start3A_370 : memref<256xf32, #tpu.memory_space<vmem>>) target(%dma_start3A_368 : memref<256xf32, #tpu.memory_space<hbm>>) target_semaphore(%arg11 : memref<!tpu.dma_semaphore, #tpu.memory_space<semaphore_mem>>)
    %dma_start3A_371 = arith.constant 31 : i32
    %dma_start3A_372 = arith.constant 11008 : i32
    %dma_start3A_373 = tpu.memref_slice %arg9[%dma_start3A_372] : memref<15360xf32, #tpu.memory_space<vmem>> -> memref<256xf32, #tpu.memory_space<vmem>>
    %dma_start3A_374 = tpu.memref_slice %arg5[%dma_start3A_371, %add3A_91] : memref<48x8192xf32, #tpu.memory_space<hbm>> -> memref<1x256xf32, #tpu.memory_space<hbm>>
    %dma_start3A_375 = tpu.memref_squeeze %dma_start3A_374 : memref<1x256xf32, #tpu.memory_space<hbm>> -> memref<256xf32, #tpu.memory_space<hbm>>
    %dma_start3A_376 = tpu.memref_slice %arg5[%dma_start3A_371, %add3A_91] : memref<48x8192xf32, #tpu.memory_space<hbm>> -> memref<1x256xf32, #tpu.memory_space<hbm>>
    %dma_start3A_377 = tpu.memref_squeeze %dma_start3A_376 : memref<1x256xf32, #tpu.memory_space<hbm>> -> memref<256xf32, #tpu.memory_space<hbm>>
    %dma_start3A_378 = arith.constant 11008 : i32
    %dma_start3A_379 = tpu.memref_slice %arg9[%dma_start3A_378] : memref<15360xf32, #tpu.memory_space<vmem>> -> memref<256xf32, #tpu.memory_space<vmem>>
    tpu.enqueue_dma source(%dma_start3A_379 : memref<256xf32, #tpu.memory_space<vmem>>) target(%dma_start3A_377 : memref<256xf32, #tpu.memory_space<hbm>>) target_semaphore(%arg11 : memref<!tpu.dma_semaphore, #tpu.memory_space<semaphore_mem>>)
    %dma_start3A_380 = arith.constant 32 : i32
    %dma_start3A_381 = arith.constant 2048 : i32
    %dma_start3A_382 = tpu.memref_slice %arg9[%dma_start3A_381] : memref<15360xf32, #tpu.memory_space<vmem>> -> memref<256xf32, #tpu.memory_space<vmem>>
    %dma_start3A_383 = tpu.memref_slice %arg5[%dma_start3A_380, %add3A_91] : memref<48x8192xf32, #tpu.memory_space<hbm>> -> memref<1x256xf32, #tpu.memory_space<hbm>>
    %dma_start3A_384 = tpu.memref_squeeze %dma_start3A_383 : memref<1x256xf32, #tpu.memory_space<hbm>> -> memref<256xf32, #tpu.memory_space<hbm>>
    %dma_start3A_385 = tpu.memref_slice %arg5[%dma_start3A_380, %add3A_91] : memref<48x8192xf32, #tpu.memory_space<hbm>> -> memref<1x256xf32, #tpu.memory_space<hbm>>
    %dma_start3A_386 = tpu.memref_squeeze %dma_start3A_385 : memref<1x256xf32, #tpu.memory_space<hbm>> -> memref<256xf32, #tpu.memory_space<hbm>>
    %dma_start3A_387 = arith.constant 2048 : i32
    %dma_start3A_388 = tpu.memref_slice %arg9[%dma_start3A_387] : memref<15360xf32, #tpu.memory_space<vmem>> -> memref<256xf32, #tpu.memory_space<vmem>>
    tpu.enqueue_dma source(%dma_start3A_388 : memref<256xf32, #tpu.memory_space<vmem>>) target(%dma_start3A_386 : memref<256xf32, #tpu.memory_space<hbm>>) target_semaphore(%arg11 : memref<!tpu.dma_semaphore, #tpu.memory_space<semaphore_mem>>)
    %dma_start3A_389 = arith.constant 33 : i32
    %dma_start3A_390 = arith.constant 5120 : i32
    %dma_start3A_391 = tpu.memref_slice %arg9[%dma_start3A_390] : memref<15360xf32, #tpu.memory_space<vmem>> -> memref<256xf32, #tpu.memory_space<vmem>>
    %dma_start3A_392 = tpu.memref_slice %arg5[%dma_start3A_389, %add3A_91] : memref<48x8192xf32, #tpu.memory_space<hbm>> -> memref<1x256xf32, #tpu.memory_space<hbm>>
    %dma_start3A_393 = tpu.memref_squeeze %dma_start3A_392 : memref<1x256xf32, #tpu.memory_space<hbm>> -> memref<256xf32, #tpu.memory_space<hbm>>
    %dma_start3A_394 = tpu.memref_slice %arg5[%dma_start3A_389, %add3A_91] : memref<48x8192xf32, #tpu.memory_space<hbm>> -> memref<1x256xf32, #tpu.memory_space<hbm>>
    %dma_start3A_395 = tpu.memref_squeeze %dma_start3A_394 : memref<1x256xf32, #tpu.memory_space<hbm>> -> memref<256xf32, #tpu.memory_space<hbm>>
    %dma_start3A_396 = arith.constant 5120 : i32
    %dma_start3A_397 = tpu.memref_slice %arg9[%dma_start3A_396] : memref<15360xf32, #tpu.memory_space<vmem>> -> memref<256xf32, #tpu.memory_space<vmem>>
    tpu.enqueue_dma source(%dma_start3A_397 : memref<256xf32, #tpu.memory_space<vmem>>) target(%dma_start3A_395 : memref<256xf32, #tpu.memory_space<hbm>>) target_semaphore(%arg11 : memref<!tpu.dma_semaphore, #tpu.memory_space<semaphore_mem>>)
    %dma_start3A_398 = arith.constant 34 : i32
    %dma_start3A_399 = arith.constant 8192 : i32
    %dma_start3A_400 = tpu.memref_slice %arg9[%dma_start3A_399] : memref<15360xf32, #tpu.memory_space<vmem>> -> memref<256xf32, #tpu.memory_space<vmem>>
    %dma_start3A_401 = tpu.memref_slice %arg5[%dma_start3A_398, %add3A_91] : memref<48x8192xf32, #tpu.memory_space<hbm>> -> memref<1x256xf32, #tpu.memory_space<hbm>>
    %dma_start3A_402 = tpu.memref_squeeze %dma_start3A_401 : memref<1x256xf32, #tpu.memory_space<hbm>> -> memref<256xf32, #tpu.memory_space<hbm>>
    %dma_start3A_403 = tpu.memref_slice %arg5[%dma_start3A_398, %add3A_91] : memref<48x8192xf32, #tpu.memory_space<hbm>> -> memref<1x256xf32, #tpu.memory_space<hbm>>
    %dma_start3A_404 = tpu.memref_squeeze %dma_start3A_403 : memref<1x256xf32, #tpu.memory_space<hbm>> -> memref<256xf32, #tpu.memory_space<hbm>>
    %dma_start3A_405 = arith.constant 8192 : i32
    %dma_start3A_406 = tpu.memref_slice %arg9[%dma_start3A_405] : memref<15360xf32, #tpu.memory_space<vmem>> -> memref<256xf32, #tpu.memory_space<vmem>>
    tpu.enqueue_dma source(%dma_start3A_406 : memref<256xf32, #tpu.memory_space<vmem>>) target(%dma_start3A_404 : memref<256xf32, #tpu.memory_space<hbm>>) target_semaphore(%arg11 : memref<!tpu.dma_semaphore, #tpu.memory_space<semaphore_mem>>)
    %dma_start3A_407 = arith.constant 35 : i32
    %dma_start3A_408 = arith.constant 11264 : i32
    %dma_start3A_409 = tpu.memref_slice %arg9[%dma_start3A_408] : memref<15360xf32, #tpu.memory_space<vmem>> -> memref<256xf32, #tpu.memory_space<vmem>>
    %dma_start3A_410 = tpu.memref_slice %arg5[%dma_start3A_407, %add3A_91] : memref<48x8192xf32, #tpu.memory_space<hbm>> -> memref<1x256xf32, #tpu.memory_space<hbm>>
    %dma_start3A_411 = tpu.memref_squeeze %dma_start3A_410 : memref<1x256xf32, #tpu.memory_space<hbm>> -> memref<256xf32, #tpu.memory_space<hbm>>
    %dma_start3A_412 = tpu.memref_slice %arg5[%dma_start3A_407, %add3A_91] : memref<48x8192xf32, #tpu.memory_space<hbm>> -> memref<1x256xf32, #tpu.memory_space<hbm>>
    %dma_start3A_413 = tpu.memref_squeeze %dma_start3A_412 : memref<1x256xf32, #tpu.memory_space<hbm>> -> memref<256xf32, #tpu.memory_space<hbm>>
    %dma_start3A_414 = arith.constant 11264 : i32
    %dma_start3A_415 = tpu.memref_slice %arg9[%dma_start3A_414] : memref<15360xf32, #tpu.memory_space<vmem>> -> memref<256xf32, #tpu.memory_space<vmem>>
    tpu.enqueue_dma source(%dma_start3A_415 : memref<256xf32, #tpu.memory_space<vmem>>) target(%dma_start3A_413 : memref<256xf32, #tpu.memory_space<hbm>>) target_semaphore(%arg11 : memref<!tpu.dma_semaphore, #tpu.memory_space<semaphore_mem>>)
    %dma_start3A_416 = arith.constant 36 : i32
    %dma_start3A_417 = arith.constant 2304 : i32
    %dma_start3A_418 = tpu.memref_slice %arg9[%dma_start3A_417] : memref<15360xf32, #tpu.memory_space<vmem>> -> memref<256xf32, #tpu.memory_space<vmem>>
    %dma_start3A_419 = tpu.memref_slice %arg5[%dma_start3A_416, %add3A_91] : memref<48x8192xf32, #tpu.memory_space<hbm>> -> memref<1x256xf32, #tpu.memory_space<hbm>>
    %dma_start3A_420 = tpu.memref_squeeze %dma_start3A_419 : memref<1x256xf32, #tpu.memory_space<hbm>> -> memref<256xf32, #tpu.memory_space<hbm>>
    %dma_start3A_421 = tpu.memref_slice %arg5[%dma_start3A_416, %add3A_91] : memref<48x8192xf32, #tpu.memory_space<hbm>> -> memref<1x256xf32, #tpu.memory_space<hbm>>
    %dma_start3A_422 = tpu.memref_squeeze %dma_start3A_421 : memref<1x256xf32, #tpu.memory_space<hbm>> -> memref<256xf32, #tpu.memory_space<hbm>>
    %dma_start3A_423 = arith.constant 2304 : i32
    %dma_start3A_424 = tpu.memref_slice %arg9[%dma_start3A_423] : memref<15360xf32, #tpu.memory_space<vmem>> -> memref<256xf32, #tpu.memory_space<vmem>>
    tpu.enqueue_dma source(%dma_start3A_424 : memref<256xf32, #tpu.memory_space<vmem>>) target(%dma_start3A_422 : memref<256xf32, #tpu.memory_space<hbm>>) target_semaphore(%arg11 : memref<!tpu.dma_semaphore, #tpu.memory_space<semaphore_mem>>)
    %dma_start3A_425 = arith.constant 37 : i32
    %dma_start3A_426 = arith.constant 5376 : i32
    %dma_start3A_427 = tpu.memref_slice %arg9[%dma_start3A_426] : memref<15360xf32, #tpu.memory_space<vmem>> -> memref<256xf32, #tpu.memory_space<vmem>>
    %dma_start3A_428 = tpu.memref_slice %arg5[%dma_start3A_425, %add3A_91] : memref<48x8192xf32, #tpu.memory_space<hbm>> -> memref<1x256xf32, #tpu.memory_space<hbm>>
    %dma_start3A_429 = tpu.memref_squeeze %dma_start3A_428 : memref<1x256xf32, #tpu.memory_space<hbm>> -> memref<256xf32, #tpu.memory_space<hbm>>
    %dma_start3A_430 = tpu.memref_slice %arg5[%dma_start3A_425, %add3A_91] : memref<48x8192xf32, #tpu.memory_space<hbm>> -> memref<1x256xf32, #tpu.memory_space<hbm>>
    %dma_start3A_431 = tpu.memref_squeeze %dma_start3A_430 : memref<1x256xf32, #tpu.memory_space<hbm>> -> memref<256xf32, #tpu.memory_space<hbm>>
    %dma_start3A_432 = arith.constant 5376 : i32
    %dma_start3A_433 = tpu.memref_slice %arg9[%dma_start3A_432] : memref<15360xf32, #tpu.memory_space<vmem>> -> memref<256xf32, #tpu.memory_space<vmem>>
    tpu.enqueue_dma source(%dma_start3A_433 : memref<256xf32, #tpu.memory_space<vmem>>) target(%dma_start3A_431 : memref<256xf32, #tpu.memory_space<hbm>>) target_semaphore(%arg11 : memref<!tpu.dma_semaphore, #tpu.memory_space<semaphore_mem>>)
    %dma_start3A_434 = arith.constant 38 : i32
    %dma_start3A_435 = arith.constant 8448 : i32
    %dma_start3A_436 = tpu.memref_slice %arg9[%dma_start3A_435] : memref<15360xf32, #tpu.memory_space<vmem>> -> memref<256xf32, #tpu.memory_space<vmem>>
    %dma_start3A_437 = tpu.memref_slice %arg5[%dma_start3A_434, %add3A_91] : memref<48x8192xf32, #tpu.memory_space<hbm>> -> memref<1x256xf32, #tpu.memory_space<hbm>>
    %dma_start3A_438 = tpu.memref_squeeze %dma_start3A_437 : memref<1x256xf32, #tpu.memory_space<hbm>> -> memref<256xf32, #tpu.memory_space<hbm>>
    %dma_start3A_439 = tpu.memref_slice %arg5[%dma_start3A_434, %add3A_91] : memref<48x8192xf32, #tpu.memory_space<hbm>> -> memref<1x256xf32, #tpu.memory_space<hbm>>
    %dma_start3A_440 = tpu.memref_squeeze %dma_start3A_439 : memref<1x256xf32, #tpu.memory_space<hbm>> -> memref<256xf32, #tpu.memory_space<hbm>>
    %dma_start3A_441 = arith.constant 8448 : i32
    %dma_start3A_442 = tpu.memref_slice %arg9[%dma_start3A_441] : memref<15360xf32, #tpu.memory_space<vmem>> -> memref<256xf32, #tpu.memory_space<vmem>>
    tpu.enqueue_dma source(%dma_start3A_442 : memref<256xf32, #tpu.memory_space<vmem>>) target(%dma_start3A_440 : memref<256xf32, #tpu.memory_space<hbm>>) target_semaphore(%arg11 : memref<!tpu.dma_semaphore, #tpu.memory_space<semaphore_mem>>)
    %dma_start3A_443 = arith.constant 39 : i32
    %dma_start3A_444 = arith.constant 11520 : i32
    %dma_start3A_445 = tpu.memref_slice %arg9[%dma_start3A_444] : memref<15360xf32, #tpu.memory_space<vmem>> -> memref<256xf32, #tpu.memory_space<vmem>>
    %dma_start3A_446 = tpu.memref_slice %arg5[%dma_start3A_443, %add3A_91] : memref<48x8192xf32, #tpu.memory_space<hbm>> -> memref<1x256xf32, #tpu.memory_space<hbm>>
    %dma_start3A_447 = tpu.memref_squeeze %dma_start3A_446 : memref<1x256xf32, #tpu.memory_space<hbm>> -> memref<256xf32, #tpu.memory_space<hbm>>
    %dma_start3A_448 = tpu.memref_slice %arg5[%dma_start3A_443, %add3A_91] : memref<48x8192xf32, #tpu.memory_space<hbm>> -> memref<1x256xf32, #tpu.memory_space<hbm>>
    %dma_start3A_449 = tpu.memref_squeeze %dma_start3A_448 : memref<1x256xf32, #tpu.memory_space<hbm>> -> memref<256xf32, #tpu.memory_space<hbm>>
    %dma_start3A_450 = arith.constant 11520 : i32
    %dma_start3A_451 = tpu.memref_slice %arg9[%dma_start3A_450] : memref<15360xf32, #tpu.memory_space<vmem>> -> memref<256xf32, #tpu.memory_space<vmem>>
    tpu.enqueue_dma source(%dma_start3A_451 : memref<256xf32, #tpu.memory_space<vmem>>) target(%dma_start3A_449 : memref<256xf32, #tpu.memory_space<hbm>>) target_semaphore(%arg11 : memref<!tpu.dma_semaphore, #tpu.memory_space<semaphore_mem>>)
    %dma_start3A_452 = arith.constant 40 : i32
    %dma_start3A_453 = arith.constant 2560 : i32
    %dma_start3A_454 = tpu.memref_slice %arg9[%dma_start3A_453] : memref<15360xf32, #tpu.memory_space<vmem>> -> memref<256xf32, #tpu.memory_space<vmem>>
    %dma_start3A_455 = tpu.memref_slice %arg5[%dma_start3A_452, %add3A_91] : memref<48x8192xf32, #tpu.memory_space<hbm>> -> memref<1x256xf32, #tpu.memory_space<hbm>>
    %dma_start3A_456 = tpu.memref_squeeze %dma_start3A_455 : memref<1x256xf32, #tpu.memory_space<hbm>> -> memref<256xf32, #tpu.memory_space<hbm>>
    %dma_start3A_457 = tpu.memref_slice %arg5[%dma_start3A_452, %add3A_91] : memref<48x8192xf32, #tpu.memory_space<hbm>> -> memref<1x256xf32, #tpu.memory_space<hbm>>
    %dma_start3A_458 = tpu.memref_squeeze %dma_start3A_457 : memref<1x256xf32, #tpu.memory_space<hbm>> -> memref<256xf32, #tpu.memory_space<hbm>>
    %dma_start3A_459 = arith.constant 2560 : i32
    %dma_start3A_460 = tpu.memref_slice %arg9[%dma_start3A_459] : memref<15360xf32, #tpu.memory_space<vmem>> -> memref<256xf32, #tpu.memory_space<vmem>>
    tpu.enqueue_dma source(%dma_start3A_460 : memref<256xf32, #tpu.memory_space<vmem>>) target(%dma_start3A_458 : memref<256xf32, #tpu.memory_space<hbm>>) target_semaphore(%arg11 : memref<!tpu.dma_semaphore, #tpu.memory_space<semaphore_mem>>)
    %dma_start3A_461 = arith.constant 41 : i32
    %dma_start3A_462 = arith.constant 5632 : i32
    %dma_start3A_463 = tpu.memref_slice %arg9[%dma_start3A_462] : memref<15360xf32, #tpu.memory_space<vmem>> -> memref<256xf32, #tpu.memory_space<vmem>>
    %dma_start3A_464 = tpu.memref_slice %arg5[%dma_start3A_461, %add3A_91] : memref<48x8192xf32, #tpu.memory_space<hbm>> -> memref<1x256xf32, #tpu.memory_space<hbm>>
    %dma_start3A_465 = tpu.memref_squeeze %dma_start3A_464 : memref<1x256xf32, #tpu.memory_space<hbm>> -> memref<256xf32, #tpu.memory_space<hbm>>
    %dma_start3A_466 = tpu.memref_slice %arg5[%dma_start3A_461, %add3A_91] : memref<48x8192xf32, #tpu.memory_space<hbm>> -> memref<1x256xf32, #tpu.memory_space<hbm>>
    %dma_start3A_467 = tpu.memref_squeeze %dma_start3A_466 : memref<1x256xf32, #tpu.memory_space<hbm>> -> memref<256xf32, #tpu.memory_space<hbm>>
    %dma_start3A_468 = arith.constant 5632 : i32
    %dma_start3A_469 = tpu.memref_slice %arg9[%dma_start3A_468] : memref<15360xf32, #tpu.memory_space<vmem>> -> memref<256xf32, #tpu.memory_space<vmem>>
    tpu.enqueue_dma source(%dma_start3A_469 : memref<256xf32, #tpu.memory_space<vmem>>) target(%dma_start3A_467 : memref<256xf32, #tpu.memory_space<hbm>>) target_semaphore(%arg11 : memref<!tpu.dma_semaphore, #tpu.memory_space<semaphore_mem>>)
    %dma_start3A_470 = arith.constant 42 : i32
    %dma_start3A_471 = arith.constant 8704 : i32
    %dma_start3A_472 = tpu.memref_slice %arg9[%dma_start3A_471] : memref<15360xf32, #tpu.memory_space<vmem>> -> memref<256xf32, #tpu.memory_space<vmem>>
    %dma_start3A_473 = tpu.memref_slice %arg5[%dma_start3A_470, %add3A_91] : memref<48x8192xf32, #tpu.memory_space<hbm>> -> memref<1x256xf32, #tpu.memory_space<hbm>>
    %dma_start3A_474 = tpu.memref_squeeze %dma_start3A_473 : memref<1x256xf32, #tpu.memory_space<hbm>> -> memref<256xf32, #tpu.memory_space<hbm>>
    %dma_start3A_475 = tpu.memref_slice %arg5[%dma_start3A_470, %add3A_91] : memref<48x8192xf32, #tpu.memory_space<hbm>> -> memref<1x256xf32, #tpu.memory_space<hbm>>
    %dma_start3A_476 = tpu.memref_squeeze %dma_start3A_475 : memref<1x256xf32, #tpu.memory_space<hbm>> -> memref<256xf32, #tpu.memory_space<hbm>>
    %dma_start3A_477 = arith.constant 8704 : i32
    %dma_start3A_478 = tpu.memref_slice %arg9[%dma_start3A_477] : memref<15360xf32, #tpu.memory_space<vmem>> -> memref<256xf32, #tpu.memory_space<vmem>>
    tpu.enqueue_dma source(%dma_start3A_478 : memref<256xf32, #tpu.memory_space<vmem>>) target(%dma_start3A_476 : memref<256xf32, #tpu.memory_space<hbm>>) target_semaphore(%arg11 : memref<!tpu.dma_semaphore, #tpu.memory_space<semaphore_mem>>)
    %dma_start3A_479 = arith.constant 43 : i32
    %dma_start3A_480 = arith.constant 11776 : i32
    %dma_start3A_481 = tpu.memref_slice %arg9[%dma_start3A_480] : memref<15360xf32, #tpu.memory_space<vmem>> -> memref<256xf32, #tpu.memory_space<vmem>>
    %dma_start3A_482 = tpu.memref_slice %arg5[%dma_start3A_479, %add3A_91] : memref<48x8192xf32, #tpu.memory_space<hbm>> -> memref<1x256xf32, #tpu.memory_space<hbm>>
    %dma_start3A_483 = tpu.memref_squeeze %dma_start3A_482 : memref<1x256xf32, #tpu.memory_space<hbm>> -> memref<256xf32, #tpu.memory_space<hbm>>
    %dma_start3A_484 = tpu.memref_slice %arg5[%dma_start3A_479, %add3A_91] : memref<48x8192xf32, #tpu.memory_space<hbm>> -> memref<1x256xf32, #tpu.memory_space<hbm>>
    %dma_start3A_485 = tpu.memref_squeeze %dma_start3A_484 : memref<1x256xf32, #tpu.memory_space<hbm>> -> memref<256xf32, #tpu.memory_space<hbm>>
    %dma_start3A_486 = arith.constant 11776 : i32
    %dma_start3A_487 = tpu.memref_slice %arg9[%dma_start3A_486] : memref<15360xf32, #tpu.memory_space<vmem>> -> memref<256xf32, #tpu.memory_space<vmem>>
    tpu.enqueue_dma source(%dma_start3A_487 : memref<256xf32, #tpu.memory_space<vmem>>) target(%dma_start3A_485 : memref<256xf32, #tpu.memory_space<hbm>>) target_semaphore(%arg11 : memref<!tpu.dma_semaphore, #tpu.memory_space<semaphore_mem>>)
    %dma_start3A_488 = arith.constant 44 : i32
    %dma_start3A_489 = arith.constant 2816 : i32
    %dma_start3A_490 = tpu.memref_slice %arg9[%dma_start3A_489] : memref<15360xf32, #tpu.memory_space<vmem>> -> memref<256xf32, #tpu.memory_space<vmem>>
    %dma_start3A_491 = tpu.memref_slice %arg5[%dma_start3A_488, %add3A_91] : memref<48x8192xf32, #tpu.memory_space<hbm>> -> memref<1x256xf32, #tpu.memory_space<hbm>>
    %dma_start3A_492 = tpu.memref_squeeze %dma_start3A_491 : memref<1x256xf32, #tpu.memory_space<hbm>> -> memref<256xf32, #tpu.memory_space<hbm>>
    %dma_start3A_493 = tpu.memref_slice %arg5[%dma_start3A_488, %add3A_91] : memref<48x8192xf32, #tpu.memory_space<hbm>> -> memref<1x256xf32, #tpu.memory_space<hbm>>
    %dma_start3A_494 = tpu.memref_squeeze %dma_start3A_493 : memref<1x256xf32, #tpu.memory_space<hbm>> -> memref<256xf32, #tpu.memory_space<hbm>>
    %dma_start3A_495 = arith.constant 2816 : i32
    %dma_start3A_496 = tpu.memref_slice %arg9[%dma_start3A_495] : memref<15360xf32, #tpu.memory_space<vmem>> -> memref<256xf32, #tpu.memory_space<vmem>>
    tpu.enqueue_dma source(%dma_start3A_496 : memref<256xf32, #tpu.memory_space<vmem>>) target(%dma_start3A_494 : memref<256xf32, #tpu.memory_space<hbm>>) target_semaphore(%arg11 : memref<!tpu.dma_semaphore, #tpu.memory_space<semaphore_mem>>)
    %dma_start3A_497 = arith.constant 45 : i32
    %dma_start3A_498 = arith.constant 5888 : i32
    %dma_start3A_499 = tpu.memref_slice %arg9[%dma_start3A_498] : memref<15360xf32, #tpu.memory_space<vmem>> -> memref<256xf32, #tpu.memory_space<vmem>>
    %dma_start3A_500 = tpu.memref_slice %arg5[%dma_start3A_497, %add3A_91] : memref<48x8192xf32, #tpu.memory_space<hbm>> -> memref<1x256xf32, #tpu.memory_space<hbm>>
    %dma_start3A_501 = tpu.memref_squeeze %dma_start3A_500 : memref<1x256xf32, #tpu.memory_space<hbm>> -> memref<256xf32, #tpu.memory_space<hbm>>
    %dma_start3A_502 = tpu.memref_slice %arg5[%dma_start3A_497, %add3A_91] : memref<48x8192xf32, #tpu.memory_space<hbm>> -> memref<1x256xf32, #tpu.memory_space<hbm>>
    %dma_start3A_503 = tpu.memref_squeeze %dma_start3A_502 : memref<1x256xf32, #tpu.memory_space<hbm>> -> memref<256xf32, #tpu.memory_space<hbm>>
    %dma_start3A_504 = arith.constant 5888 : i32
    %dma_start3A_505 = tpu.memref_slice %arg9[%dma_start3A_504] : memref<15360xf32, #tpu.memory_space<vmem>> -> memref<256xf32, #tpu.memory_space<vmem>>
    tpu.enqueue_dma source(%dma_start3A_505 : memref<256xf32, #tpu.memory_space<vmem>>) target(%dma_start3A_503 : memref<256xf32, #tpu.memory_space<hbm>>) target_semaphore(%arg11 : memref<!tpu.dma_semaphore, #tpu.memory_space<semaphore_mem>>)
    %dma_start3A_506 = arith.constant 46 : i32
    %dma_start3A_507 = arith.constant 8960 : i32
    %dma_start3A_508 = tpu.memref_slice %arg9[%dma_start3A_507] : memref<15360xf32, #tpu.memory_space<vmem>> -> memref<256xf32, #tpu.memory_space<vmem>>
    %dma_start3A_509 = tpu.memref_slice %arg5[%dma_start3A_506, %add3A_91] : memref<48x8192xf32, #tpu.memory_space<hbm>> -> memref<1x256xf32, #tpu.memory_space<hbm>>
    %dma_start3A_510 = tpu.memref_squeeze %dma_start3A_509 : memref<1x256xf32, #tpu.memory_space<hbm>> -> memref<256xf32, #tpu.memory_space<hbm>>
    %dma_start3A_511 = tpu.memref_slice %arg5[%dma_start3A_506, %add3A_91] : memref<48x8192xf32, #tpu.memory_space<hbm>> -> memref<1x256xf32, #tpu.memory_space<hbm>>
    %dma_start3A_512 = tpu.memref_squeeze %dma_start3A_511 : memref<1x256xf32, #tpu.memory_space<hbm>> -> memref<256xf32, #tpu.memory_space<hbm>>
    %dma_start3A_513 = arith.constant 8960 : i32
    %dma_start3A_514 = tpu.memref_slice %arg9[%dma_start3A_513] : memref<15360xf32, #tpu.memory_space<vmem>> -> memref<256xf32, #tpu.memory_space<vmem>>
    tpu.enqueue_dma source(%dma_start3A_514 : memref<256xf32, #tpu.memory_space<vmem>>) target(%dma_start3A_512 : memref<256xf32, #tpu.memory_space<hbm>>) target_semaphore(%arg11 : memref<!tpu.dma_semaphore, #tpu.memory_space<semaphore_mem>>)
    %dma_start3A_515 = arith.constant 47 : i32
    %dma_start3A_516 = arith.constant 12032 : i32
    %dma_start3A_517 = tpu.memref_slice %arg9[%dma_start3A_516] : memref<15360xf32, #tpu.memory_space<vmem>> -> memref<256xf32, #tpu.memory_space<vmem>>
    %dma_start3A_518 = tpu.memref_slice %arg5[%dma_start3A_515, %add3A_91] : memref<48x8192xf32, #tpu.memory_space<hbm>> -> memref<1x256xf32, #tpu.memory_space<hbm>>
    %dma_start3A_519 = tpu.memref_squeeze %dma_start3A_518 : memref<1x256xf32, #tpu.memory_space<hbm>> -> memref<256xf32, #tpu.memory_space<hbm>>
    %dma_start3A_520 = tpu.memref_slice %arg5[%dma_start3A_515, %add3A_91] : memref<48x8192xf32, #tpu.memory_space<hbm>> -> memref<1x256xf32, #tpu.memory_space<hbm>>
    %dma_start3A_521 = tpu.memref_squeeze %dma_start3A_520 : memref<1x256xf32, #tpu.memory_space<hbm>> -> memref<256xf32, #tpu.memory_space<hbm>>
    %dma_start3A_522 = arith.constant 12032 : i32
    %dma_start3A_523 = tpu.memref_slice %arg9[%dma_start3A_522] : memref<15360xf32, #tpu.memory_space<vmem>> -> memref<256xf32, #tpu.memory_space<vmem>>
    tpu.enqueue_dma source(%dma_start3A_523 : memref<256xf32, #tpu.memory_space<vmem>>) target(%dma_start3A_521 : memref<256xf32, #tpu.memory_space<hbm>>) target_semaphore(%arg11 : memref<!tpu.dma_semaphore, #tpu.memory_space<semaphore_mem>>)
    %dma_wait3A_524 = arith.constant 0 : i32
    %dma_wait3A_525 = arith.constant 0 : i32
    %dma_wait3A_526 = tpu.memref_slice %arg9[%dma_wait3A_525] : memref<15360xf32, #tpu.memory_space<vmem>> -> memref<256xf32, #tpu.memory_space<vmem>>
    %dma_wait3A_527 = tpu.memref_slice %arg5[%dma_wait3A_524, %add3A_91] : memref<48x8192xf32, #tpu.memory_space<hbm>> -> memref<1x256xf32, #tpu.memory_space<hbm>>
    %dma_wait3A_528 = tpu.memref_squeeze %dma_wait3A_527 : memref<1x256xf32, #tpu.memory_space<hbm>> -> memref<256xf32, #tpu.memory_space<hbm>>
    %dma_wait3A_529 = tpu.memref_slice %arg5[%dma_wait3A_524, %add3A_91] : memref<48x8192xf32, #tpu.memory_space<hbm>> -> memref<1x256xf32, #tpu.memory_space<hbm>>
    %dma_wait3A_530 = tpu.memref_squeeze %dma_wait3A_529 : memref<1x256xf32, #tpu.memory_space<hbm>> -> memref<256xf32, #tpu.memory_space<hbm>>
    %dma_wait3A_531 = arith.constant 0 : i32
    %dma_wait3A_532 = tpu.memref_slice %arg9[%dma_wait3A_531] : memref<15360xf32, #tpu.memory_space<vmem>> -> memref<256xf32, #tpu.memory_space<vmem>>
    tpu.wait_dma2 semaphore(%arg11 : memref<!tpu.dma_semaphore, #tpu.memory_space<semaphore_mem>>) src(%dma_wait3A_532 : memref<256xf32, #tpu.memory_space<vmem>>) dst(%dma_wait3A_530 : memref<256xf32, #tpu.memory_space<hbm>>)
    %dma_wait3A_533 = arith.constant 1 : i32
    %dma_wait3A_534 = arith.constant 3072 : i32
    %dma_wait3A_535 = tpu.memref_slice %arg9[%dma_wait3A_534] : memref<15360xf32, #tpu.memory_space<vmem>> -> memref<256xf32, #tpu.memory_space<vmem>>
    %dma_wait3A_536 = tpu.memref_slice %arg5[%dma_wait3A_533, %add3A_91] : memref<48x8192xf32, #tpu.memory_space<hbm>> -> memref<1x256xf32, #tpu.memory_space<hbm>>
    %dma_wait3A_537 = tpu.memref_squeeze %dma_wait3A_536 : memref<1x256xf32, #tpu.memory_space<hbm>> -> memref<256xf32, #tpu.memory_space<hbm>>
    %dma_wait3A_538 = tpu.memref_slice %arg5[%dma_wait3A_533, %add3A_91] : memref<48x8192xf32, #tpu.memory_space<hbm>> -> memref<1x256xf32, #tpu.memory_space<hbm>>
    %dma_wait3A_539 = tpu.memref_squeeze %dma_wait3A_538 : memref<1x256xf32, #tpu.memory_space<hbm>> -> memref<256xf32, #tpu.memory_space<hbm>>
    %dma_wait3A_540 = arith.constant 3072 : i32
    %dma_wait3A_541 = tpu.memref_slice %arg9[%dma_wait3A_540] : memref<15360xf32, #tpu.memory_space<vmem>> -> memref<256xf32, #tpu.memory_space<vmem>>
    tpu.wait_dma2 semaphore(%arg11 : memref<!tpu.dma_semaphore, #tpu.memory_space<semaphore_mem>>) src(%dma_wait3A_541 : memref<256xf32, #tpu.memory_space<vmem>>) dst(%dma_wait3A_539 : memref<256xf32, #tpu.memory_space<hbm>>)
    %dma_wait3A_542 = arith.constant 2 : i32
    %dma_wait3A_543 = arith.constant 6144 : i32
    %dma_wait3A_544 = tpu.memref_slice %arg9[%dma_wait3A_543] : memref<15360xf32, #tpu.memory_space<vmem>> -> memref<256xf32, #tpu.memory_space<vmem>>
    %dma_wait3A_545 = tpu.memref_slice %arg5[%dma_wait3A_542, %add3A_91] : memref<48x8192xf32, #tpu.memory_space<hbm>> -> memref<1x256xf32, #tpu.memory_space<hbm>>
    %dma_wait3A_546 = tpu.memref_squeeze %dma_wait3A_545 : memref<1x256xf32, #tpu.memory_space<hbm>> -> memref<256xf32, #tpu.memory_space<hbm>>
    %dma_wait3A_547 = tpu.memref_slice %arg5[%dma_wait3A_542, %add3A_91] : memref<48x8192xf32, #tpu.memory_space<hbm>> -> memref<1x256xf32, #tpu.memory_space<hbm>>
    %dma_wait3A_548 = tpu.memref_squeeze %dma_wait3A_547 : memref<1x256xf32, #tpu.memory_space<hbm>> -> memref<256xf32, #tpu.memory_space<hbm>>
    %dma_wait3A_549 = arith.constant 6144 : i32
    %dma_wait3A_550 = tpu.memref_slice %arg9[%dma_wait3A_549] : memref<15360xf32, #tpu.memory_space<vmem>> -> memref<256xf32, #tpu.memory_space<vmem>>
    tpu.wait_dma2 semaphore(%arg11 : memref<!tpu.dma_semaphore, #tpu.memory_space<semaphore_mem>>) src(%dma_wait3A_550 : memref<256xf32, #tpu.memory_space<vmem>>) dst(%dma_wait3A_548 : memref<256xf32, #tpu.memory_space<hbm>>)
    %dma_wait3A_551 = arith.constant 3 : i32
    %dma_wait3A_552 = arith.constant 9216 : i32
    %dma_wait3A_553 = tpu.memref_slice %arg9[%dma_wait3A_552] : memref<15360xf32, #tpu.memory_space<vmem>> -> memref<256xf32, #tpu.memory_space<vmem>>
    %dma_wait3A_554 = tpu.memref_slice %arg5[%dma_wait3A_551, %add3A_91] : memref<48x8192xf32, #tpu.memory_space<hbm>> -> memref<1x256xf32, #tpu.memory_space<hbm>>
    %dma_wait3A_555 = tpu.memref_squeeze %dma_wait3A_554 : memref<1x256xf32, #tpu.memory_space<hbm>> -> memref<256xf32, #tpu.memory_space<hbm>>
    %dma_wait3A_556 = tpu.memref_slice %arg5[%dma_wait3A_551, %add3A_91] : memref<48x8192xf32, #tpu.memory_space<hbm>> -> memref<1x256xf32, #tpu.memory_space<hbm>>
    %dma_wait3A_557 = tpu.memref_squeeze %dma_wait3A_556 : memref<1x256xf32, #tpu.memory_space<hbm>> -> memref<256xf32, #tpu.memory_space<hbm>>
    %dma_wait3A_558 = arith.constant 9216 : i32
    %dma_wait3A_559 = tpu.memref_slice %arg9[%dma_wait3A_558] : memref<15360xf32, #tpu.memory_space<vmem>> -> memref<256xf32, #tpu.memory_space<vmem>>
    tpu.wait_dma2 semaphore(%arg11 : memref<!tpu.dma_semaphore, #tpu.memory_space<semaphore_mem>>) src(%dma_wait3A_559 : memref<256xf32, #tpu.memory_space<vmem>>) dst(%dma_wait3A_557 : memref<256xf32, #tpu.memory_space<hbm>>)
    %dma_wait3A_560 = arith.constant 4 : i32
    %dma_wait3A_561 = arith.constant 256 : i32
    %dma_wait3A_562 = tpu.memref_slice %arg9[%dma_wait3A_561] : memref<15360xf32, #tpu.memory_space<vmem>> -> memref<256xf32, #tpu.memory_space<vmem>>
    %dma_wait3A_563 = tpu.memref_slice %arg5[%dma_wait3A_560, %add3A_91] : memref<48x8192xf32, #tpu.memory_space<hbm>> -> memref<1x256xf32, #tpu.memory_space<hbm>>
    %dma_wait3A_564 = tpu.memref_squeeze %dma_wait3A_563 : memref<1x256xf32, #tpu.memory_space<hbm>> -> memref<256xf32, #tpu.memory_space<hbm>>
    %dma_wait3A_565 = tpu.memref_slice %arg5[%dma_wait3A_560, %add3A_91] : memref<48x8192xf32, #tpu.memory_space<hbm>> -> memref<1x256xf32, #tpu.memory_space<hbm>>
    %dma_wait3A_566 = tpu.memref_squeeze %dma_wait3A_565 : memref<1x256xf32, #tpu.memory_space<hbm>> -> memref<256xf32, #tpu.memory_space<hbm>>
    %dma_wait3A_567 = arith.constant 256 : i32
    %dma_wait3A_568 = tpu.memref_slice %arg9[%dma_wait3A_567] : memref<15360xf32, #tpu.memory_space<vmem>> -> memref<256xf32, #tpu.memory_space<vmem>>
    tpu.wait_dma2 semaphore(%arg11 : memref<!tpu.dma_semaphore, #tpu.memory_space<semaphore_mem>>) src(%dma_wait3A_568 : memref<256xf32, #tpu.memory_space<vmem>>) dst(%dma_wait3A_566 : memref<256xf32, #tpu.memory_space<hbm>>)
    %dma_wait3A_569 = arith.constant 5 : i32
    %dma_wait3A_570 = arith.constant 3328 : i32
    %dma_wait3A_571 = tpu.memref_slice %arg9[%dma_wait3A_570] : memref<15360xf32, #tpu.memory_space<vmem>> -> memref<256xf32, #tpu.memory_space<vmem>>
    %dma_wait3A_572 = tpu.memref_slice %arg5[%dma_wait3A_569, %add3A_91] : memref<48x8192xf32, #tpu.memory_space<hbm>> -> memref<1x256xf32, #tpu.memory_space<hbm>>
    %dma_wait3A_573 = tpu.memref_squeeze %dma_wait3A_572 : memref<1x256xf32, #tpu.memory_space<hbm>> -> memref<256xf32, #tpu.memory_space<hbm>>
    %dma_wait3A_574 = tpu.memref_slice %arg5[%dma_wait3A_569, %add3A_91] : memref<48x8192xf32, #tpu.memory_space<hbm>> -> memref<1x256xf32, #tpu.memory_space<hbm>>
    %dma_wait3A_575 = tpu.memref_squeeze %dma_wait3A_574 : memref<1x256xf32, #tpu.memory_space<hbm>> -> memref<256xf32, #tpu.memory_space<hbm>>
    %dma_wait3A_576 = arith.constant 3328 : i32
    %dma_wait3A_577 = tpu.memref_slice %arg9[%dma_wait3A_576] : memref<15360xf32, #tpu.memory_space<vmem>> -> memref<256xf32, #tpu.memory_space<vmem>>
    tpu.wait_dma2 semaphore(%arg11 : memref<!tpu.dma_semaphore, #tpu.memory_space<semaphore_mem>>) src(%dma_wait3A_577 : memref<256xf32, #tpu.memory_space<vmem>>) dst(%dma_wait3A_575 : memref<256xf32, #tpu.memory_space<hbm>>)
    %dma_wait3A_578 = arith.constant 6 : i32
    %dma_wait3A_579 = arith.constant 6400 : i32
    %dma_wait3A_580 = tpu.memref_slice %arg9[%dma_wait3A_579] : memref<15360xf32, #tpu.memory_space<vmem>> -> memref<256xf32, #tpu.memory_space<vmem>>
    %dma_wait3A_581 = tpu.memref_slice %arg5[%dma_wait3A_578, %add3A_91] : memref<48x8192xf32, #tpu.memory_space<hbm>> -> memref<1x256xf32, #tpu.memory_space<hbm>>
    %dma_wait3A_582 = tpu.memref_squeeze %dma_wait3A_581 : memref<1x256xf32, #tpu.memory_space<hbm>> -> memref<256xf32, #tpu.memory_space<hbm>>
    %dma_wait3A_583 = tpu.memref_slice %arg5[%dma_wait3A_578, %add3A_91] : memref<48x8192xf32, #tpu.memory_space<hbm>> -> memref<1x256xf32, #tpu.memory_space<hbm>>
    %dma_wait3A_584 = tpu.memref_squeeze %dma_wait3A_583 : memref<1x256xf32, #tpu.memory_space<hbm>> -> memref<256xf32, #tpu.memory_space<hbm>>
    %dma_wait3A_585 = arith.constant 6400 : i32
    %dma_wait3A_586 = tpu.memref_slice %arg9[%dma_wait3A_585] : memref<15360xf32, #tpu.memory_space<vmem>> -> memref<256xf32, #tpu.memory_space<vmem>>
    tpu.wait_dma2 semaphore(%arg11 : memref<!tpu.dma_semaphore, #tpu.memory_space<semaphore_mem>>) src(%dma_wait3A_586 : memref<256xf32, #tpu.memory_space<vmem>>) dst(%dma_wait3A_584 : memref<256xf32, #tpu.memory_space<hbm>>)
    %dma_wait3A_587 = arith.constant 7 : i32
    %dma_wait3A_588 = arith.constant 9472 : i32
    %dma_wait3A_589 = tpu.memref_slice %arg9[%dma_wait3A_588] : memref<15360xf32, #tpu.memory_space<vmem>> -> memref<256xf32, #tpu.memory_space<vmem>>
    %dma_wait3A_590 = tpu.memref_slice %arg5[%dma_wait3A_587, %add3A_91] : memref<48x8192xf32, #tpu.memory_space<hbm>> -> memref<1x256xf32, #tpu.memory_space<hbm>>
    %dma_wait3A_591 = tpu.memref_squeeze %dma_wait3A_590 : memref<1x256xf32, #tpu.memory_space<hbm>> -> memref<256xf32, #tpu.memory_space<hbm>>
    %dma_wait3A_592 = tpu.memref_slice %arg5[%dma_wait3A_587, %add3A_91] : memref<48x8192xf32, #tpu.memory_space<hbm>> -> memref<1x256xf32, #tpu.memory_space<hbm>>
    %dma_wait3A_593 = tpu.memref_squeeze %dma_wait3A_592 : memref<1x256xf32, #tpu.memory_space<hbm>> -> memref<256xf32, #tpu.memory_space<hbm>>
    %dma_wait3A_594 = arith.constant 9472 : i32
    %dma_wait3A_595 = tpu.memref_slice %arg9[%dma_wait3A_594] : memref<15360xf32, #tpu.memory_space<vmem>> -> memref<256xf32, #tpu.memory_space<vmem>>
    tpu.wait_dma2 semaphore(%arg11 : memref<!tpu.dma_semaphore, #tpu.memory_space<semaphore_mem>>) src(%dma_wait3A_595 : memref<256xf32, #tpu.memory_space<vmem>>) dst(%dma_wait3A_593 : memref<256xf32, #tpu.memory_space<hbm>>)
    %dma_wait3A_596 = arith.constant 8 : i32
    %dma_wait3A_597 = arith.constant 512 : i32
    %dma_wait3A_598 = tpu.memref_slice %arg9[%dma_wait3A_597] : memref<15360xf32, #tpu.memory_space<vmem>> -> memref<256xf32, #tpu.memory_space<vmem>>
    %dma_wait3A_599 = tpu.memref_slice %arg5[%dma_wait3A_596, %add3A_91] : memref<48x8192xf32, #tpu.memory_space<hbm>> -> memref<1x256xf32, #tpu.memory_space<hbm>>
    %dma_wait3A_600 = tpu.memref_squeeze %dma_wait3A_599 : memref<1x256xf32, #tpu.memory_space<hbm>> -> memref<256xf32, #tpu.memory_space<hbm>>
    %dma_wait3A_601 = tpu.memref_slice %arg5[%dma_wait3A_596, %add3A_91] : memref<48x8192xf32, #tpu.memory_space<hbm>> -> memref<1x256xf32, #tpu.memory_space<hbm>>
    %dma_wait3A_602 = tpu.memref_squeeze %dma_wait3A_601 : memref<1x256xf32, #tpu.memory_space<hbm>> -> memref<256xf32, #tpu.memory_space<hbm>>
    %dma_wait3A_603 = arith.constant 512 : i32
    %dma_wait3A_604 = tpu.memref_slice %arg9[%dma_wait3A_603] : memref<15360xf32, #tpu.memory_space<vmem>> -> memref<256xf32, #tpu.memory_space<vmem>>
    tpu.wait_dma2 semaphore(%arg11 : memref<!tpu.dma_semaphore, #tpu.memory_space<semaphore_mem>>) src(%dma_wait3A_604 : memref<256xf32, #tpu.memory_space<vmem>>) dst(%dma_wait3A_602 : memref<256xf32, #tpu.memory_space<hbm>>)
    %dma_wait3A_605 = arith.constant 9 : i32
    %dma_wait3A_606 = arith.constant 3584 : i32
    %dma_wait3A_607 = tpu.memref_slice %arg9[%dma_wait3A_606] : memref<15360xf32, #tpu.memory_space<vmem>> -> memref<256xf32, #tpu.memory_space<vmem>>
    %dma_wait3A_608 = tpu.memref_slice %arg5[%dma_wait3A_605, %add3A_91] : memref<48x8192xf32, #tpu.memory_space<hbm>> -> memref<1x256xf32, #tpu.memory_space<hbm>>
    %dma_wait3A_609 = tpu.memref_squeeze %dma_wait3A_608 : memref<1x256xf32, #tpu.memory_space<hbm>> -> memref<256xf32, #tpu.memory_space<hbm>>
    %dma_wait3A_610 = tpu.memref_slice %arg5[%dma_wait3A_605, %add3A_91] : memref<48x8192xf32, #tpu.memory_space<hbm>> -> memref<1x256xf32, #tpu.memory_space<hbm>>
    %dma_wait3A_611 = tpu.memref_squeeze %dma_wait3A_610 : memref<1x256xf32, #tpu.memory_space<hbm>> -> memref<256xf32, #tpu.memory_space<hbm>>
    %dma_wait3A_612 = arith.constant 3584 : i32
    %dma_wait3A_613 = tpu.memref_slice %arg9[%dma_wait3A_612] : memref<15360xf32, #tpu.memory_space<vmem>> -> memref<256xf32, #tpu.memory_space<vmem>>
    tpu.wait_dma2 semaphore(%arg11 : memref<!tpu.dma_semaphore, #tpu.memory_space<semaphore_mem>>) src(%dma_wait3A_613 : memref<256xf32, #tpu.memory_space<vmem>>) dst(%dma_wait3A_611 : memref<256xf32, #tpu.memory_space<hbm>>)
    %dma_wait3A_614 = arith.constant 10 : i32
    %dma_wait3A_615 = arith.constant 6656 : i32
    %dma_wait3A_616 = tpu.memref_slice %arg9[%dma_wait3A_615] : memref<15360xf32, #tpu.memory_space<vmem>> -> memref<256xf32, #tpu.memory_space<vmem>>
    %dma_wait3A_617 = tpu.memref_slice %arg5[%dma_wait3A_614, %add3A_91] : memref<48x8192xf32, #tpu.memory_space<hbm>> -> memref<1x256xf32, #tpu.memory_space<hbm>>
    %dma_wait3A_618 = tpu.memref_squeeze %dma_wait3A_617 : memref<1x256xf32, #tpu.memory_space<hbm>> -> memref<256xf32, #tpu.memory_space<hbm>>
    %dma_wait3A_619 = tpu.memref_slice %arg5[%dma_wait3A_614, %add3A_91] : memref<48x8192xf32, #tpu.memory_space<hbm>> -> memref<1x256xf32, #tpu.memory_space<hbm>>
    %dma_wait3A_620 = tpu.memref_squeeze %dma_wait3A_619 : memref<1x256xf32, #tpu.memory_space<hbm>> -> memref<256xf32, #tpu.memory_space<hbm>>
    %dma_wait3A_621 = arith.constant 6656 : i32
    %dma_wait3A_622 = tpu.memref_slice %arg9[%dma_wait3A_621] : memref<15360xf32, #tpu.memory_space<vmem>> -> memref<256xf32, #tpu.memory_space<vmem>>
    tpu.wait_dma2 semaphore(%arg11 : memref<!tpu.dma_semaphore, #tpu.memory_space<semaphore_mem>>) src(%dma_wait3A_622 : memref<256xf32, #tpu.memory_space<vmem>>) dst(%dma_wait3A_620 : memref<256xf32, #tpu.memory_space<hbm>>)
    %dma_wait3A_623 = arith.constant 11 : i32
    %dma_wait3A_624 = arith.constant 9728 : i32
    %dma_wait3A_625 = tpu.memref_slice %arg9[%dma_wait3A_624] : memref<15360xf32, #tpu.memory_space<vmem>> -> memref<256xf32, #tpu.memory_space<vmem>>
    %dma_wait3A_626 = tpu.memref_slice %arg5[%dma_wait3A_623, %add3A_91] : memref<48x8192xf32, #tpu.memory_space<hbm>> -> memref<1x256xf32, #tpu.memory_space<hbm>>
    %dma_wait3A_627 = tpu.memref_squeeze %dma_wait3A_626 : memref<1x256xf32, #tpu.memory_space<hbm>> -> memref<256xf32, #tpu.memory_space<hbm>>
    %dma_wait3A_628 = tpu.memref_slice %arg5[%dma_wait3A_623, %add3A_91] : memref<48x8192xf32, #tpu.memory_space<hbm>> -> memref<1x256xf32, #tpu.memory_space<hbm>>
    %dma_wait3A_629 = tpu.memref_squeeze %dma_wait3A_628 : memref<1x256xf32, #tpu.memory_space<hbm>> -> memref<256xf32, #tpu.memory_space<hbm>>
    %dma_wait3A_630 = arith.constant 9728 : i32
    %dma_wait3A_631 = tpu.memref_slice %arg9[%dma_wait3A_630] : memref<15360xf32, #tpu.memory_space<vmem>> -> memref<256xf32, #tpu.memory_space<vmem>>
    tpu.wait_dma2 semaphore(%arg11 : memref<!tpu.dma_semaphore, #tpu.memory_space<semaphore_mem>>) src(%dma_wait3A_631 : memref<256xf32, #tpu.memory_space<vmem>>) dst(%dma_wait3A_629 : memref<256xf32, #tpu.memory_space<hbm>>)
    %dma_wait3A_632 = arith.constant 12 : i32
    %dma_wait3A_633 = arith.constant 768 : i32
    %dma_wait3A_634 = tpu.memref_slice %arg9[%dma_wait3A_633] : memref<15360xf32, #tpu.memory_space<vmem>> -> memref<256xf32, #tpu.memory_space<vmem>>
    %dma_wait3A_635 = tpu.memref_slice %arg5[%dma_wait3A_632, %add3A_91] : memref<48x8192xf32, #tpu.memory_space<hbm>> -> memref<1x256xf32, #tpu.memory_space<hbm>>
    %dma_wait3A_636 = tpu.memref_squeeze %dma_wait3A_635 : memref<1x256xf32, #tpu.memory_space<hbm>> -> memref<256xf32, #tpu.memory_space<hbm>>
    %dma_wait3A_637 = tpu.memref_slice %arg5[%dma_wait3A_632, %add3A_91] : memref<48x8192xf32, #tpu.memory_space<hbm>> -> memref<1x256xf32, #tpu.memory_space<hbm>>
    %dma_wait3A_638 = tpu.memref_squeeze %dma_wait3A_637 : memref<1x256xf32, #tpu.memory_space<hbm>> -> memref<256xf32, #tpu.memory_space<hbm>>
    %dma_wait3A_639 = arith.constant 768 : i32
    %dma_wait3A_640 = tpu.memref_slice %arg9[%dma_wait3A_639] : memref<15360xf32, #tpu.memory_space<vmem>> -> memref<256xf32, #tpu.memory_space<vmem>>
    tpu.wait_dma2 semaphore(%arg11 : memref<!tpu.dma_semaphore, #tpu.memory_space<semaphore_mem>>) src(%dma_wait3A_640 : memref<256xf32, #tpu.memory_space<vmem>>) dst(%dma_wait3A_638 : memref<256xf32, #tpu.memory_space<hbm>>)
    %dma_wait3A_641 = arith.constant 13 : i32
    %dma_wait3A_642 = arith.constant 3840 : i32
    %dma_wait3A_643 = tpu.memref_slice %arg9[%dma_wait3A_642] : memref<15360xf32, #tpu.memory_space<vmem>> -> memref<256xf32, #tpu.memory_space<vmem>>
    %dma_wait3A_644 = tpu.memref_slice %arg5[%dma_wait3A_641, %add3A_91] : memref<48x8192xf32, #tpu.memory_space<hbm>> -> memref<1x256xf32, #tpu.memory_space<hbm>>
    %dma_wait3A_645 = tpu.memref_squeeze %dma_wait3A_644 : memref<1x256xf32, #tpu.memory_space<hbm>> -> memref<256xf32, #tpu.memory_space<hbm>>
    %dma_wait3A_646 = tpu.memref_slice %arg5[%dma_wait3A_641, %add3A_91] : memref<48x8192xf32, #tpu.memory_space<hbm>> -> memref<1x256xf32, #tpu.memory_space<hbm>>
    %dma_wait3A_647 = tpu.memref_squeeze %dma_wait3A_646 : memref<1x256xf32, #tpu.memory_space<hbm>> -> memref<256xf32, #tpu.memory_space<hbm>>
    %dma_wait3A_648 = arith.constant 3840 : i32
    %dma_wait3A_649 = tpu.memref_slice %arg9[%dma_wait3A_648] : memref<15360xf32, #tpu.memory_space<vmem>> -> memref<256xf32, #tpu.memory_space<vmem>>
    tpu.wait_dma2 semaphore(%arg11 : memref<!tpu.dma_semaphore, #tpu.memory_space<semaphore_mem>>) src(%dma_wait3A_649 : memref<256xf32, #tpu.memory_space<vmem>>) dst(%dma_wait3A_647 : memref<256xf32, #tpu.memory_space<hbm>>)
    %dma_wait3A_650 = arith.constant 14 : i32
    %dma_wait3A_651 = arith.constant 6912 : i32
    %dma_wait3A_652 = tpu.memref_slice %arg9[%dma_wait3A_651] : memref<15360xf32, #tpu.memory_space<vmem>> -> memref<256xf32, #tpu.memory_space<vmem>>
    %dma_wait3A_653 = tpu.memref_slice %arg5[%dma_wait3A_650, %add3A_91] : memref<48x8192xf32, #tpu.memory_space<hbm>> -> memref<1x256xf32, #tpu.memory_space<hbm>>
    %dma_wait3A_654 = tpu.memref_squeeze %dma_wait3A_653 : memref<1x256xf32, #tpu.memory_space<hbm>> -> memref<256xf32, #tpu.memory_space<hbm>>
    %dma_wait3A_655 = tpu.memref_slice %arg5[%dma_wait3A_650, %add3A_91] : memref<48x8192xf32, #tpu.memory_space<hbm>> -> memref<1x256xf32, #tpu.memory_space<hbm>>
    %dma_wait3A_656 = tpu.memref_squeeze %dma_wait3A_655 : memref<1x256xf32, #tpu.memory_space<hbm>> -> memref<256xf32, #tpu.memory_space<hbm>>
    %dma_wait3A_657 = arith.constant 6912 : i32
    %dma_wait3A_658 = tpu.memref_slice %arg9[%dma_wait3A_657] : memref<15360xf32, #tpu.memory_space<vmem>> -> memref<256xf32, #tpu.memory_space<vmem>>
    tpu.wait_dma2 semaphore(%arg11 : memref<!tpu.dma_semaphore, #tpu.memory_space<semaphore_mem>>) src(%dma_wait3A_658 : memref<256xf32, #tpu.memory_space<vmem>>) dst(%dma_wait3A_656 : memref<256xf32, #tpu.memory_space<hbm>>)
    %dma_wait3A_659 = arith.constant 15 : i32
    %dma_wait3A_660 = arith.constant 9984 : i32
    %dma_wait3A_661 = tpu.memref_slice %arg9[%dma_wait3A_660] : memref<15360xf32, #tpu.memory_space<vmem>> -> memref<256xf32, #tpu.memory_space<vmem>>
    %dma_wait3A_662 = tpu.memref_slice %arg5[%dma_wait3A_659, %add3A_91] : memref<48x8192xf32, #tpu.memory_space<hbm>> -> memref<1x256xf32, #tpu.memory_space<hbm>>
    %dma_wait3A_663 = tpu.memref_squeeze %dma_wait3A_662 : memref<1x256xf32, #tpu.memory_space<hbm>> -> memref<256xf32, #tpu.memory_space<hbm>>
    %dma_wait3A_664 = tpu.memref_slice %arg5[%dma_wait3A_659, %add3A_91] : memref<48x8192xf32, #tpu.memory_space<hbm>> -> memref<1x256xf32, #tpu.memory_space<hbm>>
    %dma_wait3A_665 = tpu.memref_squeeze %dma_wait3A_664 : memref<1x256xf32, #tpu.memory_space<hbm>> -> memref<256xf32, #tpu.memory_space<hbm>>
    %dma_wait3A_666 = arith.constant 9984 : i32
    %dma_wait3A_667 = tpu.memref_slice %arg9[%dma_wait3A_666] : memref<15360xf32, #tpu.memory_space<vmem>> -> memref<256xf32, #tpu.memory_space<vmem>>
    tpu.wait_dma2 semaphore(%arg11 : memref<!tpu.dma_semaphore, #tpu.memory_space<semaphore_mem>>) src(%dma_wait3A_667 : memref<256xf32, #tpu.memory_space<vmem>>) dst(%dma_wait3A_665 : memref<256xf32, #tpu.memory_space<hbm>>)
    %dma_wait3A_668 = arith.constant 16 : i32
    %dma_wait3A_669 = arith.constant 1024 : i32
    %dma_wait3A_670 = tpu.memref_slice %arg9[%dma_wait3A_669] : memref<15360xf32, #tpu.memory_space<vmem>> -> memref<256xf32, #tpu.memory_space<vmem>>
    %dma_wait3A_671 = tpu.memref_slice %arg5[%dma_wait3A_668, %add3A_91] : memref<48x8192xf32, #tpu.memory_space<hbm>> -> memref<1x256xf32, #tpu.memory_space<hbm>>
    %dma_wait3A_672 = tpu.memref_squeeze %dma_wait3A_671 : memref<1x256xf32, #tpu.memory_space<hbm>> -> memref<256xf32, #tpu.memory_space<hbm>>
    %dma_wait3A_673 = tpu.memref_slice %arg5[%dma_wait3A_668, %add3A_91] : memref<48x8192xf32, #tpu.memory_space<hbm>> -> memref<1x256xf32, #tpu.memory_space<hbm>>
    %dma_wait3A_674 = tpu.memref_squeeze %dma_wait3A_673 : memref<1x256xf32, #tpu.memory_space<hbm>> -> memref<256xf32, #tpu.memory_space<hbm>>
    %dma_wait3A_675 = arith.constant 1024 : i32
    %dma_wait3A_676 = tpu.memref_slice %arg9[%dma_wait3A_675] : memref<15360xf32, #tpu.memory_space<vmem>> -> memref<256xf32, #tpu.memory_space<vmem>>
    tpu.wait_dma2 semaphore(%arg11 : memref<!tpu.dma_semaphore, #tpu.memory_space<semaphore_mem>>) src(%dma_wait3A_676 : memref<256xf32, #tpu.memory_space<vmem>>) dst(%dma_wait3A_674 : memref<256xf32, #tpu.memory_space<hbm>>)
    %dma_wait3A_677 = arith.constant 17 : i32
    %dma_wait3A_678 = arith.constant 4096 : i32
    %dma_wait3A_679 = tpu.memref_slice %arg9[%dma_wait3A_678] : memref<15360xf32, #tpu.memory_space<vmem>> -> memref<256xf32, #tpu.memory_space<vmem>>
    %dma_wait3A_680 = tpu.memref_slice %arg5[%dma_wait3A_677, %add3A_91] : memref<48x8192xf32, #tpu.memory_space<hbm>> -> memref<1x256xf32, #tpu.memory_space<hbm>>
    %dma_wait3A_681 = tpu.memref_squeeze %dma_wait3A_680 : memref<1x256xf32, #tpu.memory_space<hbm>> -> memref<256xf32, #tpu.memory_space<hbm>>
    %dma_wait3A_682 = tpu.memref_slice %arg5[%dma_wait3A_677, %add3A_91] : memref<48x8192xf32, #tpu.memory_space<hbm>> -> memref<1x256xf32, #tpu.memory_space<hbm>>
    %dma_wait3A_683 = tpu.memref_squeeze %dma_wait3A_682 : memref<1x256xf32, #tpu.memory_space<hbm>> -> memref<256xf32, #tpu.memory_space<hbm>>
    %dma_wait3A_684 = arith.constant 4096 : i32
    %dma_wait3A_685 = tpu.memref_slice %arg9[%dma_wait3A_684] : memref<15360xf32, #tpu.memory_space<vmem>> -> memref<256xf32, #tpu.memory_space<vmem>>
    tpu.wait_dma2 semaphore(%arg11 : memref<!tpu.dma_semaphore, #tpu.memory_space<semaphore_mem>>) src(%dma_wait3A_685 : memref<256xf32, #tpu.memory_space<vmem>>) dst(%dma_wait3A_683 : memref<256xf32, #tpu.memory_space<hbm>>)
    %dma_wait3A_686 = arith.constant 18 : i32
    %dma_wait3A_687 = arith.constant 7168 : i32
    %dma_wait3A_688 = tpu.memref_slice %arg9[%dma_wait3A_687] : memref<15360xf32, #tpu.memory_space<vmem>> -> memref<256xf32, #tpu.memory_space<vmem>>
    %dma_wait3A_689 = tpu.memref_slice %arg5[%dma_wait3A_686, %add3A_91] : memref<48x8192xf32, #tpu.memory_space<hbm>> -> memref<1x256xf32, #tpu.memory_space<hbm>>
    %dma_wait3A_690 = tpu.memref_squeeze %dma_wait3A_689 : memref<1x256xf32, #tpu.memory_space<hbm>> -> memref<256xf32, #tpu.memory_space<hbm>>
    %dma_wait3A_691 = tpu.memref_slice %arg5[%dma_wait3A_686, %add3A_91] : memref<48x8192xf32, #tpu.memory_space<hbm>> -> memref<1x256xf32, #tpu.memory_space<hbm>>
    %dma_wait3A_692 = tpu.memref_squeeze %dma_wait3A_691 : memref<1x256xf32, #tpu.memory_space<hbm>> -> memref<256xf32, #tpu.memory_space<hbm>>
    %dma_wait3A_693 = arith.constant 7168 : i32
    %dma_wait3A_694 = tpu.memref_slice %arg9[%dma_wait3A_693] : memref<15360xf32, #tpu.memory_space<vmem>> -> memref<256xf32, #tpu.memory_space<vmem>>
    tpu.wait_dma2 semaphore(%arg11 : memref<!tpu.dma_semaphore, #tpu.memory_space<semaphore_mem>>) src(%dma_wait3A_694 : memref<256xf32, #tpu.memory_space<vmem>>) dst(%dma_wait3A_692 : memref<256xf32, #tpu.memory_space<hbm>>)
    %dma_wait3A_695 = arith.constant 19 : i32
    %dma_wait3A_696 = arith.constant 10240 : i32
    %dma_wait3A_697 = tpu.memref_slice %arg9[%dma_wait3A_696] : memref<15360xf32, #tpu.memory_space<vmem>> -> memref<256xf32, #tpu.memory_space<vmem>>
    %dma_wait3A_698 = tpu.memref_slice %arg5[%dma_wait3A_695, %add3A_91] : memref<48x8192xf32, #tpu.memory_space<hbm>> -> memref<1x256xf32, #tpu.memory_space<hbm>>
    %dma_wait3A_699 = tpu.memref_squeeze %dma_wait3A_698 : memref<1x256xf32, #tpu.memory_space<hbm>> -> memref<256xf32, #tpu.memory_space<hbm>>
    %dma_wait3A_700 = tpu.memref_slice %arg5[%dma_wait3A_695, %add3A_91] : memref<48x8192xf32, #tpu.memory_space<hbm>> -> memref<1x256xf32, #tpu.memory_space<hbm>>
    %dma_wait3A_701 = tpu.memref_squeeze %dma_wait3A_700 : memref<1x256xf32, #tpu.memory_space<hbm>> -> memref<256xf32, #tpu.memory_space<hbm>>
    %dma_wait3A_702 = arith.constant 10240 : i32
    %dma_wait3A_703 = tpu.memref_slice %arg9[%dma_wait3A_702] : memref<15360xf32, #tpu.memory_space<vmem>> -> memref<256xf32, #tpu.memory_space<vmem>>
    tpu.wait_dma2 semaphore(%arg11 : memref<!tpu.dma_semaphore, #tpu.memory_space<semaphore_mem>>) src(%dma_wait3A_703 : memref<256xf32, #tpu.memory_space<vmem>>) dst(%dma_wait3A_701 : memref<256xf32, #tpu.memory_space<hbm>>)
    %dma_wait3A_704 = arith.constant 20 : i32
    %dma_wait3A_705 = arith.constant 1280 : i32
    %dma_wait3A_706 = tpu.memref_slice %arg9[%dma_wait3A_705] : memref<15360xf32, #tpu.memory_space<vmem>> -> memref<256xf32, #tpu.memory_space<vmem>>
    %dma_wait3A_707 = tpu.memref_slice %arg5[%dma_wait3A_704, %add3A_91] : memref<48x8192xf32, #tpu.memory_space<hbm>> -> memref<1x256xf32, #tpu.memory_space<hbm>>
    %dma_wait3A_708 = tpu.memref_squeeze %dma_wait3A_707 : memref<1x256xf32, #tpu.memory_space<hbm>> -> memref<256xf32, #tpu.memory_space<hbm>>
    %dma_wait3A_709 = tpu.memref_slice %arg5[%dma_wait3A_704, %add3A_91] : memref<48x8192xf32, #tpu.memory_space<hbm>> -> memref<1x256xf32, #tpu.memory_space<hbm>>
    %dma_wait3A_710 = tpu.memref_squeeze %dma_wait3A_709 : memref<1x256xf32, #tpu.memory_space<hbm>> -> memref<256xf32, #tpu.memory_space<hbm>>
    %dma_wait3A_711 = arith.constant 1280 : i32
    %dma_wait3A_712 = tpu.memref_slice %arg9[%dma_wait3A_711] : memref<15360xf32, #tpu.memory_space<vmem>> -> memref<256xf32, #tpu.memory_space<vmem>>
    tpu.wait_dma2 semaphore(%arg11 : memref<!tpu.dma_semaphore, #tpu.memory_space<semaphore_mem>>) src(%dma_wait3A_712 : memref<256xf32, #tpu.memory_space<vmem>>) dst(%dma_wait3A_710 : memref<256xf32, #tpu.memory_space<hbm>>)
    %dma_wait3A_713 = arith.constant 21 : i32
    %dma_wait3A_714 = arith.constant 4352 : i32
    %dma_wait3A_715 = tpu.memref_slice %arg9[%dma_wait3A_714] : memref<15360xf32, #tpu.memory_space<vmem>> -> memref<256xf32, #tpu.memory_space<vmem>>
    %dma_wait3A_716 = tpu.memref_slice %arg5[%dma_wait3A_713, %add3A_91] : memref<48x8192xf32, #tpu.memory_space<hbm>> -> memref<1x256xf32, #tpu.memory_space<hbm>>
    %dma_wait3A_717 = tpu.memref_squeeze %dma_wait3A_716 : memref<1x256xf32, #tpu.memory_space<hbm>> -> memref<256xf32, #tpu.memory_space<hbm>>
    %dma_wait3A_718 = tpu.memref_slice %arg5[%dma_wait3A_713, %add3A_91] : memref<48x8192xf32, #tpu.memory_space<hbm>> -> memref<1x256xf32, #tpu.memory_space<hbm>>
    %dma_wait3A_719 = tpu.memref_squeeze %dma_wait3A_718 : memref<1x256xf32, #tpu.memory_space<hbm>> -> memref<256xf32, #tpu.memory_space<hbm>>
    %dma_wait3A_720 = arith.constant 4352 : i32
    %dma_wait3A_721 = tpu.memref_slice %arg9[%dma_wait3A_720] : memref<15360xf32, #tpu.memory_space<vmem>> -> memref<256xf32, #tpu.memory_space<vmem>>
    tpu.wait_dma2 semaphore(%arg11 : memref<!tpu.dma_semaphore, #tpu.memory_space<semaphore_mem>>) src(%dma_wait3A_721 : memref<256xf32, #tpu.memory_space<vmem>>) dst(%dma_wait3A_719 : memref<256xf32, #tpu.memory_space<hbm>>)
    %dma_wait3A_722 = arith.constant 22 : i32
    %dma_wait3A_723 = arith.constant 7424 : i32
    %dma_wait3A_724 = tpu.memref_slice %arg9[%dma_wait3A_723] : memref<15360xf32, #tpu.memory_space<vmem>> -> memref<256xf32, #tpu.memory_space<vmem>>
    %dma_wait3A_725 = tpu.memref_slice %arg5[%dma_wait3A_722, %add3A_91] : memref<48x8192xf32, #tpu.memory_space<hbm>> -> memref<1x256xf32, #tpu.memory_space<hbm>>
    %dma_wait3A_726 = tpu.memref_squeeze %dma_wait3A_725 : memref<1x256xf32, #tpu.memory_space<hbm>> -> memref<256xf32, #tpu.memory_space<hbm>>
    %dma_wait3A_727 = tpu.memref_slice %arg5[%dma_wait3A_722, %add3A_91] : memref<48x8192xf32, #tpu.memory_space<hbm>> -> memref<1x256xf32, #tpu.memory_space<hbm>>
    %dma_wait3A_728 = tpu.memref_squeeze %dma_wait3A_727 : memref<1x256xf32, #tpu.memory_space<hbm>> -> memref<256xf32, #tpu.memory_space<hbm>>
    %dma_wait3A_729 = arith.constant 7424 : i32
    %dma_wait3A_730 = tpu.memref_slice %arg9[%dma_wait3A_729] : memref<15360xf32, #tpu.memory_space<vmem>> -> memref<256xf32, #tpu.memory_space<vmem>>
    tpu.wait_dma2 semaphore(%arg11 : memref<!tpu.dma_semaphore, #tpu.memory_space<semaphore_mem>>) src(%dma_wait3A_730 : memref<256xf32, #tpu.memory_space<vmem>>) dst(%dma_wait3A_728 : memref<256xf32, #tpu.memory_space<hbm>>)
    %dma_wait3A_731 = arith.constant 23 : i32
    %dma_wait3A_732 = arith.constant 10496 : i32
    %dma_wait3A_733 = tpu.memref_slice %arg9[%dma_wait3A_732] : memref<15360xf32, #tpu.memory_space<vmem>> -> memref<256xf32, #tpu.memory_space<vmem>>
    %dma_wait3A_734 = tpu.memref_slice %arg5[%dma_wait3A_731, %add3A_91] : memref<48x8192xf32, #tpu.memory_space<hbm>> -> memref<1x256xf32, #tpu.memory_space<hbm>>
    %dma_wait3A_735 = tpu.memref_squeeze %dma_wait3A_734 : memref<1x256xf32, #tpu.memory_space<hbm>> -> memref<256xf32, #tpu.memory_space<hbm>>
    %dma_wait3A_736 = tpu.memref_slice %arg5[%dma_wait3A_731, %add3A_91] : memref<48x8192xf32, #tpu.memory_space<hbm>> -> memref<1x256xf32, #tpu.memory_space<hbm>>
    %dma_wait3A_737 = tpu.memref_squeeze %dma_wait3A_736 : memref<1x256xf32, #tpu.memory_space<hbm>> -> memref<256xf32, #tpu.memory_space<hbm>>
    %dma_wait3A_738 = arith.constant 10496 : i32
    %dma_wait3A_739 = tpu.memref_slice %arg9[%dma_wait3A_738] : memref<15360xf32, #tpu.memory_space<vmem>> -> memref<256xf32, #tpu.memory_space<vmem>>
    tpu.wait_dma2 semaphore(%arg11 : memref<!tpu.dma_semaphore, #tpu.memory_space<semaphore_mem>>) src(%dma_wait3A_739 : memref<256xf32, #tpu.memory_space<vmem>>) dst(%dma_wait3A_737 : memref<256xf32, #tpu.memory_space<hbm>>)
    %dma_wait3A_740 = arith.constant 24 : i32
    %dma_wait3A_741 = arith.constant 1536 : i32
    %dma_wait3A_742 = tpu.memref_slice %arg9[%dma_wait3A_741] : memref<15360xf32, #tpu.memory_space<vmem>> -> memref<256xf32, #tpu.memory_space<vmem>>
    %dma_wait3A_743 = tpu.memref_slice %arg5[%dma_wait3A_740, %add3A_91] : memref<48x8192xf32, #tpu.memory_space<hbm>> -> memref<1x256xf32, #tpu.memory_space<hbm>>
    %dma_wait3A_744 = tpu.memref_squeeze %dma_wait3A_743 : memref<1x256xf32, #tpu.memory_space<hbm>> -> memref<256xf32, #tpu.memory_space<hbm>>
    %dma_wait3A_745 = tpu.memref_slice %arg5[%dma_wait3A_740, %add3A_91] : memref<48x8192xf32, #tpu.memory_space<hbm>> -> memref<1x256xf32, #tpu.memory_space<hbm>>
    %dma_wait3A_746 = tpu.memref_squeeze %dma_wait3A_745 : memref<1x256xf32, #tpu.memory_space<hbm>> -> memref<256xf32, #tpu.memory_space<hbm>>
    %dma_wait3A_747 = arith.constant 1536 : i32
    %dma_wait3A_748 = tpu.memref_slice %arg9[%dma_wait3A_747] : memref<15360xf32, #tpu.memory_space<vmem>> -> memref<256xf32, #tpu.memory_space<vmem>>
    tpu.wait_dma2 semaphore(%arg11 : memref<!tpu.dma_semaphore, #tpu.memory_space<semaphore_mem>>) src(%dma_wait3A_748 : memref<256xf32, #tpu.memory_space<vmem>>) dst(%dma_wait3A_746 : memref<256xf32, #tpu.memory_space<hbm>>)
    %dma_wait3A_749 = arith.constant 25 : i32
    %dma_wait3A_750 = arith.constant 4608 : i32
    %dma_wait3A_751 = tpu.memref_slice %arg9[%dma_wait3A_750] : memref<15360xf32, #tpu.memory_space<vmem>> -> memref<256xf32, #tpu.memory_space<vmem>>
    %dma_wait3A_752 = tpu.memref_slice %arg5[%dma_wait3A_749, %add3A_91] : memref<48x8192xf32, #tpu.memory_space<hbm>> -> memref<1x256xf32, #tpu.memory_space<hbm>>
    %dma_wait3A_753 = tpu.memref_squeeze %dma_wait3A_752 : memref<1x256xf32, #tpu.memory_space<hbm>> -> memref<256xf32, #tpu.memory_space<hbm>>
    %dma_wait3A_754 = tpu.memref_slice %arg5[%dma_wait3A_749, %add3A_91] : memref<48x8192xf32, #tpu.memory_space<hbm>> -> memref<1x256xf32, #tpu.memory_space<hbm>>
    %dma_wait3A_755 = tpu.memref_squeeze %dma_wait3A_754 : memref<1x256xf32, #tpu.memory_space<hbm>> -> memref<256xf32, #tpu.memory_space<hbm>>
    %dma_wait3A_756 = arith.constant 4608 : i32
    %dma_wait3A_757 = tpu.memref_slice %arg9[%dma_wait3A_756] : memref<15360xf32, #tpu.memory_space<vmem>> -> memref<256xf32, #tpu.memory_space<vmem>>
    tpu.wait_dma2 semaphore(%arg11 : memref<!tpu.dma_semaphore, #tpu.memory_space<semaphore_mem>>) src(%dma_wait3A_757 : memref<256xf32, #tpu.memory_space<vmem>>) dst(%dma_wait3A_755 : memref<256xf32, #tpu.memory_space<hbm>>)
    %dma_wait3A_758 = arith.constant 26 : i32
    %dma_wait3A_759 = arith.constant 7680 : i32
    %dma_wait3A_760 = tpu.memref_slice %arg9[%dma_wait3A_759] : memref<15360xf32, #tpu.memory_space<vmem>> -> memref<256xf32, #tpu.memory_space<vmem>>
    %dma_wait3A_761 = tpu.memref_slice %arg5[%dma_wait3A_758, %add3A_91] : memref<48x8192xf32, #tpu.memory_space<hbm>> -> memref<1x256xf32, #tpu.memory_space<hbm>>
    %dma_wait3A_762 = tpu.memref_squeeze %dma_wait3A_761 : memref<1x256xf32, #tpu.memory_space<hbm>> -> memref<256xf32, #tpu.memory_space<hbm>>
    %dma_wait3A_763 = tpu.memref_slice %arg5[%dma_wait3A_758, %add3A_91] : memref<48x8192xf32, #tpu.memory_space<hbm>> -> memref<1x256xf32, #tpu.memory_space<hbm>>
    %dma_wait3A_764 = tpu.memref_squeeze %dma_wait3A_763 : memref<1x256xf32, #tpu.memory_space<hbm>> -> memref<256xf32, #tpu.memory_space<hbm>>
    %dma_wait3A_765 = arith.constant 7680 : i32
    %dma_wait3A_766 = tpu.memref_slice %arg9[%dma_wait3A_765] : memref<15360xf32, #tpu.memory_space<vmem>> -> memref<256xf32, #tpu.memory_space<vmem>>
    tpu.wait_dma2 semaphore(%arg11 : memref<!tpu.dma_semaphore, #tpu.memory_space<semaphore_mem>>) src(%dma_wait3A_766 : memref<256xf32, #tpu.memory_space<vmem>>) dst(%dma_wait3A_764 : memref<256xf32, #tpu.memory_space<hbm>>)
    %dma_wait3A_767 = arith.constant 27 : i32
    %dma_wait3A_768 = arith.constant 10752 : i32
    %dma_wait3A_769 = tpu.memref_slice %arg9[%dma_wait3A_768] : memref<15360xf32, #tpu.memory_space<vmem>> -> memref<256xf32, #tpu.memory_space<vmem>>
    %dma_wait3A_770 = tpu.memref_slice %arg5[%dma_wait3A_767, %add3A_91] : memref<48x8192xf32, #tpu.memory_space<hbm>> -> memref<1x256xf32, #tpu.memory_space<hbm>>
    %dma_wait3A_771 = tpu.memref_squeeze %dma_wait3A_770 : memref<1x256xf32, #tpu.memory_space<hbm>> -> memref<256xf32, #tpu.memory_space<hbm>>
    %dma_wait3A_772 = tpu.memref_slice %arg5[%dma_wait3A_767, %add3A_91] : memref<48x8192xf32, #tpu.memory_space<hbm>> -> memref<1x256xf32, #tpu.memory_space<hbm>>
    %dma_wait3A_773 = tpu.memref_squeeze %dma_wait3A_772 : memref<1x256xf32, #tpu.memory_space<hbm>> -> memref<256xf32, #tpu.memory_space<hbm>>
    %dma_wait3A_774 = arith.constant 10752 : i32
    %dma_wait3A_775 = tpu.memref_slice %arg9[%dma_wait3A_774] : memref<15360xf32, #tpu.memory_space<vmem>> -> memref<256xf32, #tpu.memory_space<vmem>>
    tpu.wait_dma2 semaphore(%arg11 : memref<!tpu.dma_semaphore, #tpu.memory_space<semaphore_mem>>) src(%dma_wait3A_775 : memref<256xf32, #tpu.memory_space<vmem>>) dst(%dma_wait3A_773 : memref<256xf32, #tpu.memory_space<hbm>>)
    %dma_wait3A_776 = arith.constant 28 : i32
    %dma_wait3A_777 = arith.constant 1792 : i32
    %dma_wait3A_778 = tpu.memref_slice %arg9[%dma_wait3A_777] : memref<15360xf32, #tpu.memory_space<vmem>> -> memref<256xf32, #tpu.memory_space<vmem>>
    %dma_wait3A_779 = tpu.memref_slice %arg5[%dma_wait3A_776, %add3A_91] : memref<48x8192xf32, #tpu.memory_space<hbm>> -> memref<1x256xf32, #tpu.memory_space<hbm>>
    %dma_wait3A_780 = tpu.memref_squeeze %dma_wait3A_779 : memref<1x256xf32, #tpu.memory_space<hbm>> -> memref<256xf32, #tpu.memory_space<hbm>>
    %dma_wait3A_781 = tpu.memref_slice %arg5[%dma_wait3A_776, %add3A_91] : memref<48x8192xf32, #tpu.memory_space<hbm>> -> memref<1x256xf32, #tpu.memory_space<hbm>>
    %dma_wait3A_782 = tpu.memref_squeeze %dma_wait3A_781 : memref<1x256xf32, #tpu.memory_space<hbm>> -> memref<256xf32, #tpu.memory_space<hbm>>
    %dma_wait3A_783 = arith.constant 1792 : i32
    %dma_wait3A_784 = tpu.memref_slice %arg9[%dma_wait3A_783] : memref<15360xf32, #tpu.memory_space<vmem>> -> memref<256xf32, #tpu.memory_space<vmem>>
    tpu.wait_dma2 semaphore(%arg11 : memref<!tpu.dma_semaphore, #tpu.memory_space<semaphore_mem>>) src(%dma_wait3A_784 : memref<256xf32, #tpu.memory_space<vmem>>) dst(%dma_wait3A_782 : memref<256xf32, #tpu.memory_space<hbm>>)
    %dma_wait3A_785 = arith.constant 29 : i32
    %dma_wait3A_786 = arith.constant 4864 : i32
    %dma_wait3A_787 = tpu.memref_slice %arg9[%dma_wait3A_786] : memref<15360xf32, #tpu.memory_space<vmem>> -> memref<256xf32, #tpu.memory_space<vmem>>
    %dma_wait3A_788 = tpu.memref_slice %arg5[%dma_wait3A_785, %add3A_91] : memref<48x8192xf32, #tpu.memory_space<hbm>> -> memref<1x256xf32, #tpu.memory_space<hbm>>
    %dma_wait3A_789 = tpu.memref_squeeze %dma_wait3A_788 : memref<1x256xf32, #tpu.memory_space<hbm>> -> memref<256xf32, #tpu.memory_space<hbm>>
    %dma_wait3A_790 = tpu.memref_slice %arg5[%dma_wait3A_785, %add3A_91] : memref<48x8192xf32, #tpu.memory_space<hbm>> -> memref<1x256xf32, #tpu.memory_space<hbm>>
    %dma_wait3A_791 = tpu.memref_squeeze %dma_wait3A_790 : memref<1x256xf32, #tpu.memory_space<hbm>> -> memref<256xf32, #tpu.memory_space<hbm>>
    %dma_wait3A_792 = arith.constant 4864 : i32
    %dma_wait3A_793 = tpu.memref_slice %arg9[%dma_wait3A_792] : memref<15360xf32, #tpu.memory_space<vmem>> -> memref<256xf32, #tpu.memory_space<vmem>>
    tpu.wait_dma2 semaphore(%arg11 : memref<!tpu.dma_semaphore, #tpu.memory_space<semaphore_mem>>) src(%dma_wait3A_793 : memref<256xf32, #tpu.memory_space<vmem>>) dst(%dma_wait3A_791 : memref<256xf32, #tpu.memory_space<hbm>>)
    %dma_wait3A_794 = arith.constant 30 : i32
    %dma_wait3A_795 = arith.constant 7936 : i32
    %dma_wait3A_796 = tpu.memref_slice %arg9[%dma_wait3A_795] : memref<15360xf32, #tpu.memory_space<vmem>> -> memref<256xf32, #tpu.memory_space<vmem>>
    %dma_wait3A_797 = tpu.memref_slice %arg5[%dma_wait3A_794, %add3A_91] : memref<48x8192xf32, #tpu.memory_space<hbm>> -> memref<1x256xf32, #tpu.memory_space<hbm>>
    %dma_wait3A_798 = tpu.memref_squeeze %dma_wait3A_797 : memref<1x256xf32, #tpu.memory_space<hbm>> -> memref<256xf32, #tpu.memory_space<hbm>>
    %dma_wait3A_799 = tpu.memref_slice %arg5[%dma_wait3A_794, %add3A_91] : memref<48x8192xf32, #tpu.memory_space<hbm>> -> memref<1x256xf32, #tpu.memory_space<hbm>>
    %dma_wait3A_800 = tpu.memref_squeeze %dma_wait3A_799 : memref<1x256xf32, #tpu.memory_space<hbm>> -> memref<256xf32, #tpu.memory_space<hbm>>
    %dma_wait3A_801 = arith.constant 7936 : i32
    %dma_wait3A_802 = tpu.memref_slice %arg9[%dma_wait3A_801] : memref<15360xf32, #tpu.memory_space<vmem>> -> memref<256xf32, #tpu.memory_space<vmem>>
    tpu.wait_dma2 semaphore(%arg11 : memref<!tpu.dma_semaphore, #tpu.memory_space<semaphore_mem>>) src(%dma_wait3A_802 : memref<256xf32, #tpu.memory_space<vmem>>) dst(%dma_wait3A_800 : memref<256xf32, #tpu.memory_space<hbm>>)
    %dma_wait3A_803 = arith.constant 31 : i32
    %dma_wait3A_804 = arith.constant 11008 : i32
    %dma_wait3A_805 = tpu.memref_slice %arg9[%dma_wait3A_804] : memref<15360xf32, #tpu.memory_space<vmem>> -> memref<256xf32, #tpu.memory_space<vmem>>
    %dma_wait3A_806 = tpu.memref_slice %arg5[%dma_wait3A_803, %add3A_91] : memref<48x8192xf32, #tpu.memory_space<hbm>> -> memref<1x256xf32, #tpu.memory_space<hbm>>
    %dma_wait3A_807 = tpu.memref_squeeze %dma_wait3A_806 : memref<1x256xf32, #tpu.memory_space<hbm>> -> memref<256xf32, #tpu.memory_space<hbm>>
    %dma_wait3A_808 = tpu.memref_slice %arg5[%dma_wait3A_803, %add3A_91] : memref<48x8192xf32, #tpu.memory_space<hbm>> -> memref<1x256xf32, #tpu.memory_space<hbm>>
    %dma_wait3A_809 = tpu.memref_squeeze %dma_wait3A_808 : memref<1x256xf32, #tpu.memory_space<hbm>> -> memref<256xf32, #tpu.memory_space<hbm>>
    %dma_wait3A_810 = arith.constant 11008 : i32
    %dma_wait3A_811 = tpu.memref_slice %arg9[%dma_wait3A_810] : memref<15360xf32, #tpu.memory_space<vmem>> -> memref<256xf32, #tpu.memory_space<vmem>>
    tpu.wait_dma2 semaphore(%arg11 : memref<!tpu.dma_semaphore, #tpu.memory_space<semaphore_mem>>) src(%dma_wait3A_811 : memref<256xf32, #tpu.memory_space<vmem>>) dst(%dma_wait3A_809 : memref<256xf32, #tpu.memory_space<hbm>>)
    %dma_wait3A_812 = arith.constant 32 : i32
    %dma_wait3A_813 = arith.constant 2048 : i32
    %dma_wait3A_814 = tpu.memref_slice %arg9[%dma_wait3A_813] : memref<15360xf32, #tpu.memory_space<vmem>> -> memref<256xf32, #tpu.memory_space<vmem>>
    %dma_wait3A_815 = tpu.memref_slice %arg5[%dma_wait3A_812, %add3A_91] : memref<48x8192xf32, #tpu.memory_space<hbm>> -> memref<1x256xf32, #tpu.memory_space<hbm>>
    %dma_wait3A_816 = tpu.memref_squeeze %dma_wait3A_815 : memref<1x256xf32, #tpu.memory_space<hbm>> -> memref<256xf32, #tpu.memory_space<hbm>>
    %dma_wait3A_817 = tpu.memref_slice %arg5[%dma_wait3A_812, %add3A_91] : memref<48x8192xf32, #tpu.memory_space<hbm>> -> memref<1x256xf32, #tpu.memory_space<hbm>>
    %dma_wait3A_818 = tpu.memref_squeeze %dma_wait3A_817 : memref<1x256xf32, #tpu.memory_space<hbm>> -> memref<256xf32, #tpu.memory_space<hbm>>
    %dma_wait3A_819 = arith.constant 2048 : i32
    %dma_wait3A_820 = tpu.memref_slice %arg9[%dma_wait3A_819] : memref<15360xf32, #tpu.memory_space<vmem>> -> memref<256xf32, #tpu.memory_space<vmem>>
    tpu.wait_dma2 semaphore(%arg11 : memref<!tpu.dma_semaphore, #tpu.memory_space<semaphore_mem>>) src(%dma_wait3A_820 : memref<256xf32, #tpu.memory_space<vmem>>) dst(%dma_wait3A_818 : memref<256xf32, #tpu.memory_space<hbm>>)
    %dma_wait3A_821 = arith.constant 33 : i32
    %dma_wait3A_822 = arith.constant 5120 : i32
    %dma_wait3A_823 = tpu.memref_slice %arg9[%dma_wait3A_822] : memref<15360xf32, #tpu.memory_space<vmem>> -> memref<256xf32, #tpu.memory_space<vmem>>
    %dma_wait3A_824 = tpu.memref_slice %arg5[%dma_wait3A_821, %add3A_91] : memref<48x8192xf32, #tpu.memory_space<hbm>> -> memref<1x256xf32, #tpu.memory_space<hbm>>
    %dma_wait3A_825 = tpu.memref_squeeze %dma_wait3A_824 : memref<1x256xf32, #tpu.memory_space<hbm>> -> memref<256xf32, #tpu.memory_space<hbm>>
    %dma_wait3A_826 = tpu.memref_slice %arg5[%dma_wait3A_821, %add3A_91] : memref<48x8192xf32, #tpu.memory_space<hbm>> -> memref<1x256xf32, #tpu.memory_space<hbm>>
    %dma_wait3A_827 = tpu.memref_squeeze %dma_wait3A_826 : memref<1x256xf32, #tpu.memory_space<hbm>> -> memref<256xf32, #tpu.memory_space<hbm>>
    %dma_wait3A_828 = arith.constant 5120 : i32
    %dma_wait3A_829 = tpu.memref_slice %arg9[%dma_wait3A_828] : memref<15360xf32, #tpu.memory_space<vmem>> -> memref<256xf32, #tpu.memory_space<vmem>>
    tpu.wait_dma2 semaphore(%arg11 : memref<!tpu.dma_semaphore, #tpu.memory_space<semaphore_mem>>) src(%dma_wait3A_829 : memref<256xf32, #tpu.memory_space<vmem>>) dst(%dma_wait3A_827 : memref<256xf32, #tpu.memory_space<hbm>>)
    %dma_wait3A_830 = arith.constant 34 : i32
    %dma_wait3A_831 = arith.constant 8192 : i32
    %dma_wait3A_832 = tpu.memref_slice %arg9[%dma_wait3A_831] : memref<15360xf32, #tpu.memory_space<vmem>> -> memref<256xf32, #tpu.memory_space<vmem>>
    %dma_wait3A_833 = tpu.memref_slice %arg5[%dma_wait3A_830, %add3A_91] : memref<48x8192xf32, #tpu.memory_space<hbm>> -> memref<1x256xf32, #tpu.memory_space<hbm>>
    %dma_wait3A_834 = tpu.memref_squeeze %dma_wait3A_833 : memref<1x256xf32, #tpu.memory_space<hbm>> -> memref<256xf32, #tpu.memory_space<hbm>>
    %dma_wait3A_835 = tpu.memref_slice %arg5[%dma_wait3A_830, %add3A_91] : memref<48x8192xf32, #tpu.memory_space<hbm>> -> memref<1x256xf32, #tpu.memory_space<hbm>>
    %dma_wait3A_836 = tpu.memref_squeeze %dma_wait3A_835 : memref<1x256xf32, #tpu.memory_space<hbm>> -> memref<256xf32, #tpu.memory_space<hbm>>
    %dma_wait3A_837 = arith.constant 8192 : i32
    %dma_wait3A_838 = tpu.memref_slice %arg9[%dma_wait3A_837] : memref<15360xf32, #tpu.memory_space<vmem>> -> memref<256xf32, #tpu.memory_space<vmem>>
    tpu.wait_dma2 semaphore(%arg11 : memref<!tpu.dma_semaphore, #tpu.memory_space<semaphore_mem>>) src(%dma_wait3A_838 : memref<256xf32, #tpu.memory_space<vmem>>) dst(%dma_wait3A_836 : memref<256xf32, #tpu.memory_space<hbm>>)
    %dma_wait3A_839 = arith.constant 35 : i32
    %dma_wait3A_840 = arith.constant 11264 : i32
    %dma_wait3A_841 = tpu.memref_slice %arg9[%dma_wait3A_840] : memref<15360xf32, #tpu.memory_space<vmem>> -> memref<256xf32, #tpu.memory_space<vmem>>
    %dma_wait3A_842 = tpu.memref_slice %arg5[%dma_wait3A_839, %add3A_91] : memref<48x8192xf32, #tpu.memory_space<hbm>> -> memref<1x256xf32, #tpu.memory_space<hbm>>
    %dma_wait3A_843 = tpu.memref_squeeze %dma_wait3A_842 : memref<1x256xf32, #tpu.memory_space<hbm>> -> memref<256xf32, #tpu.memory_space<hbm>>
    %dma_wait3A_844 = tpu.memref_slice %arg5[%dma_wait3A_839, %add3A_91] : memref<48x8192xf32, #tpu.memory_space<hbm>> -> memref<1x256xf32, #tpu.memory_space<hbm>>
    %dma_wait3A_845 = tpu.memref_squeeze %dma_wait3A_844 : memref<1x256xf32, #tpu.memory_space<hbm>> -> memref<256xf32, #tpu.memory_space<hbm>>
    %dma_wait3A_846 = arith.constant 11264 : i32
    %dma_wait3A_847 = tpu.memref_slice %arg9[%dma_wait3A_846] : memref<15360xf32, #tpu.memory_space<vmem>> -> memref<256xf32, #tpu.memory_space<vmem>>
    tpu.wait_dma2 semaphore(%arg11 : memref<!tpu.dma_semaphore, #tpu.memory_space<semaphore_mem>>) src(%dma_wait3A_847 : memref<256xf32, #tpu.memory_space<vmem>>) dst(%dma_wait3A_845 : memref<256xf32, #tpu.memory_space<hbm>>)
    %dma_wait3A_848 = arith.constant 36 : i32
    %dma_wait3A_849 = arith.constant 2304 : i32
    %dma_wait3A_850 = tpu.memref_slice %arg9[%dma_wait3A_849] : memref<15360xf32, #tpu.memory_space<vmem>> -> memref<256xf32, #tpu.memory_space<vmem>>
    %dma_wait3A_851 = tpu.memref_slice %arg5[%dma_wait3A_848, %add3A_91] : memref<48x8192xf32, #tpu.memory_space<hbm>> -> memref<1x256xf32, #tpu.memory_space<hbm>>
    %dma_wait3A_852 = tpu.memref_squeeze %dma_wait3A_851 : memref<1x256xf32, #tpu.memory_space<hbm>> -> memref<256xf32, #tpu.memory_space<hbm>>
    %dma_wait3A_853 = tpu.memref_slice %arg5[%dma_wait3A_848, %add3A_91] : memref<48x8192xf32, #tpu.memory_space<hbm>> -> memref<1x256xf32, #tpu.memory_space<hbm>>
    %dma_wait3A_854 = tpu.memref_squeeze %dma_wait3A_853 : memref<1x256xf32, #tpu.memory_space<hbm>> -> memref<256xf32, #tpu.memory_space<hbm>>
    %dma_wait3A_855 = arith.constant 2304 : i32
    %dma_wait3A_856 = tpu.memref_slice %arg9[%dma_wait3A_855] : memref<15360xf32, #tpu.memory_space<vmem>> -> memref<256xf32, #tpu.memory_space<vmem>>
    tpu.wait_dma2 semaphore(%arg11 : memref<!tpu.dma_semaphore, #tpu.memory_space<semaphore_mem>>) src(%dma_wait3A_856 : memref<256xf32, #tpu.memory_space<vmem>>) dst(%dma_wait3A_854 : memref<256xf32, #tpu.memory_space<hbm>>)
    %dma_wait3A_857 = arith.constant 37 : i32
    %dma_wait3A_858 = arith.constant 5376 : i32
    %dma_wait3A_859 = tpu.memref_slice %arg9[%dma_wait3A_858] : memref<15360xf32, #tpu.memory_space<vmem>> -> memref<256xf32, #tpu.memory_space<vmem>>
    %dma_wait3A_860 = tpu.memref_slice %arg5[%dma_wait3A_857, %add3A_91] : memref<48x8192xf32, #tpu.memory_space<hbm>> -> memref<1x256xf32, #tpu.memory_space<hbm>>
    %dma_wait3A_861 = tpu.memref_squeeze %dma_wait3A_860 : memref<1x256xf32, #tpu.memory_space<hbm>> -> memref<256xf32, #tpu.memory_space<hbm>>
    %dma_wait3A_862 = tpu.memref_slice %arg5[%dma_wait3A_857, %add3A_91] : memref<48x8192xf32, #tpu.memory_space<hbm>> -> memref<1x256xf32, #tpu.memory_space<hbm>>
    %dma_wait3A_863 = tpu.memref_squeeze %dma_wait3A_862 : memref<1x256xf32, #tpu.memory_space<hbm>> -> memref<256xf32, #tpu.memory_space<hbm>>
    %dma_wait3A_864 = arith.constant 5376 : i32
    %dma_wait3A_865 = tpu.memref_slice %arg9[%dma_wait3A_864] : memref<15360xf32, #tpu.memory_space<vmem>> -> memref<256xf32, #tpu.memory_space<vmem>>
    tpu.wait_dma2 semaphore(%arg11 : memref<!tpu.dma_semaphore, #tpu.memory_space<semaphore_mem>>) src(%dma_wait3A_865 : memref<256xf32, #tpu.memory_space<vmem>>) dst(%dma_wait3A_863 : memref<256xf32, #tpu.memory_space<hbm>>)
    %dma_wait3A_866 = arith.constant 38 : i32
    %dma_wait3A_867 = arith.constant 8448 : i32
    %dma_wait3A_868 = tpu.memref_slice %arg9[%dma_wait3A_867] : memref<15360xf32, #tpu.memory_space<vmem>> -> memref<256xf32, #tpu.memory_space<vmem>>
    %dma_wait3A_869 = tpu.memref_slice %arg5[%dma_wait3A_866, %add3A_91] : memref<48x8192xf32, #tpu.memory_space<hbm>> -> memref<1x256xf32, #tpu.memory_space<hbm>>
    %dma_wait3A_870 = tpu.memref_squeeze %dma_wait3A_869 : memref<1x256xf32, #tpu.memory_space<hbm>> -> memref<256xf32, #tpu.memory_space<hbm>>
    %dma_wait3A_871 = tpu.memref_slice %arg5[%dma_wait3A_866, %add3A_91] : memref<48x8192xf32, #tpu.memory_space<hbm>> -> memref<1x256xf32, #tpu.memory_space<hbm>>
    %dma_wait3A_872 = tpu.memref_squeeze %dma_wait3A_871 : memref<1x256xf32, #tpu.memory_space<hbm>> -> memref<256xf32, #tpu.memory_space<hbm>>
    %dma_wait3A_873 = arith.constant 8448 : i32
    %dma_wait3A_874 = tpu.memref_slice %arg9[%dma_wait3A_873] : memref<15360xf32, #tpu.memory_space<vmem>> -> memref<256xf32, #tpu.memory_space<vmem>>
    tpu.wait_dma2 semaphore(%arg11 : memref<!tpu.dma_semaphore, #tpu.memory_space<semaphore_mem>>) src(%dma_wait3A_874 : memref<256xf32, #tpu.memory_space<vmem>>) dst(%dma_wait3A_872 : memref<256xf32, #tpu.memory_space<hbm>>)
    %dma_wait3A_875 = arith.constant 39 : i32
    %dma_wait3A_876 = arith.constant 11520 : i32
    %dma_wait3A_877 = tpu.memref_slice %arg9[%dma_wait3A_876] : memref<15360xf32, #tpu.memory_space<vmem>> -> memref<256xf32, #tpu.memory_space<vmem>>
    %dma_wait3A_878 = tpu.memref_slice %arg5[%dma_wait3A_875, %add3A_91] : memref<48x8192xf32, #tpu.memory_space<hbm>> -> memref<1x256xf32, #tpu.memory_space<hbm>>
    %dma_wait3A_879 = tpu.memref_squeeze %dma_wait3A_878 : memref<1x256xf32, #tpu.memory_space<hbm>> -> memref<256xf32, #tpu.memory_space<hbm>>
    %dma_wait3A_880 = tpu.memref_slice %arg5[%dma_wait3A_875, %add3A_91] : memref<48x8192xf32, #tpu.memory_space<hbm>> -> memref<1x256xf32, #tpu.memory_space<hbm>>
    %dma_wait3A_881 = tpu.memref_squeeze %dma_wait3A_880 : memref<1x256xf32, #tpu.memory_space<hbm>> -> memref<256xf32, #tpu.memory_space<hbm>>
    %dma_wait3A_882 = arith.constant 11520 : i32
    %dma_wait3A_883 = tpu.memref_slice %arg9[%dma_wait3A_882] : memref<15360xf32, #tpu.memory_space<vmem>> -> memref<256xf32, #tpu.memory_space<vmem>>
    tpu.wait_dma2 semaphore(%arg11 : memref<!tpu.dma_semaphore, #tpu.memory_space<semaphore_mem>>) src(%dma_wait3A_883 : memref<256xf32, #tpu.memory_space<vmem>>) dst(%dma_wait3A_881 : memref<256xf32, #tpu.memory_space<hbm>>)
    %dma_wait3A_884 = arith.constant 40 : i32
    %dma_wait3A_885 = arith.constant 2560 : i32
    %dma_wait3A_886 = tpu.memref_slice %arg9[%dma_wait3A_885] : memref<15360xf32, #tpu.memory_space<vmem>> -> memref<256xf32, #tpu.memory_space<vmem>>
    %dma_wait3A_887 = tpu.memref_slice %arg5[%dma_wait3A_884, %add3A_91] : memref<48x8192xf32, #tpu.memory_space<hbm>> -> memref<1x256xf32, #tpu.memory_space<hbm>>
    %dma_wait3A_888 = tpu.memref_squeeze %dma_wait3A_887 : memref<1x256xf32, #tpu.memory_space<hbm>> -> memref<256xf32, #tpu.memory_space<hbm>>
    %dma_wait3A_889 = tpu.memref_slice %arg5[%dma_wait3A_884, %add3A_91] : memref<48x8192xf32, #tpu.memory_space<hbm>> -> memref<1x256xf32, #tpu.memory_space<hbm>>
    %dma_wait3A_890 = tpu.memref_squeeze %dma_wait3A_889 : memref<1x256xf32, #tpu.memory_space<hbm>> -> memref<256xf32, #tpu.memory_space<hbm>>
    %dma_wait3A_891 = arith.constant 2560 : i32
    %dma_wait3A_892 = tpu.memref_slice %arg9[%dma_wait3A_891] : memref<15360xf32, #tpu.memory_space<vmem>> -> memref<256xf32, #tpu.memory_space<vmem>>
    tpu.wait_dma2 semaphore(%arg11 : memref<!tpu.dma_semaphore, #tpu.memory_space<semaphore_mem>>) src(%dma_wait3A_892 : memref<256xf32, #tpu.memory_space<vmem>>) dst(%dma_wait3A_890 : memref<256xf32, #tpu.memory_space<hbm>>)
    %dma_wait3A_893 = arith.constant 41 : i32
    %dma_wait3A_894 = arith.constant 5632 : i32
    %dma_wait3A_895 = tpu.memref_slice %arg9[%dma_wait3A_894] : memref<15360xf32, #tpu.memory_space<vmem>> -> memref<256xf32, #tpu.memory_space<vmem>>
    %dma_wait3A_896 = tpu.memref_slice %arg5[%dma_wait3A_893, %add3A_91] : memref<48x8192xf32, #tpu.memory_space<hbm>> -> memref<1x256xf32, #tpu.memory_space<hbm>>
    %dma_wait3A_897 = tpu.memref_squeeze %dma_wait3A_896 : memref<1x256xf32, #tpu.memory_space<hbm>> -> memref<256xf32, #tpu.memory_space<hbm>>
    %dma_wait3A_898 = tpu.memref_slice %arg5[%dma_wait3A_893, %add3A_91] : memref<48x8192xf32, #tpu.memory_space<hbm>> -> memref<1x256xf32, #tpu.memory_space<hbm>>
    %dma_wait3A_899 = tpu.memref_squeeze %dma_wait3A_898 : memref<1x256xf32, #tpu.memory_space<hbm>> -> memref<256xf32, #tpu.memory_space<hbm>>
    %dma_wait3A_900 = arith.constant 5632 : i32
    %dma_wait3A_901 = tpu.memref_slice %arg9[%dma_wait3A_900] : memref<15360xf32, #tpu.memory_space<vmem>> -> memref<256xf32, #tpu.memory_space<vmem>>
    tpu.wait_dma2 semaphore(%arg11 : memref<!tpu.dma_semaphore, #tpu.memory_space<semaphore_mem>>) src(%dma_wait3A_901 : memref<256xf32, #tpu.memory_space<vmem>>) dst(%dma_wait3A_899 : memref<256xf32, #tpu.memory_space<hbm>>)
    %dma_wait3A_902 = arith.constant 42 : i32
    %dma_wait3A_903 = arith.constant 8704 : i32
    %dma_wait3A_904 = tpu.memref_slice %arg9[%dma_wait3A_903] : memref<15360xf32, #tpu.memory_space<vmem>> -> memref<256xf32, #tpu.memory_space<vmem>>
    %dma_wait3A_905 = tpu.memref_slice %arg5[%dma_wait3A_902, %add3A_91] : memref<48x8192xf32, #tpu.memory_space<hbm>> -> memref<1x256xf32, #tpu.memory_space<hbm>>
    %dma_wait3A_906 = tpu.memref_squeeze %dma_wait3A_905 : memref<1x256xf32, #tpu.memory_space<hbm>> -> memref<256xf32, #tpu.memory_space<hbm>>
    %dma_wait3A_907 = tpu.memref_slice %arg5[%dma_wait3A_902, %add3A_91] : memref<48x8192xf32, #tpu.memory_space<hbm>> -> memref<1x256xf32, #tpu.memory_space<hbm>>
    %dma_wait3A_908 = tpu.memref_squeeze %dma_wait3A_907 : memref<1x256xf32, #tpu.memory_space<hbm>> -> memref<256xf32, #tpu.memory_space<hbm>>
    %dma_wait3A_909 = arith.constant 8704 : i32
    %dma_wait3A_910 = tpu.memref_slice %arg9[%dma_wait3A_909] : memref<15360xf32, #tpu.memory_space<vmem>> -> memref<256xf32, #tpu.memory_space<vmem>>
    tpu.wait_dma2 semaphore(%arg11 : memref<!tpu.dma_semaphore, #tpu.memory_space<semaphore_mem>>) src(%dma_wait3A_910 : memref<256xf32, #tpu.memory_space<vmem>>) dst(%dma_wait3A_908 : memref<256xf32, #tpu.memory_space<hbm>>)
    %dma_wait3A_911 = arith.constant 43 : i32
    %dma_wait3A_912 = arith.constant 11776 : i32
    %dma_wait3A_913 = tpu.memref_slice %arg9[%dma_wait3A_912] : memref<15360xf32, #tpu.memory_space<vmem>> -> memref<256xf32, #tpu.memory_space<vmem>>
    %dma_wait3A_914 = tpu.memref_slice %arg5[%dma_wait3A_911, %add3A_91] : memref<48x8192xf32, #tpu.memory_space<hbm>> -> memref<1x256xf32, #tpu.memory_space<hbm>>
    %dma_wait3A_915 = tpu.memref_squeeze %dma_wait3A_914 : memref<1x256xf32, #tpu.memory_space<hbm>> -> memref<256xf32, #tpu.memory_space<hbm>>
    %dma_wait3A_916 = tpu.memref_slice %arg5[%dma_wait3A_911, %add3A_91] : memref<48x8192xf32, #tpu.memory_space<hbm>> -> memref<1x256xf32, #tpu.memory_space<hbm>>
    %dma_wait3A_917 = tpu.memref_squeeze %dma_wait3A_916 : memref<1x256xf32, #tpu.memory_space<hbm>> -> memref<256xf32, #tpu.memory_space<hbm>>
    %dma_wait3A_918 = arith.constant 11776 : i32
    %dma_wait3A_919 = tpu.memref_slice %arg9[%dma_wait3A_918] : memref<15360xf32, #tpu.memory_space<vmem>> -> memref<256xf32, #tpu.memory_space<vmem>>
    tpu.wait_dma2 semaphore(%arg11 : memref<!tpu.dma_semaphore, #tpu.memory_space<semaphore_mem>>) src(%dma_wait3A_919 : memref<256xf32, #tpu.memory_space<vmem>>) dst(%dma_wait3A_917 : memref<256xf32, #tpu.memory_space<hbm>>)
    %dma_wait3A_920 = arith.constant 44 : i32
    %dma_wait3A_921 = arith.constant 2816 : i32
    %dma_wait3A_922 = tpu.memref_slice %arg9[%dma_wait3A_921] : memref<15360xf32, #tpu.memory_space<vmem>> -> memref<256xf32, #tpu.memory_space<vmem>>
    %dma_wait3A_923 = tpu.memref_slice %arg5[%dma_wait3A_920, %add3A_91] : memref<48x8192xf32, #tpu.memory_space<hbm>> -> memref<1x256xf32, #tpu.memory_space<hbm>>
    %dma_wait3A_924 = tpu.memref_squeeze %dma_wait3A_923 : memref<1x256xf32, #tpu.memory_space<hbm>> -> memref<256xf32, #tpu.memory_space<hbm>>
    %dma_wait3A_925 = tpu.memref_slice %arg5[%dma_wait3A_920, %add3A_91] : memref<48x8192xf32, #tpu.memory_space<hbm>> -> memref<1x256xf32, #tpu.memory_space<hbm>>
    %dma_wait3A_926 = tpu.memref_squeeze %dma_wait3A_925 : memref<1x256xf32, #tpu.memory_space<hbm>> -> memref<256xf32, #tpu.memory_space<hbm>>
    %dma_wait3A_927 = arith.constant 2816 : i32
    %dma_wait3A_928 = tpu.memref_slice %arg9[%dma_wait3A_927] : memref<15360xf32, #tpu.memory_space<vmem>> -> memref<256xf32, #tpu.memory_space<vmem>>
    tpu.wait_dma2 semaphore(%arg11 : memref<!tpu.dma_semaphore, #tpu.memory_space<semaphore_mem>>) src(%dma_wait3A_928 : memref<256xf32, #tpu.memory_space<vmem>>) dst(%dma_wait3A_926 : memref<256xf32, #tpu.memory_space<hbm>>)
    %dma_wait3A_929 = arith.constant 45 : i32
    %dma_wait3A_930 = arith.constant 5888 : i32
    %dma_wait3A_931 = tpu.memref_slice %arg9[%dma_wait3A_930] : memref<15360xf32, #tpu.memory_space<vmem>> -> memref<256xf32, #tpu.memory_space<vmem>>
    %dma_wait3A_932 = tpu.memref_slice %arg5[%dma_wait3A_929, %add3A_91] : memref<48x8192xf32, #tpu.memory_space<hbm>> -> memref<1x256xf32, #tpu.memory_space<hbm>>
    %dma_wait3A_933 = tpu.memref_squeeze %dma_wait3A_932 : memref<1x256xf32, #tpu.memory_space<hbm>> -> memref<256xf32, #tpu.memory_space<hbm>>
    %dma_wait3A_934 = tpu.memref_slice %arg5[%dma_wait3A_929, %add3A_91] : memref<48x8192xf32, #tpu.memory_space<hbm>> -> memref<1x256xf32, #tpu.memory_space<hbm>>
    %dma_wait3A_935 = tpu.memref_squeeze %dma_wait3A_934 : memref<1x256xf32, #tpu.memory_space<hbm>> -> memref<256xf32, #tpu.memory_space<hbm>>
    %dma_wait3A_936 = arith.constant 5888 : i32
    %dma_wait3A_937 = tpu.memref_slice %arg9[%dma_wait3A_936] : memref<15360xf32, #tpu.memory_space<vmem>> -> memref<256xf32, #tpu.memory_space<vmem>>
    tpu.wait_dma2 semaphore(%arg11 : memref<!tpu.dma_semaphore, #tpu.memory_space<semaphore_mem>>) src(%dma_wait3A_937 : memref<256xf32, #tpu.memory_space<vmem>>) dst(%dma_wait3A_935 : memref<256xf32, #tpu.memory_space<hbm>>)
    %dma_wait3A_938 = arith.constant 46 : i32
    %dma_wait3A_939 = arith.constant 8960 : i32
    %dma_wait3A_940 = tpu.memref_slice %arg9[%dma_wait3A_939] : memref<15360xf32, #tpu.memory_space<vmem>> -> memref<256xf32, #tpu.memory_space<vmem>>
    %dma_wait3A_941 = tpu.memref_slice %arg5[%dma_wait3A_938, %add3A_91] : memref<48x8192xf32, #tpu.memory_space<hbm>> -> memref<1x256xf32, #tpu.memory_space<hbm>>
    %dma_wait3A_942 = tpu.memref_squeeze %dma_wait3A_941 : memref<1x256xf32, #tpu.memory_space<hbm>> -> memref<256xf32, #tpu.memory_space<hbm>>
    %dma_wait3A_943 = tpu.memref_slice %arg5[%dma_wait3A_938, %add3A_91] : memref<48x8192xf32, #tpu.memory_space<hbm>> -> memref<1x256xf32, #tpu.memory_space<hbm>>
    %dma_wait3A_944 = tpu.memref_squeeze %dma_wait3A_943 : memref<1x256xf32, #tpu.memory_space<hbm>> -> memref<256xf32, #tpu.memory_space<hbm>>
    %dma_wait3A_945 = arith.constant 8960 : i32
    %dma_wait3A_946 = tpu.memref_slice %arg9[%dma_wait3A_945] : memref<15360xf32, #tpu.memory_space<vmem>> -> memref<256xf32, #tpu.memory_space<vmem>>
    tpu.wait_dma2 semaphore(%arg11 : memref<!tpu.dma_semaphore, #tpu.memory_space<semaphore_mem>>) src(%dma_wait3A_946 : memref<256xf32, #tpu.memory_space<vmem>>) dst(%dma_wait3A_944 : memref<256xf32, #tpu.memory_space<hbm>>)
    %dma_wait3A_947 = arith.constant 47 : i32
    %dma_wait3A_948 = arith.constant 12032 : i32
    %dma_wait3A_949 = tpu.memref_slice %arg9[%dma_wait3A_948] : memref<15360xf32, #tpu.memory_space<vmem>> -> memref<256xf32, #tpu.memory_space<vmem>>
    %dma_wait3A_950 = tpu.memref_slice %arg5[%dma_wait3A_947, %add3A_91] : memref<48x8192xf32, #tpu.memory_space<hbm>> -> memref<1x256xf32, #tpu.memory_space<hbm>>
    %dma_wait3A_951 = tpu.memref_squeeze %dma_wait3A_950 : memref<1x256xf32, #tpu.memory_space<hbm>> -> memref<256xf32, #tpu.memory_space<hbm>>
    %dma_wait3A_952 = tpu.memref_slice %arg5[%dma_wait3A_947, %add3A_91] : memref<48x8192xf32, #tpu.memory_space<hbm>> -> memref<1x256xf32, #tpu.memory_space<hbm>>
    %dma_wait3A_953 = tpu.memref_squeeze %dma_wait3A_952 : memref<1x256xf32, #tpu.memory_space<hbm>> -> memref<256xf32, #tpu.memory_space<hbm>>
    %dma_wait3A_954 = arith.constant 12032 : i32
    %dma_wait3A_955 = tpu.memref_slice %arg9[%dma_wait3A_954] : memref<15360xf32, #tpu.memory_space<vmem>> -> memref<256xf32, #tpu.memory_space<vmem>>
    tpu.wait_dma2 semaphore(%arg11 : memref<!tpu.dma_semaphore, #tpu.memory_space<semaphore_mem>>) src(%dma_wait3A_955 : memref<256xf32, #tpu.memory_space<vmem>>) dst(%dma_wait3A_953 : memref<256xf32, #tpu.memory_space<hbm>>)
    return
  }
}

</mosaic_0001>

<sc_bundles>
// kernel: kernel.3.cloned.1.call-start
scs
__scs_entry_jumppad:
0x0: {  	(pc) =	sbr.rel $0x88, $3  }
0x1: {  	(tag) =	ssettag $0x0;
	lr =	simm.s32 $0x1  }
0x2: {  	[smem:$0x3F9E] =	sst lr;
	_ =	strace $0xD0000000  }
0x3: {  	_ = 	snop  }
0x4: {  	_ = 	snop  }
0x5: {  	_ = 	snop  }
0x6: {  	_ = 	snop  }
0x7: {  	_ = 	snop  }
__scs_overlays_trampoline_lowered:
0x8: {  	[smem:$0x3FAD] =	sst s0  }
0x9: {  	[smem:$0x3FAE] =	sst s1  }
0xa: {  	[smem:$0x3FAF] =	sst s2  }
0xb: {  	[smem:$0x3FB0] =	sst s3  }
0xc: {  	[smem:$0x3FB1] =	sst s4  }
0xd: {  	[smem:$0x3FB2] =	sst s5  }
0xe: {  	[smem:$0x3FB3] =	sst s6  }
0xf: {  	[smem:$0x3FB4] =	sst s7  }
0x10: {  	[smem:$0x3FB5] =	sst s8  }
0x11: {  	[smem:$0x3FB6] =	sst s9;
	s0 =	simm.s32 @!p0 $0x0  }
0x12: {  	s1 =	sld [smem:$0x3F9C];
	s0 =	simm.s32 @p0 $0x1  }
0x13: {  	[smem:$0x3FB7] =	sst s0;
	s0 =	simm.s32 @!p1 $0x0  }
0x14: {  	s2 =	sld [smem:$0x3F9B];
	s0 =	simm.s32 @p1 $0x1  }
0x15: {  	[smem:$0x3FB8] =	sst s0;
	s0 =	simm.s32 @!p2 $0x0  }
0x16: {  	s3 =	sld [smem:$0x3FDB];
	s0 =	simm.s32 @p2 $0x1  }
0x17: {  	s4 =	simm.s32 $0x1BF5;
	[smem:$0x3FBA] =	sst s0  }
0x18: {  	s0 =	sld [smem:$0x3F9D];
	_ =	swait.ge [sflag:s4], $0x0  }
0x19: {  	s7 =	sld [smem:$0x3F9E]  }
0x1a: {  	s8 =	sadd.s32 $0xFFFFE003, lr  }
0x1b: {  	s9 =	sadd.s32 $0xFFFFFEF7, lr;
	s5 =	simm.s32 $0xFFFFFFFF;
	p2 =	slt.u32 s8, $0xFFFFF086  }
0x1c: {  	p1 =	slt.u32 s9, $0xF7A;
	s5 =	simm.s32 @!p2 $0x0  }
0x1d: {  	s5 =	simm.s32 @p1 $0x1;
	p0 =	seq.s32 s7, s2  }
0x1e: {  	s7 =	smul.u32 @!p0 $0xF7A, s2;
	p2 =	seq.s32 @!p0 s5, $0x0  }
0x1f: {  	s9 =	smul.u32 $0xF7A, s1;
	s8 =	simm.s32 @!p0 $0x1BF5;
	p2 =	por !p2, p0  }
0x20: {  	[sflag:s8] =	ssyncset.s32 @!p0 $0xFFFFF086;
	s6 =	sadd.s32 @!p0 s3, s7;
	s7 =	simm.s32 @!p0 $0x108  }
0x21: {  	s3 =	sadd.s32 s3, s9;
	s6 =	sadd.s32 @!p0 $0x88, s6;
	s7 =	simm.s32 @p2 $0x1082  }
0x22: {  	[simem:s7], [sflag:s8] =	dma.local @!p0 [hbm:s6], $0xF7A  }
0x23: {  	s9 =	sor.u32 $0xD0000000, s2;
	s6 =	simm.s32 $0x108;
	_ =	swait.ge @!p0 [sflag:s8], $0x0  }
0x24: {  	s3 =	sadd.s32 $0x88, s3;
	s6 =	simm.s32 @!p1 $0x1082;
	[sflag:s4] =	ssyncset.s32 $0xFFFFF086  }
0x25: {  	[simem:s6], [sflag:s4] =	dma.local [hbm:s3], $0xF7A  }
0x26: {  	[smem:$0x3F9E] =	sst s1;
	(tag) =	ssettag s2;
	_ =	strace s9  }
0x27: {  	s1 =	sld [smem:$0x3FAE]  }
0x28: {  	s2 =	sld [smem:$0x3FAF]  }
0x29: {  	s4 =	sld [smem:$0x3FB1]  }
0x2a: {  	p0 =	seq.s32 s5, $0x0;
	s5 =	sld [smem:$0x3FB2]  }
0x2b: {  	s6 =	sld [smem:$0x3FB3]  }
0x2c: {  	s7 =	sld [smem:$0x3FB4]  }
0x2d: {  	s3 =	simm.s32 $0x108;
	s8 =	sld [smem:$0x3FB5]  }
0x2e: {  	s3 =	simm.s32 @!p0 $0x1082;
	s9 =	sld [smem:$0x3FB6]  }
0x2f: {  	lr =	sadd.s32 s0, s3;
	s0 =	sld [smem:$0x3FAD]  }
0x30: {  	s3 =	sld [smem:$0x3FB0]  }
0x31: {  	[smem:$0x3FB9] =	sst s10  }
0x32: {  	s10 =	sld [smem:$0x3FB7];
	_ =	sdelay $0x3  }
0x33: {  	p0 =	seq.s32 s10, $0x1;
	s10 =	sld [smem:$0x3FB9];
	_ =	sdelay $0x3  }
0x34: {  	[smem:$0x3FB9] =	sst s10  }
0x35: {  	s10 =	sld [smem:$0x3FB8];
	_ =	sdelay $0x3  }
0x36: {  	p1 =	seq.s32 s10, $0x1;
	s10 =	sld [smem:$0x3FB9];
	_ =	sdelay $0x3  }
0x37: {  	[smem:$0x3FB9] =	sst s10  }
0x38: {  	s10 =	sld [smem:$0x3FBA]  }
0x39: {  	_ = 	snop;
	(pc) =	sbr.ind lr, $3  }
0x3a: {  	_ = 	snop  }
0x3b: {  	_ = 	snop  }
0x3c: {  	p2 =	seq.s32 s10, $0x1;
	s10 =	sld [smem:$0x3FB9]  }
0x3d: {  	_ =	shalt  }
0x3e: {  	_ =	shalt  }
0x3f: {  	_ =	shalt  }
0x40: {  	_ =	shalt  }
0x41: {  	_ =	shalt  }
0x42: {  	_ =	shalt  }
0x43: {  	_ =	shalt  }
0x44: {  	_ =	shalt  }
0x45: {  	_ =	shalt  }
0x46: {  	_ =	shalt  }
0x47: {  	_ =	shalt  }
0x48: {  	_ =	shalt  }
0x49: {  	_ =	shalt  }
0x4a: {  	_ =	shalt  }
0x4b: {  	_ =	shalt  }
0x4c: {  	_ =	shalt  }
0x4d: {  	_ =	shalt  }
0x4e: {  	_ =	shalt  }
0x4f: {  	_ =	shalt  }
0x50: {  	_ =	shalt  }
0x51: {  	_ =	shalt  }
0x52: {  	_ =	shalt  }
0x53: {  	_ =	shalt  }
0x54: {  	_ =	shalt  }
0x55: {  	_ =	shalt  }
0x56: {  	_ =	shalt  }
0x57: {  	_ =	shalt  }
0x58: {  	_ =	shalt  }
0x59: {  	_ =	shalt  }
0x5a: {  	_ =	shalt  }
0x5b: {  	_ =	shalt  }
0x5c: {  	_ =	shalt  }
0x5d: {  	_ =	shalt  }
0x5e: {  	_ =	shalt  }
0x5f: {  	_ =	shalt  }
0x60: {  	_ =	shalt  }
0x61: {  	_ =	shalt  }
0x62: {  	_ =	shalt  }
0x63: {  	_ =	shalt  }
0x64: {  	_ =	shalt  }
0x65: {  	_ =	shalt  }
0x66: {  	_ =	shalt  }
0x67: {  	_ =	shalt  }
0x68: {  	_ =	shalt  }
0x69: {  	_ =	shalt  }
0x6a: {  	_ =	shalt  }
0x6b: {  	_ =	shalt  }
0x6c: {  	_ =	shalt  }
0x6d: {  	_ =	shalt  }
0x6e: {  	_ =	shalt  }
0x6f: {  	_ =	shalt  }
0x70: {  	_ =	shalt  }
0x71: {  	_ =	shalt  }
0x72: {  	_ =	shalt  }
0x73: {  	_ =	shalt  }
0x74: {  	_ =	shalt  }
0x75: {  	_ =	shalt  }
0x76: {  	_ =	shalt  }
0x77: {  	_ =	shalt  }
0x78: {  	_ =	shalt  }
0x79: {  	_ =	shalt  }
0x7a: {  	_ =	shalt  }
0x7b: {  	_ =	shalt  }
0x7c: {  	_ =	shalt  }
0x7d: {  	_ =	shalt  }
0x7e: {  	_ =	shalt  }
0x7f: {  	_ =	shalt  }
0x80: {  	_ =	shalt  }
0x81: {  	_ =	shalt  }
0x82: {  	_ =	shalt  }
0x83: {  	_ =	shalt  }
0x84: {  	_ =	shalt  }
0x85: {  	_ =	shalt  }
0x86: {  	_ =	shalt  }
0x87: {  	_ =	shalt  }
.Lfunc_end0:
.L_simem_size_0:
called_computation_lowered:
.L_overlay_start_0:
0x88: {  	s2 =	sld [smem:$0x3FD9]  }
0x89: {  	s3 =	sld [smem:$0x3FFE];
	_ =	sdelay $0x1  }
0x8a: {  	s1 =	srdreg.scid  }
0x8b: {  	s0 =	sand.u32 $0x1, s1  }
0x8c: {  	s17 =	sshll.u32 s0, $0xA;
	s2 =	sadd.s32 s3, s2  }
0x8d: {  	s2 =	sadd.s32 s2, s17  }
0x8e: {  	[smem:$0x3FC5] =	sst s2  }
0x8f: {  	_ = 	snop  }
0x90: {  	s2 =	sld [smem:$0x3FC9]  }
0x91: {  	s18 =	sld [smem:$0x3FC8]  }
0x92: {  	s4 =	sld [smem:$0x3FC7];
	(tm) =	ssettm $0x1  }
0x93: {  	s5 =	sld [smem:$0x3FFB];
	_ =	sdelay $0x3  }
0x94: {  	_ =	strace s5  }
0x95: {  	s5 =	sld [smem:$0x3FFC];
	_ =	sdelay $0x3  }
0x96: {  	_ =	strace s5  }
0x97: {  	s5 =	sld [smem:$0x3FFD];
	_ =	sdelay $0x3  }
0x98: {  	_ =	strace s5  }
0x99: {  	_ =	strace $0x8FFFFFFF  }
0x9a: {  	s19 =	sld [smem:$0x3FDB];
	_ =	sdelay $0x1  }
0x9b: {  	s6 =	simm.s32 $_scs_section_size  }
0x9c: {  	s7 =	simm.s32 $_size__tile_overlayer_lowered;
	s8 =	simm.s32 $_tile_overlayer_lowered  }
0x9d: {  	s22 =	simm.s32 $0x1BFF;
	s21 =	sshll.u32 s8, $0x1;
	s5 =	sadd.s32 s6, s19  }
0x9e: {  	s9 =	simm.s32 $0x0;
	s20 =	sshll.u32 s7, $0x1;
	s7 =	sadd.s32 s21, s5  }
0x9f: {  	[timem:s9], [sflag:s22] =	dma.local [hbm:s7], s20  }
0xa0: {  	_ =	swait.ge [sflag:s22], s20  }
0xa1: {  	s6 =	ssub.s32 $0x0, s20;
	[sflag:s22] =	ssyncset.done $0x0  }
0xa2: {  	[sflag:s22] =	ssyncadd.s32 s6;
	_ =	sdelay $0x1  }
0xa3: {  	s23 =	simm.s32 $0x1B8B  }
0xa4: {  	_ =	swait.ge [sflag:s23], $0x1  }
0xa5: {  	[sflag:s23] =	ssyncset.done $0x0  }
0xa6: {  	s25 =	simm.s32 $0x1B8E;
	s24 =	sld [smem:$0x3FFE];
	[sflag:s23] =	ssyncadd.s32 $0xFFFFFFFF  }
0xa7: {  	s26 =	simm.s32 $execute0_lowered;
	[smem:$0x3FD2] =	sst s25  }
0xa8: {  	s7 =	sshll.u32 s26, $0x1;
	_ =	strace $0x80000046;
	[dreg:$0x1] =	wrdreg $0xFFFFFFFF  }
0xa9: {  	s28 =	simm.s32 $_size_execute0_lowered;
	s5 =	sadd.s32 s5, s7;
	[dreg:$0x0] =	wrdreg $0x0  }
0xaa: {  	s7 =	sshll.u32 s28, $0x1;
	[dreg:$0x2] =	wrdreg s5  }
0xab: {  	[dreg:$0x3] =	wrdreg s7  }
0xac: {  	[dreg:$0x4] =	wrdreg $0xC0  }
0xad: {  	_ =	task [dreg:s9], $0x5FFFF  }
0xae: {  	[dreg:$0x1] =	wrdreg $0xFFFFFFFF  }
0xaf: {  	[dreg:$0x0] =	wrdreg $0x60  }
0xb0: {  	[dreg:$0x2] =	wrdreg s2  }
0xb1: {  	[dreg:$0x3] =	wrdreg s18  }
0xb2: {  	[dreg:$0x4] =	wrdreg s4  }
0xb3: {  	[dreg:$0x5] =	wrdreg s24  }
0xb4: {  	[dreg:$0x6] =	wrdreg $0x9  }
0xb5: {  	_ =	task.clear_ibuf [dreg:s9], $0x7FFFF;
	_ =	strace $0x90000046  }
0xb6: {  	s29 =	simm.s32 $0x9;
	_ =	strace $0x80000048  }
0xb7: {  	_ =	swait.ge [sflag:s29], $0x1  }
0xb8: {  	[sflag:s29] =	ssyncadd.s32 $0xFFFFFFFF  }
0xb9: {  	_ =	strace $0x90000048  }
0xba: {  	_ =	sfence  }
0xbb: {  	s30 =	sld [smem:$0x0];
	_ =	sdelay $0x2  }
0xbc: {  	s31 =	sshll.u32 s1, $0xD;
	s1 =	sshrl.u32 s1, $0x2  }
0xbd: {  	s3 =	sand.u32 $0x4000, s31;
	s1 =	sadd.s32 s1, s30  }
0xbe: {  	s0 =	sor.u32 s3, s0;
	s1 =	sshll.u32 s1, $0x11  }
0xbf: {  	s0 =	sor.u32 s1, s0  }
0xc0: {  	s0 =	sadd.s32 $0x8F2B, s0  }
0xc1: {  	[sflag:s0] =	ssyncadd.remote.s32 $0x1  }
0xc2: {  	_ =	sfence.sel $0xFFFF  }
0xc3: {  	[dreg:$0x0] =	wrdreg $0xFFFFFFFF;
	(pc) =	sbr.abs _section_cstart, $3  }
0xc4: {  	[dreg:$0x1] =	wrdreg $0xFFFFFFFF  }
0xc5: {  	_ =	task.clear_ibuf [dreg:s9], $0x2FFFF;
	_ =	strace $0x9FFFFFFF  }
0xc6: {  	(tm) =	ssettm $0x7FFFFFFF  }
0xc7: {  	_ =	shalt  }
tec
execute0_lowered:
.L_overlay_start_1:
0x0: {  	(tag) =	ssettag $0x1  }
0x1: {  	s0 =	rddreg [dreg:$0x0]  }
0x2: {  	s1 =	rddreg [dreg:$0x1]  }
0x3: {  	s4 =	rddreg [dreg:$0x2]  }
0x4: {  	s5 =	rddreg [dreg:$0x3];
	s8 =	stileid.u32  }
0x5: {  	s3 =	srdreg.scid;
	s2 =	simm.s32 $0x0;
	s6 =	sshll.u32 s8, $0x1  }
0x6: {  	s7 =	sand.u32 $0x1, s3;
	s30 =	sshrl.u32 s8, $0x1;
	s26 =	sand.u32 $0x2, s6  }
0x7: {  	[smem:$0x7FF] =	sst s2;
	s9 =	smul.u32 $0x1800, s30;
	s3 =	sor.u32 s7, s26  }
0x8: {  	_ =	strace $0x80000047;
	s6 =	sshll.u32 s30, $0x4;
	s3 =	sshll.u32 s3, $0x8  }
0x9: {  	s8 =	sshll.u32 s30, $0xA;
	s0 =	sadd.s32 s0, s6;
	s10 =	sor.u32 s9, s3  }
0xa: {  	[dreg:$0x5] =	wrdreg s0;
	s8 =	sor.u32 s8, s3;
	s1 =	sadd.s32 s1, s10  }
0xb: {  	s5 =	sadd.s32 s8, s5;
	s0 =	sadd.s32 s4, s10;
	[dreg:$0x6] =	wrdreg s1  }
0xc: {  	[dreg:$0x7] =	wrdreg s0;
	s11 =	sadd.s32 $0x400, s5  }
0xd: {  	s12 =	sadd.s32 $0x410, s5;
	[dreg:$0x8] =	wrdreg s11  }
0xe: {  	s13 =	sadd.s32 $0x420, s5;
	[dreg:$0x9] =	wrdreg s12  }
0xf: {  	s14 =	sadd.s32 $0x430, s5;
	[dreg:$0xa] =	wrdreg s13  }
0x10: {  	s15 =	sadd.s32 $0x440, s5;
	[dreg:$0xb] =	wrdreg s14  }
0x11: {  	s16 =	sadd.s32 $0x450, s5;
	[dreg:$0xc] =	wrdreg s15  }
0x12: {  	s17 =	sadd.s32 $0x460, s5;
	[dreg:$0xd] =	wrdreg s16  }
0x13: {  	s18 =	sadd.s32 $0x470, s5;
	[dreg:$0xe] =	wrdreg s17  }
0x14: {  	s19 =	sadd.s32 $0x2400, s5;
	[dreg:$0xf] =	wrdreg s18  }
0x15: {  	s20 =	sadd.s32 $0x2410, s5;
	[dreg:$0x10] =	wrdreg s19  }
0x16: {  	s21 =	sadd.s32 $0x2420, s5;
	[dreg:$0x11] =	wrdreg s20  }
0x17: {  	s22 =	sadd.s32 $0x2430, s5;
	[dreg:$0x12] =	wrdreg s21  }
0x18: {  	s23 =	sadd.s32 $0x2440, s5;
	[dreg:$0x13] =	wrdreg s22  }
0x19: {  	s24 =	sadd.s32 $0x2450, s5;
	[dreg:$0x14] =	wrdreg s23  }
0x1a: {  	s25 =	sadd.s32 $0x2460, s5;
	[dreg:$0x15] =	wrdreg s24  }
0x1b: {  	s7 =	ssub.s32 $0x2, s7;
	s26 =	sadd.s32 $0x2470, s5;
	[dreg:$0x16] =	wrdreg s25  }
0x1c: {  	s31 =	sshrl.u32 s7, $0x1;
	s30 =	sadd.s32 $0x4400, s5;
	[dreg:$0x17] =	wrdreg s26  }
0x1d: {  	s7 =	ssub.s32 s7, s31;
	s31 =	sadd.s32 $0x4410, s5;
	[dreg:$0x18] =	wrdreg s30  }
0x1e: {  	s1 =	sadd.s32 $0x4420, s5;
	[dreg:$0x19] =	wrdreg s31  }
0x1f: {  	s4 =	sadd.s32 $0x4430, s5;
	[dreg:$0x1a] =	wrdreg s1  }
0x20: {  	s6 =	sadd.s32 $0x4440, s5;
	[dreg:$0x1b] =	wrdreg s4  }
0x21: {  	s8 =	sadd.s32 $0x4450, s5;
	[dreg:$0x1c] =	wrdreg s6  }
0x22: {  	s9 =	sadd.s32 $0x4460, s5;
	[dreg:$0x1d] =	wrdreg s8  }
0x23: {  	s10 =	sadd.s32 $0x4470, s5;
	[dreg:$0x1e] =	wrdreg s9  }
0x24: {  	[dreg:$0x1f] =	wrdreg s10;
	s11 =	sadd.s32 $0x6400, s5  }
0x25: {  	s12 =	sadd.s32 $0x6410, s5;
	[smem:$0x7EC] =	sst s11  }
0x26: {  	s13 =	sadd.s32 $0x6420, s5;
	[smem:$0x7ED] =	sst s12  }
0x27: {  	s14 =	sadd.s32 $0x6430, s5;
	[smem:$0x7EE] =	sst s13  }
0x28: {  	s15 =	sadd.s32 $0x6440, s5;
	[smem:$0x7EF] =	sst s14  }
0x29: {  	s16 =	sadd.s32 $0x6450, s5;
	[smem:$0x7F0] =	sst s15  }
0x2a: {  	s17 =	sadd.s32 $0x6460, s5;
	[smem:$0x7F1] =	sst s16  }
0x2b: {  	s18 =	sadd.s32 $0x6470, s5;
	[smem:$0x7F2] =	sst s17  }
0x2c: {  	s19 =	sadd.s32 $0x8400, s5;
	[smem:$0x7F3] =	sst s18  }
0x2d: {  	s20 =	sadd.s32 $0x8410, s5;
	[smem:$0x7F4] =	sst s19  }
0x2e: {  	s21 =	sadd.s32 $0x8420, s5;
	[smem:$0x7F5] =	sst s20  }
0x2f: {  	s22 =	sadd.s32 $0x8430, s5;
	[smem:$0x7F6] =	sst s21  }
0x30: {  	s23 =	sadd.s32 $0x8440, s5;
	[smem:$0x7F7] =	sst s22  }
0x31: {  	s28 =	simm.s32 $0x80;
	v0 =	vimm.s32 $0xA9876543;
	s24 =	sadd.s32 $0x8450, s5;
	[smem:$0x7F8] =	sst s23  }
0x32: {  	s29 =	simm.s32 $0x400;
	v1 =	vimm.s32 $0x21444404;
	v0 =	vunpack.c.l.s4.s8 v0;
	s25 =	sadd.s32 $0x8460, s5;
	[smem:$0x7F9] =	sst s24  }
0x33: {  	v1 =	vunpack.c.l.s4.s8 v1;
	s0 =	simm.s32 $0x1;
	s26 =	sadd.s32 $0x8470, s5;
	[smem:$0x7FA] =	sst s25  }
0x34: {  	v0 =	vunpack.c.0.s8.s32 v0;
	s30 =	sadd.s32 $0xA400, s5;
	s31 =	sadd.s32 $0xA410, s5;
	[smem:$0x7FB] =	sst s26  }
0x35: {  	v1 =	vunpack.c.0.s8.s32 v1;
	s1 =	simm.s32 $0xA800;
	s4 =	simm.s32 $0x6C00;
	[smem:$0x7FC] =	sst s30  }
0x36: {  	v0 =	vand.u32 $0xF, v0;
	[smem:$0x7FD] =	sst s31;
	s20 =	sadd.s32 $0xA420, s5;
	s21 =	sadd.s32 $0xA430, s5  }
0x37: {  	v0 =	vcombine.low v1, v0;
	v1 =	vlaneseq.u32;
	s22 =	sadd.s32 $0xA440, s5;
	s23 =	sadd.s32 $0xA450, s5;
	s24 =	sadd.s32 $0xA460, s5  }
0x38: {  	v2 =	vimm.f32 $0.0e+00;
	v3 =	vor.u32 $0xFFFFFF00, v1;
	v4 =	vor.u32 $0x100, v1;
	s25 =	sadd.s32 $0xA470, s5;
	s26 =	smax.u32 s7, $0x1;
	s5 =	simm.s32 $0x0  }
.LBB2_1:
0x39: {  	s6 =	rddreg [dreg:$0x5]  }
0x3a: {  	s19 =	rddreg [dreg:$0x6]  }
0x3b: {  	[tilespmem:s2], [sflag:$0x1] =	stream.strided.gather [hbm4b:s6+s28], $0xC00, s29, s28, $0x38;
	[tilespmem:$0xA880] =	vst v63  }
0x3c: {  	s7 =	simm.s32 $0x800;
	s8 =	simm.s32 $0x2000;
	s9 =	simm.s32 $0xC00  }
0x3d: {  	[tilespmem:s9], [sflag:$0x1] =	stream.strided.gather [hbm4b:s19+s7], $0x3000, s8, s7, $0x38;
	[tilespmem:$0xA880] =	vst v63  }
0x3e: {  	s30 =	rddreg [dreg:$0x7];
	s31 =	simm.s32 $0x3C00  }
0x3f: {  	[tilespmem:s31], [sflag:$0x1] =	stream.strided.gather [hbm4b:s30+s7], $0x3000, s8, s7, $0x38;
	[tilespmem:$0xA880] =	vst v63  }
0x40: {  	s6 =	simm.s32 $0x40;
	s7 =	simm.s32 $0x0;
	[tilespmem:$0xA800] =	vst v0  }
.LBB2_2:
0x41: {  	p0 =	sne.s32 s6, $0xEFC0;
	[tilespmem:s7+$0x6C00] =	vst v2;
	s7 =	smov.u32 s6;
	s6 =	sadd.s32 $0x40, s6  }
.Ltmp0:
0x42: {  	(pc) =	sbr.rel @p0 .LBB2_2-.Ltmp0, $2  }
0x43: {  	_ =	sdelay $0x2  }
0x44: {  	s7 =	sshra.s32 s7, $0x2  }
0x45: {  	s6 =	simm.s32 $0x100;
	s10 =	simm.s32 $0x20;
	s14 =	simm.s32 $0x0  }
0x46: {  	s8 =	simm.s32 $0x8;
	s9 =	simm.s32 $0x0;
	s11 =	simm.s32 $0x10  }
0x47: {  	[tilespmem:s7+$0x6C00] =	vst v2;
	s15 =	simm.s32 $0x20;
	s13 =	simm.s32 $0x10;
	s17 =	simm.s32 $0x0  }
0x48: {  	_ =	swait.ge [sflag:s0], $0xC00;
	s7 =	sand.u32 $0x380, s14;
	s12 =	sand.u32 $0x3800, s9  }
0x49: {  	s9 =	sand.u32 $0x7800, s15;
	s6 =	sand.u32 $0x400, s6;
	s14 =	sand.u32 $0x380, s8  }
0x4a: {  	s16 =	sand.u32 $0x380, s13;
	s13 =	sand.u32 $0x70, s10;
	[sflag:s0] =	ssyncset.done $0x0  }
0x4b: {  	s11 =	sand.u32 $0x7800, s11;
	s18 =	sand.u32 $0x400, s17;
	[sflag:s0] =	ssyncadd.s32 $0xFFFFF400  }
0x4c: {  	s15 =	simm.s32 $0x80;
	s6 =	sor.u32 s9, s6;
	_ =	swait.ge [sflag:s0], $0x3000  }
0x4d: {  	s9 =	simm.s32 $0x0;
	s8 =	sor.u32 s12, s18;
	[sflag:s0] =	ssyncset.done $0x0  }
0x4e: {  	s19 =	sand.u32 $0x400, s15;
	s6 =	sor.u32 s16, s6;
	[sflag:s0] =	ssyncadd.s32 $0xFFFFD000  }
0x4f: {  	s7 =	sor.u32 s7, s8;
	s8 =	simm.s32 $0x10;
	_ =	swait.ge [sflag:s0], $0x3000  }
0x50: {  	s11 =	sor.u32 s11, s19;
	s31 =	sand.u32 $0x70, s9;
	[sflag:s0] =	ssyncset.done $0x0  }
0x51: {  	s16 =	sand.u32 $0x80, s9;
	s6 =	sor.u32 s13, s6;
	[sflag:s0] =	ssyncadd.s32 $0xFFFFD000  }
0x52: {  	s15 =	sand.u32 $0x70, s8;
	s14 =	sor.u32 s14, s11;
	s17 =	sor.u32 s31, s7;
	v5 =	vld [tilespmem:s6+$0xC00]  }
0x53: {  	s19 =	sadd.s32 s16, s3;
	s18 =	sor.u32 s15, s14;
	v6 =	vld [tilespmem:s17+$0xC00]  }
0x54: {  	s12 =	sadd.s32 s31, s19;
	s31 =	sand.u32 $0x80, s10;
	v7 =	vld [tilespmem:s18+$0xC00]  }
0x55: {  	s14 =	sadd.s32 s31, s3;
	v9 =	vld [tilespmem:s12+$0x0]  }
0x56: {  	s13 =	sadd.s32 s13, s14;
	v10 =	vld [tilespmem:s12+$0x400]  }
0x57: {  	v12 =	vld [tilespmem:s13+$0x0];
	v8 =	vadd.s32 $0x400, v5  }
0x58: {  	v15 =	vld [tilespmem:s13+$0x400]  }
0x59: {  	v16 =	vld [tilespmem:s13+$0x800];
	v11 =	vadd.s32 $0x800, v5  }
0x5a: {  	v13 =	vadd.s32 $0x400, v6;
	v5 =	vld.idx.msk [tilespmem:v5+s2+$0x0], $0xffff  }
0x5b: {  	v14 =	vadd.s32 $0x400, v7;
	v17 =	vadd.s32 $0x800, v6;
	v6 =	vld.idx.msk [tilespmem:v6+s2+$0x0], $0xffff  }
0x5c: {  	v8 =	vld.idx.msk [tilespmem:v8+s2+$0x0], $0xffff  }
0x5d: {  	v18 =	vadd.s32 $0x800, v7;
	v7 =	vld.idx.msk [tilespmem:v7+s2+$0x0], $0xffff  }
0x5e: {  	s16 =	sand.u32 $0x80, s8;
	v11 =	vld.idx.msk [tilespmem:v11+s2+$0x0], $0xffff  }
0x5f: {  	s13 =	sadd.s32 s16, s3;
	v13 =	vld.idx.msk [tilespmem:v13+s2+$0x0], $0xffff  }
0x60: {  	s13 =	sadd.s32 s15, s13;
	v14 =	vld.idx.msk [tilespmem:v14+s2+$0x0], $0xffff  }
0x61: {  	v5 =	vsub.f32 v5, v12;
	v12 =	vld [tilespmem:s13+$0x0];
	v8 =	vsub.f32 v8, v15  }
0x62: {  	v15 =	vld [tilespmem:s13+$0x400]  }
0x63: {  	v11 =	vsub.f32 v11, v16;
	v5 =	vmul.f32 v5, v5;
	v16 =	vld.idx.msk [tilespmem:v17+s2+$0x0], $0xffff;
	v8 =	vmul.f32 v8, v8  }
0x64: {  	v17 =	vld [tilespmem:s12+$0x800]  }
0x65: {  	v6 =	vsub.f32 v6, v9;
	v5 =	vadd.f32 v8, v5;
	v8 =	vmul.f32 v11, v11  }
0x66: {  	v10 =	vsub.f32 v13, v10;
	v11 =	vld.idx.msk [tilespmem:v18+s2+$0x0], $0xffff  }
0x67: {  	v6 =	vmul.f32 v6, v6;
	v8 =	vadd.f32 v8, v5;
	v5 =	vld [tilespmem:s13+$0x800]  }
0x68: {  	v10 =	vmul.f32 v10, v10;
	v7 =	vsub.f32 v7, v12;
	v12 =	vsub.f32 v14, v15  }
0x69: {  	v14 =	vsub.f32 v16, v17;
	v13 =	vshra.s32 v8, $0x1;
	v18 =	vmul.f32 $-5.000000000e-01, v8  }
0x6a: {  	v9 =	vsub.s32 $0x5F3759DF, v13  }
0x6b: {  	v6 =	vadd.f32 v10, v6;
	v10 =	vmul.f32 v14, v14;
	v13 =	vmul.f32 v9, v18  }
0x6c: {  	v7 =	vmul.f32 v7, v7;
	v12 =	vmul.f32 v12, v12;
	v5 =	vsub.f32 v11, v5  }
0x6d: {  	v10 =	vadd.f32 v10, v6;
	v11 =	vmul.f32 v9, v13  }
0x6e: {  	v7 =	vadd.f32 v12, v7;
	v5 =	vmul.f32 v5, v5  }
0x6f: {  	v6 =	vmul.f32 $6.944444500e-03, v10;
	v11 =	vadd.f32 $1.500000000e+00, v11  }
0x70: {  	v7 =	vadd.f32 v5, v7  }
0x71: {  	v6 =	vmin.f32 v6, $1.000000000e+00;
	v5 =	vshra.s32 v10, $0x1;
	v9 =	vmul.f32 v9, v11  }
0x72: {  	v11 =	vmul.f32 $-5.000000000e-01, v10;
	v15 =	vsub.s32 $0x5F3759DF, v5;
	v13 =	vmul.f32 $-5.000000000e-01, v7  }
0x73: {  	v12 =	vshra.s32 v7, $0x1;
	v5 =	vmul.f32 $6.944444500e-03, v7;
	v14 =	vmul.f32 v9, v18  }
0x74: {  	v17 =	vmul.f32 $7.969553700e-04, v6;
	v12 =	vsub.s32 $0x5F3759DF, v12;
	v16 =	vmul.f32 v15, v11  }
0x75: {  	v18 =	vmul.f32 v12, v13;
	v5 =	vmin.f32 v5, $1.000000000e+00;
	v14 =	vmul.f32 v14, v9  }
0x76: {  	v16 =	vmul.f32 v15, v16;
	v20 =	vmul.f32 $7.969553700e-04, v5  }
0x77: {  	v17 =	vadd.f32 $-1.267949210e-02, v17;
	v18 =	vmul.f32 v12, v18;
	v14 =	vadd.f32 $1.500000000e+00, v14  }
0x78: {  	v16 =	vadd.f32 $1.500000000e+00, v16;
	v20 =	vadd.f32 $-1.267949210e-02, v20  }
0x79: {  	v19 =	vld [tilespmem:s17+$0x3C00];
	v9 =	vmul.f32 v14, v9;
	v14 =	vmul.f32 v17, v6;
	v17 =	vadd.f32 $1.500000000e+00, v18  }
0x7a: {  	v18 =	vld [tilespmem:s18+$0x3C00];
	v15 =	vmul.f32 v15, v16;
	v16 =	vmul.f32 v20, v5  }
0x7b: {  	v9 =	vmul.f32 v9, v8;
	v14 =	vadd.f32 $1.175149010e-01, v14;
	v12 =	vmul.f32 v12, v17  }
0x7c: {  	v11 =	vmul.f32 v15, v11;
	v8 =	vmul.f32 $6.944444500e-03, v8;
	v16 =	vadd.f32 $1.175149010e-01, v16  }
0x7d: {  	v17 =	vadd.f32 $5.000000000e-01, v9;
	v14 =	vmul.f32 v14, v6;
	v13 =	vmul.f32 v12, v13  }
0x7e: {  	v11 =	vmul.f32 v11, v15;
	v16 =	vmul.f32 v16, v5  }
0x7f: {  	v20 =	vmin.f32 v8, $1.000000000e+00;
	v17 =	vtrunc.f32 v17;
	v13 =	vmul.f32 v13, v12  }
0x80: {  	v8 =	vadd.f32 $1.500000000e+00, v11;
	v14 =	vadd.f32 $-6.675792330e-01, v14;
	v17 =	vcvt.f32.s32 v17  }
0x81: {  	v19 =	vld.idx.msk [tilespmem:v19+s1+$0x0], $0xffff;
	v11 =	vmul.f32 $7.969553700e-04, v20;
	v16 =	vadd.f32 $-6.675792330e-01, v16;
	v13 =	vadd.f32 $1.500000000e+00, v13  }
0x82: {  	v18 =	vld.idx.msk [tilespmem:v18+s1+$0x0], $0xffff;
	v8 =	vmul.f32 v8, v15;
	v14 =	vmul.f32 v14, v6;
	vm0 =	vgt.s32 v17, $0x1  }
0x83: {  	v16 =	vmul.f32 v16, v5;
	v17 =	vnsel vm0, $0x1, v17;
	v12 =	vmul.f32 v13, v12  }
0x84: {  	v10 =	vmul.f32 v8, v10;
	v15 =	vmin.u32 v17, $0xA;
	v17 =	vadd.f32 $-1.267949210e-02, v11  }
0x85: {  	v13 =	vcvt.s32.f32 v15;
	v12 =	vmul.f32 v12, v7  }
0x86: {  	v11 =	vmul.u32 $0xC00, v19;
	v7 =	vadd.f32 $5.000000000e-01, v10;
	v8 =	vmul.f32 v17, v20  }
0x87: {  	v17 =	vld [tilespmem:s6+$0x3C00];
	v13 =	vsub.f32 v9, v13;
	v9 =	vmul.u32 $0xC00, v18;
	v18 =	vadd.f32 $5.000000000e-01, v12  }
0x88: {  	v21 =	vtrunc.f32 v7;
	v7 =	vadd.f32 $2.029347420e+00, v14;
	v8 =	vadd.f32 $1.175149010e-01, v8  }
0x89: {  	s19 =	simm.s32 $0x50;
	v21 =	vcvt.f32.s32 v21;
	v19 =	vadd.f32 $1.000000000e+00, v13;
	v14 =	vtrunc.f32 v18  }
0x8a: {  	s11 =	simm.s32 $0x20;
	s7 =	sand.u32 $0x7800, s19;
	s17 =	simm.s32 $0x18;
	v18 =	vadd.f32 $-1.000000000e+00, v13;
	v13 =	vmul.f32 v13, v13;
	v7 =	vmul.f32 v7, v6  }
0x8b: {  	s19 =	simm.s32 $0x200;
	s12 =	sand.u32 $0x380, s17;
	s17 =	simm.s32 $0x28;
	v8 =	vmul.f32 v8, v20;
	vm13 =	vgt.s32 v21, $0x1;
	v14 =	vcvt.f32.s32 v14  }
0x8c: {  	s16 =	sand.u32 $0x380, s17;
	s17 =	sand.u32 $0x380, s11;
	s13 =	simm.s32 $0x40;
	v19 =	vmul.f32 v19, v19;
	v13 =	vmul.f32 $-4.000000000e+00, v13;
	v21 =	vnsel vm13, $0x1, v21  }
0x8d: {  	s13 =	sand.u32 $0x7800, s13;
	s6 =	simm.s32 $0x280;
	v22 =	vadd.f32 $-6.675792330e-01, v8;
	v8 =	vadd.f32 $2.029347420e+00, v16;
	v16 =	vmul.f32 v18, v18  }
0x8e: {  	s31 =	sand.u32 $0x400, s6;
	v7 =	vadd.f32 $-2.467400550e+00, v7;
	v18 =	vmul.f32 $-4.000000000e+00, v19;
	v13 =	vmul.f32 $1.442695020e+00, v13  }
0x8f: {  	s18 =	simm.s32 $0x30;
	s30 =	sor.u32 s7, s31;
	s7 =	simm.s32 $0x50;
	v24 =	vmin.u32 v21, $0xA;
	v19 =	vmul.f32 v22, v20;
	v16 =	vmul.f32 $-4.000000000e+00, v16;
	v17 =	vld.idx.msk [tilespmem:v17+s1+$0x0], $0xffff  }
0x90: {  	s14 =	sand.u32 $0x3800, s18;
	s31 =	simm.s32 $0x180;
	s15 =	sand.u32 $0x70, s7;
	vm14 =	vgt.s32 v14, $0x1;
	v8 =	vmul.f32 v8, v5;
	v18 =	vmul.f32 $1.442695020e+00, v18  }
0x91: {  	s16 =	sor.u32 s16, s30;
	s18 =	sand.u32 $0x400, s31;
	s31 =	simm.s32 $0x30;
	v21 =	vcvt.s32.f32 v24;
	v6 =	vmul.f32 v7, v6;
	v19 =	vadd.f32 $2.029347420e+00, v19  }
0x92: {  	s30 =	sor.u32 s15, s16;
	s11 =	sor.u32 s14, s18;
	s16 =	sand.u32 $0x400, s19;
	v16 =	vmul.f32 $1.442695020e+00, v16;
	v7 =	vadd.f32 $-2.467400550e+00, v8;
	(erf) = vpow2.f32 v18  }
0x93: {  	s12 =	sor.u32 s12, s11;
	s13 =	sor.u32 s13, s16;
	s16 =	sand.u32 $0x70, s31;
	(erf) = vpow2.f32 v13;
	v13 =	vnsel vm14, $0x1, v14;
	v14 =	vmul.f32 v19, v20  }
0x94: {  	s11 =	simm.s32 $0x40;
	s17 =	sor.u32 s17, s13;
	s13 =	sor.u32 s16, s12;
	v18 =	vld [tilespmem:s30+$0xC00];
	(erf) = vpow2.f32 v16;
	v16 =	vsub.f32 v10, v21;
	v10 =	vmul.u32 $0xC00, v17  }
0x95: {  	v15 =	vshll.u32 v15, $0x8;
	s18 =	sand.u32 $0x80, s31;
	s14 =	sand.u32 $0x70, s11;
	v19 =	vld [tilespmem:s13+$0xC00];
	v13 =	vmin.u32 v13, $0xA;
	v14 =	vadd.f32 $-2.467400550e+00, v14  }
0x96: {  	s10 =	sand.u32 $0xF0, s10;
	s19 =	sadd.s32 s18, s3;
	s12 =	sor.u32 s14, s17;
	v5 =	vmul.f32 v7, v5;
	v17 =	vcvt.s32.f32 v13;
	v10 =	vadd.s32 v10, v15  }
0x97: {  	s17 =	sand.u32 $0x80, s7;
	v21 =	vadd.f32 $1.000000000e+00, v16;
	v15 =	vld [tilespmem:s12+$0xC00];
	v14 =	vmul.f32 v14, v20;
	v20 =	vor.u32 s10, v10;
	s10 =	sadd.s32 s16, s19  }
0x98: {  	v13 =	vshll.u32 v13, $0x8;
	v22 =	vadd.f32 $-1.000000000e+00, v16;
	v16 =	vmul.f32 v16, v16;
	s16 =	sadd.s32 s17, s3;
	v29 =	vld [tilespmem:s10+$0x0]  }
0x99: {  	v13 =	vadd.s32 v9, v13;
	v25 =	vadd.s32 $0x400, v18;
	v17 =	vsub.f32 v12, v17;
	v32 =	vld [tilespmem:s10+$0x400];
	s15 =	sadd.s32 s15, s16  }
0x9a: {  	v34 =	vadd.s32 $0x800, v18;
	v26 =	vmul.f32 v21, v21;
	v27 =	vmul.f32 v22, v22;
	v35 =	vld [tilespmem:s15+$0x0]  }
0x9b: {  	v30 =	vadd.s32 $0x400, v19;
	v14 =	vadd.f32 $1.000000000e+00, v14;
	v23 =	vadd.f32 $1.000000000e+00, v17;
	v51 =	vld [tilespmem:s15+$0x800];
	v21 =	vpop (erf)  }
0x9c: {  	v31 =	vadd.s32 $0x800, v19;
	v28 =	vadd.f32 $-1.000000000e+00, v17;
	v17 =	vmul.f32 v17, v17;
	v18 =	vld.idx.msk [tilespmem:v18+s2+$0x0], $0xffff;
	v22 =	vpop (erf)  }
0x9d: {  	v33 =	vadd.s32 $0x400, v15;
	v38 =	vmul.f32 v23, v23;
	v19 =	vld.idx.msk [tilespmem:v19+s2+$0x0], $0xffff;
	v21 =	vmul.f32 v21, v14;
	v36 =	vpop (erf)  }
0x9e: {  	v25 =	vld.idx.msk [tilespmem:v25+s2+$0x0], $0xffff;
	v22 =	vmul.f32 v22, v14;
	v23 =	vmul.f32 v36, v14;
	v14 =	vshll.u32 v24, $0x8  }
0x9f: {  	v27 =	vmul.f32 $-4.000000000e+00, v27;
	v11 =	vadd.s32 v11, v14;
	v14 =	vmul.f32 $-4.000000000e+00, v26;
	v26 =	vld [tilespmem:s15+$0x400]  }
0xa0: {  	s9 =	sand.u32 $0xF0, s9;
	v37 =	vadd.s32 $0x800, v15;
	v17 =	vmul.f32 $-4.000000000e+00, v17;
	v34 =	vld.idx.msk [tilespmem:v34+s2+$0x0], $0xffff;
	v24 =	vmul.f32 v28, v28  }
0xa1: {  	s8 =	sand.u32 $0xF0, s8;
	s18 =	sand.u32 $0x80, s11;
	v30 =	vld.idx.msk [tilespmem:v30+s2+$0x0], $0xffff;
	v28 =	vmul.f32 $-4.000000000e+00, v38;
	v18 =	vsub.f32 v18, v35;
	v11 =	vor.u32 s9, v11  }
0xa2: {  	s19 =	sadd.s32 s18, s3;
	v15 =	vld.idx.msk [tilespmem:v15+s2+$0x0], $0xffff;
	v50 =	vmul.f32 $-4.000000000e+00, v24;
	v24 =	vor.u32 s8, v13;
	v14 =	vmul.f32 $1.442695020e+00, v14  }
0xa3: {  	s8 =	sadd.s32 s14, s19;
	v9 =	vor.u32 v1, v11;
	v11 =	vmul.f32 $1.442695020e+00, v27;
	v27 =	vmul.f32 $1.442695020e+00, v28;
	v28 =	vld.idx.msk [tilespmem:v33+s2+$0x0], $0xffff  }
0xa4: {  	v16 =	vmul.f32 $-4.000000000e+00, v16;
	(erf) = vpow2.f32 v14;
	v14 =	vld [tilespmem:s8+$0x400];
	v25 =	vsub.f32 v25, v26  }
0xa5: {  	v18 =	vmul.f32 v18, v18;
	v26 =	vmul.f32 $1.442695020e+00, v17;
	v17 =	vld [tilespmem:s8+$0x0]  }
0xa6: {  	v34 =	vsub.f32 v34, v51;
	(erf) = vpow2.f32 v11;
	v11 =	vld.idx.msk [tilespmem:v31+s2+$0x0], $0xffff;
	v25 =	vmul.f32 v25, v25  }
0xa7: {  	v16 =	vmul.f32 $1.442695020e+00, v16;
	v19 =	vsub.f32 v19, v29;
	v13 =	vmul.f32 $1.442695020e+00, v50;
	v31 =	vld.idx.msk [tilespmem:v37+s2+$0x0], $0xffff  }
0xa8: {  	(erf) = vpow2.f32 v27;
	v27 =	vld [tilespmem:s8+$0x800];
	v18 =	vadd.f32 v25, v18;
	v25 =	vmul.f32 v34, v34  }
0xa9: {  	v8 =	vld [tilespmem:s10+$0x800];
	v30 =	vsub.f32 v30, v32;
	v19 =	vmul.f32 v19, v19;
	(erf) = vpow2.f32 v13  }
0xaa: {  	(erf) = vpow2.f32 v16;
	v14 =	vsub.f32 v28, v14;
	v25 =	vadd.f32 v25, v18  }
0xab: {  	v15 =	vsub.f32 v15, v17;
	v17 =	vadd.f32 $1.000000000e+00, v6;
	v18 =	vmul.f32 v30, v30  }
0xac: {  	v6 =	vmul.f32 v14, v14;
	v7 =	vshra.s32 v25, $0x1;
	v13 =	vmul.f32 $-5.000000000e-01, v25  }
0xad: {  	v16 =	vsub.f32 v31, v27;
	v15 =	vmul.f32 v15, v15;
	v7 =	vsub.s32 $0x5F3759DF, v7  }
0xae: {  	v28 =	vld [tilespmem:s13+$0x3C00];
	v8 =	vsub.f32 v11, v8;
	v11 =	vadd.f32 v18, v19;
	v29 =	vmul.f32 v7, v13  }
0xaf: {  	v19 =	vpop (erf);
	(erf) = vpow2.f32 v26;
	v26 =	vmul.f32 v16, v16;
	v6 =	vadd.f32 v6, v15  }
0xb0: {  	v10 =	vadd.s32 v3, v20;
	v18 =	vmul.f32 v7, v29  }
0xb1: {  	v12 =	vor.u32 v1, v20;
	v14 =	vld [tilespmem:s12+$0x3C00];
	v8 =	vmul.f32 v8, v8;
	v30 =	vadd.f32 v26, v6  }
0xb2: {  	v20 =	vadd.s32 v4, v20;
	v27 =	vmul.f32 v19, v17;
	v15 =	vpop (erf);
	v18 =	vadd.f32 $1.500000000e+00, v18  }
0xb3: {  	v29 =	vadd.f32 v8, v11;
	v15 =	vmul.f32 v15, v17;
	v26 =	vmul.f32 $-5.000000000e-01, v30  }
0xb4: {  	v5 =	vadd.f32 $1.000000000e+00, v5;
	v31 =	vmul.f32 $6.944444500e-03, v30;
	v6 =	vmul.f32 v7, v18  }
0xb5: {  	[tilespmem:v10+s4+$0x0] =	vst.idx.add.f32.msk $0xffff, v21;
	v11 =	vshra.s32 v30, $0x1;
	v19 =	vmul.f32 $-5.000000000e-01, v29;
	v8 =	vmul.f32 $6.944444500e-03, v29  }
0xb6: {  	v7 =	vshra.s32 v29, $0x1;
	v18 =	vld.idx.msk [tilespmem:v28+s1+$0x0], $0xffff;
	v28 =	vsub.s32 $0x5F3759DF, v11;
	v13 =	vmul.f32 v6, v13  }
0xb7: {  	[tilespmem:v12+s4+$0x0] =	vst.idx.add.f32.msk $0xffff, v22;
	v11 =	vmin.f32 v8, $1.000000000e+00;
	v8 =	vmin.f32 v31, $1.000000000e+00;
	v55 =	vmul.f32 v28, v26  }
0xb8: {  	[tilespmem:v20+s4+$0x0] =	vst.idx.add.f32.msk $0xffff, v23;
	v16 =	vpop (erf);
	v7 =	vsub.s32 $0x5F3759DF, v7;
	v56 =	vmul.f32 $7.969553700e-04, v8;
	v13 =	vmul.f32 v13, v6  }
0xb9: {  	v23 =	vadd.s32 v3, v24;
	v16 =	vmul.f32 v16, v5;
	v53 =	vld.idx.msk [tilespmem:v14+s1+$0x0], $0xffff;
	v14 =	vmul.f32 v7, v19  }
0xba: {  	v57 =	vmul.f32 v28, v55;
	v58 =	vadd.f32 $-1.267949210e-02, v56;
	v13 =	vadd.f32 $1.500000000e+00, v13  }
0xbb: {  	v52 =	vadd.s32 $0xFFFFFF00, v9;
	v54 =	vmul.f32 $7.969553700e-04, v11;
	v31 =	vmul.f32 v7, v14  }
0xbc: {  	v34 =	vadd.f32 $1.500000000e+00, v57;
	v61 =	vmul.f32 v58, v8;
	v6 =	vmul.f32 v13, v6  }
0xbd: {  	v14 =	vmul.u32 $0xC00, v18;
	v18 =	vadd.f32 $-1.267949210e-02, v54;
	v31 =	vadd.f32 $1.500000000e+00, v31  }
0xbe: {  	v28 =	vmul.f32 v28, v34;
	v34 =	vadd.f32 $1.175149010e-01, v61;
	v60 =	vmul.f32 v6, v25  }
0xbf: {  	v59 =	vmul.f32 v18, v11;
	v18 =	vadd.s32 $0x100, v9;
	v31 =	vmul.f32 v7, v31  }
0xc0: {  	v26 =	vmul.f32 v28, v26;
	v34 =	vmul.f32 v34, v8;
	v62 =	vadd.f32 $5.000000000e-01, v60  }
0xc1: {  	v13 =	vmul.u32 $0xC00, v53;
	v19 =	vmul.f32 v31, v19;
	v25 =	vmul.f32 $6.944444500e-03, v25  }
0xc2: {  	v7 =	vadd.f32 $1.175149010e-01, v59;
	v26 =	vmul.f32 v26, v28;
	v35 =	vtrunc.f32 v62  }
0xc3: {  	v63 =	vmul.f32 v19, v31;
	v19 =	vmin.f32 v25, $1.000000000e+00;
	v35 =	vcvt.f32.s32 v35  }
0xc4: {  	v36 =	vmul.f32 v7, v11;
	v7 =	vor.u32 v1, v24;
	v21 =	vmul.f32 $7.969553700e-04, v19  }
0xc5: {  	v6 =	vpop (erf);
	v12 =	vadd.f32 $1.500000000e+00, v26;
	v10 =	vadd.f32 $1.500000000e+00, v63;
	vm15 =	vgt.s32 v35, $0x1  }
0xc6: {  	v6 =	vmul.f32 v6, v5;
	v21 =	vadd.f32 $-1.267949210e-02, v21;
	v22 =	vnsel vm15, $0x1, v35  }
0xc7: {  	[tilespmem:v52+s4+$0x0] =	vst.idx.add.f32.msk $0xffff, v27;
	v27 =	vmul.f32 v12, v28;
	v10 =	vmul.f32 v10, v31;
	v20 =	vmin.u32 v22, $0xA  }
0xc8: {  	v36 =	vadd.f32 $-6.675792330e-01, v36;
	v31 =	vmul.f32 v21, v19;
	v28 =	vcvt.s32.f32 v20  }
0xc9: {  	v34 =	vadd.f32 $-6.675792330e-01, v34;
	v21 =	vmul.f32 v27, v30;
	v27 =	vld [tilespmem:s30+$0x3C00];
	v22 =	vmul.f32 v10, v29  }
0xca: {  	s10 =	simm.s32 $0x3;
	v25 =	vpop (erf);
	v12 =	vadd.s32 v4, v24;
	v26 =	vmul.f32 v36, v11;
	v28 =	vsub.f32 v60, v28  }
0xcb: {  	s9 =	sand.u32 $0xF0, s31;
	s8 =	sand.u32 $0xF0, s11;
	v24 =	vmul.f32 v34, v8;
	s30 =	simm.s32 $0x50;
	v30 =	vadd.f32 $1.175149010e-01, v31;
	v10 =	vpop (erf);
	v29 =	vadd.f32 $5.000000000e-01, v22  }
.LBB2_4:
0xcc: {  	s11 =	sadd.s32 $0x4, s10;
	v31 =	vadd.f32 $5.000000000e-01, v21;
	v32 =	vadd.f32 $1.000000000e+00, v28;
	v25 =	vmul.f32 v25, v17;
	s12 =	smov.u32 s10;
	s10 =	sadd.s32 $0x3, s10  }
0xcd: {  	v17 =	vadd.f32 $2.029347420e+00, v26;
	s13 =	sshll.u32 s10, $0x3;
	s14 =	sshll.u32 s11, $0x3;
	p0 =	slt.u32 s10, $0x2FD;
	v29 =	vtrunc.f32 v29;
	v26 =	vmul.f32 v30, v19;
	[tilespmem:v23+s4+$0x0] =	vst.idx.add.f32.msk $0xffff, v16  }
0xce: {  	s15 =	sshll.u32 s10, $0x4;
	s11 =	sshll.u32 s11, $0x4;
	v30 =	vadd.f32 $-1.000000000e+00, v28;
	s13 =	sand.u32 $0x380, s13;
	v16 =	vtrunc.f32 v31;
	v23 =	vmul.f32 v32, v32;
	[tilespmem:v9+s4+$0x0] =	vst.idx.add.f32.msk $0xffff, v25  }
0xcf: {  	s12 =	sadd.s32 $0x5, s12;
	s16 =	sand.u32 $0x3800, s15;
	s14 =	sand.u32 $0x380, s14;
	v9 =	vcvt.f32.s32 v29;
	v25 =	vadd.f32 $-6.675792330e-01, v26;
	v26 =	vmul.f32 v28, v28;
	[tilespmem:v18+s4+$0x0] =	vst.idx.add.f32.msk $0xffff, v15  }
0xd0: {  	s6 =	sadd.s32 $0x180, s6;
	s11 =	sand.u32 $0x7800, s11;
	s15 =	sshll.u32 s12, $0x4;
	v15 =	vadd.f32 $2.029347420e+00, v24;
	v18 =	vmul.f32 $-4.000000000e+00, v23;
	v23 =	vmul.f32 v30, v30  }
0xd1: {  	s17 =	sand.u32 $0x400, s6;
	s12 =	sshll.u32 s12, $0x3;
	s15 =	sand.u32 $0x7800, s15;
	vm0 =	vgt.s32 v9, $0x1;
	v24 =	vld.idx.msk [tilespmem:v27+s1+$0x0], $0xffff;
	v25 =	vmul.f32 v25, v19;
	v26 =	vmul.f32 $-4.000000000e+00, v26  }
0xd2: {  	s7 =	sadd.s32 $0x30, s7;
	s12 =	sand.u32 $0x380, s12;
	s17 =	sor.u32 s15, s17;
	v9 =	vnsel vm0, $0x1, v9;
	v18 =	vmul.f32 $1.442695020e+00, v18;
	v23 =	vmul.f32 $-4.000000000e+00, v23  }
0xd3: {  	s31 =	sadd.s32 $0xFFFFFF00, s6;
	v16 =	vcvt.f32.s32 v16;
	s15 =	sand.u32 $0x70, s7;
	s12 =	sor.u32 s12, s17;
	v9 =	vmin.u32 v9, $0xA;
	v26 =	vmul.f32 $1.442695020e+00, v26  }
0xd4: {  	s18 =	sadd.s32 $0xFFFFFF80, s6;
	s17 =	sand.u32 $0x400, s31;
	s31 =	sor.u32 s15, s12;
	v25 =	vadd.f32 $2.029347420e+00, v25;
	v23 =	vmul.f32 $1.442695020e+00, v23;
	(erf) = vpow2.f32 v18  }
0xd5: {  	s19 =	sadd.s32 $0xFFFFFFE0, s7;
	vm0 =	vgt.s32 v16, $0x1;
	s12 =	sor.u32 s16, s17;
	s16 =	sand.u32 $0x400, s18;
	v27 =	vcvt.s32.f32 v9;
	v18 =	vld [tilespmem:s31+$0xC00];
	(erf) = vpow2.f32 v26  }
0xd6: {  	s17 =	sadd.s32 $0xFFFFFFF0, s7;
	v16 =	vnsel vm0, $0x1, v16;
	s12 =	sor.u32 s13, s12;
	s11 =	sor.u32 s11, s16;
	v25 =	vmul.f32 v25, v19;
	(erf) = vpow2.f32 v23  }
0xd7: {  	s13 =	sand.u32 $0x70, s19;
	s16 =	sand.u32 $0x70, s17;
	v16 =	vmin.u32 v16, $0xA;
	s11 =	sor.u32 s14, s11;
	v22 =	vsub.f32 v22, v27;
	v23 =	vmul.u32 $0xC00, v24  }
0xd8: {  	v20 =	vshll.u32 v20, $0x8;
	s14 =	sand.u32 $0x80, s19;
	s12 =	sor.u32 s13, s12;
	s11 =	sor.u32 s16, s11;
	v24 =	vcvt.s32.f32 v16;
	v25 =	vadd.f32 $-2.467400550e+00, v25  }
0xd9: {  	s30 =	sand.u32 $0xF0, s30;
	s18 =	sand.u32 $0x80, s17;
	s14 =	sadd.s32 s14, s3;
	v27 =	vadd.f32 $1.000000000e+00, v22;
	v28 =	vadd.f32 $-1.000000000e+00, v22;
	v20 =	vadd.s32 v23, v20;
	v26 =	vld [tilespmem:s12+$0xC00]  }
0xda: {  	s13 =	sadd.s32 s13, s14;
	s14 =	sadd.s32 s18, s3;
	s18 =	sand.u32 $0x80, s7;
	v20 =	vor.u32 s30, v20;
	v19 =	vmul.f32 v25, v19;
	v23 =	vld [tilespmem:s11+$0xC00];
	v29 =	vadd.s32 $0x400, v18  }
0xdb: {  	s19 =	sand.u32 $0xF0, s19;
	s14 =	sadd.s32 s16, s14;
	s18 =	sadd.s32 s18, s3;
	v21 =	vsub.f32 v21, v24;
	v27 =	vmul.f32 v27, v27;
	v24 =	vadd.s32 v3, v20;
	v25 =	vld [tilespmem:s13+$0x0]  }
0xdc: {  	s16 =	sand.u32 $0xF0, s17;
	s15 =	sadd.s32 s15, s18;
	v28 =	vmul.f32 v28, v28;
	s30 =	smov.u32 s7;
	v31 =	vor.u32 v1, v20;
	v19 =	vadd.f32 $1.000000000e+00, v19;
	v30 =	vld [tilespmem:s13+$0x400]  }
0xdd: {  	v33 =	vadd.f32 $1.000000000e+00, v21;
	v34 =	vadd.f32 $-1.000000000e+00, v21;
	v20 =	vadd.s32 v4, v20;
	v32 =	vld [tilespmem:s15+$0x0];
	v35 =	vpop (erf)  }
0xde: {  	v36 =	vadd.s32 $0x400, v26;
	v37 =	vadd.s32 $0x800, v26;
	v38 =	vld.idx.msk [tilespmem:v18+s2+$0x0], $0xffff;
	v35 =	vmul.f32 v35, v19;
	v39 =	vpop (erf)  }
0xdf: {  	v18 =	vadd.s32 $0x800, v18;
	v40 =	vadd.s32 $0x400, v23;
	v29 =	vld.idx.msk [tilespmem:v29+s2+$0x0], $0xffff;
	v39 =	vmul.f32 v39, v19;
	v41 =	vpop (erf)  }
0xe0: {  	v33 =	vmul.f32 v33, v33;
	v42 =	vadd.s32 $0x800, v23;
	[tilespmem:v24+s4+$0x0] =	vst.idx.add.f32.msk $0xffff, v35;
	v19 =	vmul.f32 v41, v19  }
0xe1: {  	v9 =	vshll.u32 v9, $0x8;
	v22 =	vmul.f32 v22, v22;
	v24 =	vmul.f32 v34, v34;
	[tilespmem:v31+s4+$0x0] =	vst.idx.add.f32.msk $0xffff, v39  }
0xe2: {  	v9 =	vadd.s32 v14, v9;
	v21 =	vmul.f32 v21, v21;
	v14 =	vmul.f32 $-4.000000000e+00, v27;
	[tilespmem:v20+s4+$0x0] =	vst.idx.add.f32.msk $0xffff, v19  }
0xe3: {  	v16 =	vshll.u32 v16, $0x8;
	v27 =	vmul.f32 $-4.000000000e+00, v33;
	v20 =	vmul.f32 $-4.000000000e+00, v28;
	v19 =	vld [tilespmem:s15+$0x400]  }
0xe4: {  	v9 =	vor.u32 s9, v9;
	s9 =	smov.u32 s19;
	v22 =	vmul.f32 $-4.000000000e+00, v22;
	v24 =	vmul.f32 $-4.000000000e+00, v24;
	v18 =	vld.idx.msk [tilespmem:v18+s2+$0x0], $0xffff  }
0xe5: {  	v13 =	vadd.s32 v13, v16;
	v16 =	vmul.f32 $-4.000000000e+00, v21;
	v14 =	vmul.f32 $1.442695020e+00, v14;
	v28 =	vld [tilespmem:s15+$0x800]  }
0xe6: {  	v9 =	vor.u32 v1, v9;
	v27 =	vmul.f32 $1.442695020e+00, v27;
	v20 =	vmul.f32 $1.442695020e+00, v20;
	v31 =	vld.idx.msk [tilespmem:v36+s2+$0x0], $0xffff  }
0xe7: {  	v22 =	vmul.f32 $1.442695020e+00, v22;
	v21 =	vor.u32 s8, v13;
	s8 =	smov.u32 s16;
	v13 =	vmul.f32 $1.442695020e+00, v24;
	v33 =	vld.idx.msk [tilespmem:v40+s2+$0x0], $0xffff  }
0xe8: {  	v16 =	vmul.f32 $1.442695020e+00, v16;
	v24 =	vld.idx.msk [tilespmem:v26+s2+$0x0], $0xffff;
	v26 =	vsub.f32 v38, v32;
	v19 =	vsub.f32 v29, v19  }
0xe9: {  	v17 =	vmul.f32 v17, v11;
	v29 =	vadd.s32 $0xFFFFFF00, v9;
	v23 =	vld.idx.msk [tilespmem:v23+s2+$0x0], $0xffff;
	(erf) = vpow2.f32 v14  }
0xea: {  	v14 =	vld [tilespmem:s14+$0x0];
	v18 =	vsub.f32 v18, v28;
	v26 =	vmul.f32 v26, v26;
	v19 =	vmul.f32 v19, v19  }
0xeb: {  	v17 =	vadd.f32 $-2.467400550e+00, v17;
	v15 =	vmul.f32 v15, v8;
	v28 =	vld [tilespmem:s14+$0x400];
	(erf) = vpow2.f32 v20  }
0xec: {  	v30 =	vsub.f32 v31, v30;
	v20 =	vld.idx.msk [tilespmem:v37+s2+$0x0], $0xffff;
	v19 =	vadd.f32 v19, v26;
	v18 =	vmul.f32 v18, v18  }
0xed: {  	v11 =	vmul.f32 v17, v11;
	v15 =	vadd.f32 $-2.467400550e+00, v15;
	v26 =	vld.idx.msk [tilespmem:v42+s2+$0x0], $0xffff;
	(erf) = vpow2.f32 v27  }
0xee: {  	v17 =	vsub.f32 v24, v25;
	v24 =	vmul.f32 v30, v30;
	v27 =	vld [tilespmem:s13+$0x800];
	v19 =	vadd.f32 v18, v19  }
0xef: {  	v8 =	vmul.f32 v15, v8;
	v18 =	vld [tilespmem:s14+$0x800];
	v14 =	vsub.f32 v23, v14;
	(erf) = vpow2.f32 v13  }
0xf0: {  	v13 =	vld [tilespmem:s12+$0x3C00];
	v15 =	vsub.f32 v33, v28;
	v23 =	vshra.s32 v19, $0x1;
	v25 =	vmul.f32 $-5.000000000e-01, v19  }
0xf1: {  	v28 =	vmul.f32 v17, v17;
	v30 =	vld [tilespmem:s11+$0x3C00];
	v14 =	vmul.f32 v14, v14;
	v23 =	vsub.s32 $0x5F3759DF, v23  }
0xf2: {  	v17 =	vadd.f32 $1.000000000e+00, v11;
	v15 =	vmul.f32 v15, v15;
	v31 =	vmul.f32 v23, v25;
	v11 =	vpop (erf)  }
0xf3: {  	v24 =	vadd.f32 v24, v28;
	v20 =	vsub.f32 v20, v27;
	(erf) = vpow2.f32 v22  }
0xf4: {  	v18 =	vsub.f32 v26, v18;
	v14 =	vadd.f32 v15, v14;
	v15 =	vmul.f32 v23, v31;
	v22 =	vpop (erf)  }
0xf5: {  	v8 =	vadd.f32 $1.000000000e+00, v8;
	v27 =	vmul.f32 v20, v20;
	(erf) = vpow2.f32 v16  }
0xf6: {  	v11 =	vmul.f32 v11, v17;
	v18 =	vmul.f32 v18, v18;
	v26 =	vadd.f32 $1.500000000e+00, v15;
	v16 =	vpop (erf)  }
0xf7: {  	v15 =	vmul.f32 v22, v17;
	v24 =	vadd.f32 v27, v24;
	v16 =	vmul.f32 v16, v8  }
0xf8: {  	v10 =	vmul.f32 v10, v5;
	v13 =	vld.idx.msk [tilespmem:v13+s1+$0x0], $0xffff;
	v28 =	vadd.f32 v18, v14;
	v18 =	vmul.f32 v23, v26;
	v20 =	vpop (erf)  }
0xf9: {  	v5 =	vmovc v8;
	v14 =	vshra.s32 v24, $0x1;
	v22 =	vmul.f32 $-5.000000000e-01, v24;
	v23 =	vmul.f32 $6.944444500e-03, v24;
	v26 =	vld.idx.msk [tilespmem:v30+s1+$0x0], $0xffff  }
0xfa: {  	v8 =	vshra.s32 v28, $0x1;
	v27 =	vmul.f32 $-5.000000000e-01, v28;
	v31 =	vmul.f32 v18, v25;
	[tilespmem:v29+s4+$0x0] =	vst.idx.add.f32.msk $0xffff, v11  }
0xfb: {  	v29 =	vsub.s32 $0x5F3759DF, v14;
	v30 =	vsub.s32 $0x5F3759DF, v8;
	v8 =	vmul.f32 $6.944444500e-03, v28;
	[tilespmem:v7+s4+$0x0] =	vst.idx.add.f32.msk $0xffff, v10  }
0xfc: {  	v7 =	vmul.f32 v29, v22;
	v11 =	vmin.f32 v23, $1.000000000e+00;
	v14 =	vmul.f32 v31, v18;
	v25 =	vpop (erf);
	[tilespmem:v12+s4+$0x0] =	vst.idx.add.f32.msk $0xffff, v6  }
0xfd: {  	v6 =	vmul.f32 $7.969553700e-04, v11;
	v12 =	vmul.f32 v30, v27;
	v8 =	vmin.f32 v8, $1.000000000e+00  }
0xfe: {  	v7 =	vmul.f32 v29, v7;
	v23 =	vmul.f32 $7.969553700e-04, v8;
	v31 =	vadd.f32 $1.500000000e+00, v14;
	v10 =	vpop (erf)  }
0xff: {  	v14 =	vmul.u32 $0xC00, v13;
	v6 =	vadd.f32 $-1.267949210e-02, v6;
	v12 =	vmul.f32 v30, v12  }
0x100: {  	v7 =	vadd.f32 $1.500000000e+00, v7;
	v23 =	vadd.f32 $-1.267949210e-02, v23;
	v18 =	vmul.f32 v31, v18  }
0x101: {  	v13 =	vmul.u32 $0xC00, v26;
	v6 =	vmul.f32 v6, v11;
	v12 =	vadd.f32 $1.500000000e+00, v12  }
0x102: {  	v26 =	vmul.f32 v29, v7;
	v29 =	vmul.f32 v18, v19;
	v18 =	vadd.s32 $0x100, v9  }
0x103: {  	v7 =	vadd.f32 $1.175149010e-01, v6;
	v12 =	vmul.f32 v30, v12;
	v23 =	vmul.f32 v23, v8  }
0x104: {  	v6 =	vmul.f32 v20, v5;
	v22 =	vmul.f32 v26, v22;
	v30 =	vadd.f32 $5.000000000e-01, v29  }
0x105: {  	v20 =	vmul.f32 v7, v11;
	v27 =	vmul.f32 v12, v27;
	v23 =	vadd.f32 $1.175149010e-01, v23  }
0x106: {  	v19 =	vmul.f32 $6.944444500e-03, v19;
	v7 =	vor.u32 v1, v21;
	v30 =	vtrunc.f32 v30  }
0x107: {  	v22 =	vmul.f32 v22, v26;
	v31 =	vadd.f32 $-6.675792330e-01, v20;
	v20 =	vcvt.f32.s32 v30  }
0x108: {  	v19 =	vmin.f32 v19, $1.000000000e+00;
	v27 =	vmul.f32 v27, v12;
	v23 =	vmul.f32 v23, v8  }
0x109: {  	v22 =	vadd.f32 $1.500000000e+00, v22;
	v30 =	vmul.f32 $7.969553700e-04, v19;
	vm0 =	vgt.s32 v20, $0x1  }
0x10a: {  	v27 =	vadd.f32 $1.500000000e+00, v27;
	v32 =	vadd.f32 $-6.675792330e-01, v23;
	v20 =	vnsel vm0, $0x1, v20  }
.Ltmp1:
0x10b: {  	v22 =	vmul.f32 v22, v26;
	v26 =	vadd.f32 $-1.267949210e-02, v30;
	v20 =	vmin.u32 v20, $0xA;
	(pc) =	sbr.rel @p0 .LBB2_4-.Ltmp1, $4  }
0x10c: {  	v23 =	vadd.s32 v3, v21;
	v30 =	vmul.f32 v27, v12;
	v33 =	vcvt.s32.f32 v20  }
0x10d: {  	v12 =	vadd.s32 v4, v21;
	v22 =	vmul.f32 v22, v24;
	v34 =	vmul.f32 v26, v19;
	v27 =	vld [tilespmem:s31+$0x3C00]  }
0x10e: {  	v26 =	vmul.f32 v31, v11;
	v21 =	vmul.f32 v30, v28;
	v28 =	vsub.f32 v29, v33  }
0x10f: {  	v24 =	vmul.f32 v32, v8;
	v30 =	vadd.f32 $1.175149010e-01, v34;
	v29 =	vadd.f32 $5.000000000e-01, v22  }
0x110: {  	v31 =	vadd.f32 $5.000000000e-01, v21;
	v17 =	vmul.f32 v25, v17;
	v54 =	vmul.f32 v28, v28  }
0x111: {  	v32 =	vadd.f32 $1.000000000e+00, v28;
	v5 =	vmul.f32 v10, v5;
	v49 =	vtrunc.f32 v29  }
0x112: {  	v53 =	vadd.f32 $-1.000000000e+00, v28;
	v50 =	vmul.f32 v30, v19;
	v51 =	vtrunc.f32 v31  }
0x113: {  	v26 =	vadd.f32 $2.029347420e+00, v26;
	v52 =	vmul.f32 v32, v32;
	v25 =	vcvt.f32.s32 v49  }
0x114: {  	v24 =	vadd.f32 $2.029347420e+00, v24;
	v32 =	vmul.f32 v53, v53;
	v28 =	vmul.f32 $-4.000000000e+00, v54  }
0x115: {  	v26 =	vmul.f32 v26, v11;
	v29 =	vadd.f32 $-6.675792330e-01, v50;
	v30 =	vcvt.f32.s32 v51  }
0x116: {  	v24 =	vmul.f32 v24, v8;
	v31 =	vmul.f32 $-4.000000000e+00, v52;
	vm0 =	vgt.s32 v25, $0x1  }
0x117: {  	v32 =	vmul.f32 $-4.000000000e+00, v32;
	v25 =	vnsel vm0, $0x1, v25;
	vm15 =	vgt.s32 v30, $0x1  }
0x118: {  	v29 =	vmul.f32 v29, v19;
	v25 =	vmin.u32 v25, $0xA;
	v30 =	vnsel vm15, $0x1, v30  }
0x119: {  	v31 =	vmul.f32 $1.442695020e+00, v31;
	v33 =	vcvt.s32.f32 v25;
	v30 =	vmin.u32 v30, $0xA  }
0x11a: {  	v28 =	vmul.f32 $1.442695020e+00, v28;
	v29 =	vadd.f32 $2.029347420e+00, v29;
	v34 =	vcvt.s32.f32 v30  }
0x11b: {  	v55 =	vmul.f32 $1.442695020e+00, v32;
	(erf) = vpow2.f32 v31;
	v22 =	vsub.f32 v22, v33  }
0x11c: {  	v29 =	vmul.f32 v29, v19;
	(erf) = vpow2.f32 v28;
	v56 =	vsub.f32 v21, v34  }
0x11d: {  	(erf) = vpow2.f32 v55;
	v58 =	vadd.f32 $1.000000000e+00, v22;
	v59 =	vadd.f32 $-1.000000000e+00, v22  }
0x11e: {  	v22 =	vmul.f32 v22, v22;
	v60 =	vadd.f32 $1.000000000e+00, v56;
	v21 =	vmul.f32 v56, v56  }
0x11f: {  	v63 =	vadd.f32 $-1.000000000e+00, v56;
	v62 =	vmul.f32 v58, v58;
	v31 =	vmul.f32 v59, v59  }
0x120: {  	v22 =	vmul.f32 $-4.000000000e+00, v22;
	v32 =	vmul.f32 v60, v60  }
0x121: {  	v27 =	vld.idx.msk [tilespmem:v27+s1+$0x0], $0xffff;
	v57 =	vadd.f32 $-2.467400550e+00, v29;
	v29 =	vmul.f32 v63, v63;
	v36 =	vmul.f32 $-4.000000000e+00, v62  }
0x122: {  	v21 =	vmul.f32 $-4.000000000e+00, v21;
	v37 =	vmul.f32 $-4.000000000e+00, v31  }
0x123: {  	v20 =	vshll.u32 v20, $0x8;
	v38 =	vmul.f32 $-4.000000000e+00, v32;
	v39 =	vmul.f32 $1.442695020e+00, v36  }
0x124: {  	v26 =	vadd.f32 $-2.467400550e+00, v26;
	v29 =	vmul.f32 $-4.000000000e+00, v29;
	v40 =	vmul.f32 $1.442695020e+00, v37  }
0x125: {  	v51 =	vadd.f32 $-2.467400550e+00, v24;
	v41 =	vmul.f32 $1.442695020e+00, v38;
	(erf) = vpow2.f32 v39  }
0x126: {  	v27 =	vmul.u32 $0xC00, v27;
	v42 =	vmul.f32 $1.442695020e+00, v29;
	(erf) = vpow2.f32 v40  }
0x127: {  	v25 =	vshll.u32 v25, $0x8;
	v22 =	vmul.f32 $1.442695020e+00, v22;
	(erf) = vpow2.f32 v41  }
0x128: {  	v47 =	vmul.f32 v26, v11;
	v14 =	vadd.s32 v14, v25;
	(erf) = vpow2.f32 v42  }
0x129: {  	s6 =	sand.u32 $0xF0, s30;
	v20 =	vadd.s32 v27, v20;
	v21 =	vmul.f32 $1.442695020e+00, v21;
	v45 =	vpop (erf);
	(erf) = vpow2.f32 v22  }
0x12a: {  	v49 =	vshll.u32 v30, $0x8;
	v20 =	vor.u32 s6, v20;
	v61 =	vmul.f32 v57, v19  }
0x12b: {  	[tilespmem:v23+s4+$0x0] =	vst.idx.add.f32.msk $0xffff, v16;
	v14 =	vor.u32 s9, v14;
	v43 =	vadd.s32 v3, v20;
	(erf) = vpow2.f32 v21  }
0x12c: {  	[tilespmem:v9+s4+$0x0] =	vst.idx.add.f32.msk $0xffff, v17;
	v9 =	vadd.s32 v13, v49;
	v44 =	vor.u32 v1, v20;
	v19 =	vadd.f32 $1.000000000e+00, v61;
	v48 =	vpop (erf)  }
0x12d: {  	[tilespmem:v7+s4+$0x0] =	vst.idx.add.f32.msk $0xffff, v5;
	v14 =	vor.u32 v1, v14;
	v9 =	vor.u32 s8, v9;
	v20 =	vadd.s32 v4, v20;
	v52 =	vpop (erf)  }
0x12e: {  	[tilespmem:v18+s4+$0x0] =	vst.idx.add.f32.msk $0xffff, v15;
	v50 =	vadd.s32 $0xFFFFFF00, v14;
	v56 =	vmul.f32 v51, v8;
	v46 =	vmul.f32 v45, v19;
	v54 =	vpop (erf)  }
0x12f: {  	[tilespmem:v12+s4+$0x0] =	vst.idx.add.f32.msk $0xffff, v6;
	v11 =	vadd.f32 $1.000000000e+00, v47;
	v58 =	vadd.s32 v3, v9;
	v53 =	vmul.f32 v48, v19;
	v57 =	vpop (erf)  }
0x130: {  	v8 =	vadd.f32 $1.000000000e+00, v56;
	[tilespmem:v43+s4+$0x0] =	vst.idx.add.f32.msk $0xffff, v46;
	v55 =	vmul.f32 v52, v19;
	v59 =	vpop (erf)  }
0x131: {  	v61 =	vadd.s32 $0x100, v14;
	[tilespmem:v44+s4+$0x0] =	vst.idx.add.f32.msk $0xffff, v53;
	v13 =	vmul.f32 v54, v11;
	v60 =	vpop (erf)  }
0x132: {  	v7 =	vor.u32 v1, v9;
	[tilespmem:v20+s4+$0x0] =	vst.idx.add.f32.msk $0xffff, v55;
	v16 =	vmul.f32 v59, v8;
	v5 =	vpop (erf)  }
0x133: {  	v6 =	vadd.s32 v4, v9;
	[tilespmem:v50+s4+$0x0] =	vst.idx.add.f32.msk $0xffff, v13;
	v5 =	vmul.f32 v5, v11  }
0x134: {  	v62 =	vmul.f32 v57, v11;
	v63 =	vpop (erf);
	[tilespmem:v58+s4+$0x0] =	vst.idx.add.f32.msk $0xffff, v16  }
0x135: {  	[tilespmem:v14+s4+$0x0] =	vst.idx.add.f32.msk $0xffff, v5;
	v5 =	vmul.f32 v63, v8  }
0x136: {  	v8 =	vmul.f32 v60, v8;
	[tilespmem:v61+s4+$0x0] =	vst.idx.add.f32.msk $0xffff, v62  }
0x137: {  	[tilespmem:v7+s4+$0x0] =	vst.idx.add.f32.msk $0xffff, v5  }
0x138: {  	[tilespmem:v6+s4+$0x0] =	vst.idx.add.f32.msk $0xffff, v8  }
0x139: {  	s18 =	rddreg [dreg:$0x8]  }
0x13a: {  	s19 =	rddreg [dreg:$0x9]  }
0x13b: {  	[hbm4b:s18+s28] =	stream.strided.scatter [tilespmem:s4], [sflag:$0x1], $0x100, s29, s28, $0x38;
	[tilespmem:$0xA880] =	vst v63  }
0x13c: {  	s7 =	simm.s32 $0x7800;
	s30 =	rddreg [dreg:$0xa]  }
0x13d: {  	[hbm4b:s19+s28] =	stream.strided.scatter [tilespmem:s7], [sflag:$0x1], $0x100, s29, s28, $0x38;
	[tilespmem:$0xA880] =	vst v63  }
0x13e: {  	s31 =	simm.s32 $0x8400;
	s8 =	rddreg [dreg:$0xb]  }
0x13f: {  	[hbm4b:s30+s28] =	stream.strided.scatter [tilespmem:s31], [sflag:$0x1], $0x100, s29, s28, $0x38;
	[tilespmem:$0xA880] =	vst v63  }
0x140: {  	s9 =	simm.s32 $0x9000;
	s10 =	rddreg [dreg:$0xc]  }
0x141: {  	[hbm4b:s8+s28] =	stream.strided.scatter [tilespmem:s9], [sflag:$0x1], $0x100, s29, s28, $0x38;
	[tilespmem:$0xA880] =	vst v63  }
0x142: {  	s11 =	simm.s32 $0x6D00;
	s12 =	rddreg [dreg:$0xd]  }
0x143: {  	[hbm4b:s10+s28] =	stream.strided.scatter [tilespmem:s11], [sflag:$0x1], $0x100, s29, s28, $0x38;
	[tilespmem:$0xA880] =	vst v63  }
0x144: {  	s13 =	simm.s32 $0x7900;
	s14 =	rddreg [dreg:$0xe]  }
0x145: {  	[hbm4b:s12+s28] =	stream.strided.scatter [tilespmem:s13], [sflag:$0x1], $0x100, s29, s28, $0x38;
	[tilespmem:$0xA880] =	vst v63  }
0x146: {  	s15 =	simm.s32 $0x8500;
	s16 =	rddreg [dreg:$0xf]  }
0x147: {  	[hbm4b:s14+s28] =	stream.strided.scatter [tilespmem:s15], [sflag:$0x1], $0x100, s29, s28, $0x38;
	[tilespmem:$0xA880] =	vst v63  }
0x148: {  	s17 =	simm.s32 $0x9100;
	s18 =	rddreg [dreg:$0x10]  }
0x149: {  	[hbm4b:s16+s28] =	stream.strided.scatter [tilespmem:s17], [sflag:$0x1], $0x100, s29, s28, $0x38;
	[tilespmem:$0xA880] =	vst v63  }
0x14a: {  	s19 =	simm.s32 $0x6E00;
	s30 =	rddreg [dreg:$0x11]  }
0x14b: {  	[hbm4b:s18+s28] =	stream.strided.scatter [tilespmem:s19], [sflag:$0x1], $0x100, s29, s28, $0x38;
	[tilespmem:$0xA880] =	vst v63  }
0x14c: {  	s31 =	simm.s32 $0x7A00;
	s8 =	rddreg [dreg:$0x12]  }
0x14d: {  	[hbm4b:s30+s28] =	stream.strided.scatter [tilespmem:s31], [sflag:$0x1], $0x100, s29, s28, $0x38;
	[tilespmem:$0xA880] =	vst v63  }
0x14e: {  	s9 =	simm.s32 $0x8600;
	s10 =	rddreg [dreg:$0x13]  }
0x14f: {  	[hbm4b:s8+s28] =	stream.strided.scatter [tilespmem:s9], [sflag:$0x1], $0x100, s29, s28, $0x38;
	[tilespmem:$0xA880] =	vst v63  }
0x150: {  	s11 =	simm.s32 $0x9200;
	s12 =	rddreg [dreg:$0x14]  }
0x151: {  	[hbm4b:s10+s28] =	stream.strided.scatter [tilespmem:s11], [sflag:$0x1], $0x100, s29, s28, $0x38;
	[tilespmem:$0xA880] =	vst v63  }
0x152: {  	s13 =	simm.s32 $0x6F00;
	s14 =	rddreg [dreg:$0x15]  }
0x153: {  	[hbm4b:s12+s28] =	stream.strided.scatter [tilespmem:s13], [sflag:$0x1], $0x100, s29, s28, $0x38;
	[tilespmem:$0xA880] =	vst v63  }
0x154: {  	s15 =	simm.s32 $0x7B00;
	s16 =	rddreg [dreg:$0x16]  }
0x155: {  	[hbm4b:s14+s28] =	stream.strided.scatter [tilespmem:s15], [sflag:$0x1], $0x100, s29, s28, $0x38;
	[tilespmem:$0xA880] =	vst v63  }
0x156: {  	s17 =	simm.s32 $0x8700;
	s18 =	rddreg [dreg:$0x17]  }
0x157: {  	[hbm4b:s16+s28] =	stream.strided.scatter [tilespmem:s17], [sflag:$0x1], $0x100, s29, s28, $0x38;
	[tilespmem:$0xA880] =	vst v63  }
0x158: {  	s19 =	simm.s32 $0x9300;
	s30 =	rddreg [dreg:$0x18]  }
0x159: {  	[hbm4b:s18+s28] =	stream.strided.scatter [tilespmem:s19], [sflag:$0x1], $0x100, s29, s28, $0x38;
	[tilespmem:$0xA880] =	vst v63  }
0x15a: {  	s31 =	simm.s32 $0x7000;
	s8 =	rddreg [dreg:$0x19]  }
0x15b: {  	[hbm4b:s30+s28] =	stream.strided.scatter [tilespmem:s31], [sflag:$0x1], $0x100, s29, s28, $0x38;
	[tilespmem:$0xA880] =	vst v63  }
0x15c: {  	s9 =	simm.s32 $0x7C00;
	s10 =	rddreg [dreg:$0x1a]  }
0x15d: {  	[hbm4b:s8+s28] =	stream.strided.scatter [tilespmem:s9], [sflag:$0x1], $0x100, s29, s28, $0x38;
	[tilespmem:$0xA880] =	vst v63  }
0x15e: {  	s11 =	simm.s32 $0x8800;
	s12 =	rddreg [dreg:$0x1b]  }
0x15f: {  	[hbm4b:s10+s28] =	stream.strided.scatter [tilespmem:s11], [sflag:$0x1], $0x100, s29, s28, $0x38;
	[tilespmem:$0xA880] =	vst v63  }
0x160: {  	s13 =	simm.s32 $0x9400;
	s14 =	rddreg [dreg:$0x1c]  }
0x161: {  	[hbm4b:s12+s28] =	stream.strided.scatter [tilespmem:s13], [sflag:$0x1], $0x100, s29, s28, $0x38;
	[tilespmem:$0xA880] =	vst v63  }
0x162: {  	s15 =	simm.s32 $0x7100;
	s16 =	rddreg [dreg:$0x1d]  }
0x163: {  	[hbm4b:s14+s28] =	stream.strided.scatter [tilespmem:s15], [sflag:$0x1], $0x100, s29, s28, $0x38;
	[tilespmem:$0xA880] =	vst v63  }
0x164: {  	s17 =	simm.s32 $0x7D00;
	s18 =	rddreg [dreg:$0x1e]  }
0x165: {  	[hbm4b:s16+s28] =	stream.strided.scatter [tilespmem:s17], [sflag:$0x1], $0x100, s29, s28, $0x38;
	[tilespmem:$0xA880] =	vst v63  }
0x166: {  	s19 =	simm.s32 $0x8900;
	s30 =	rddreg [dreg:$0x1f]  }
0x167: {  	[hbm4b:s18+s28] =	stream.strided.scatter [tilespmem:s19], [sflag:$0x1], $0x100, s29, s28, $0x38;
	[tilespmem:$0xA880] =	vst v63  }
0x168: {  	s31 =	simm.s32 $0x9500;
	s8 =	sld [smem:$0x7EC]  }
0x169: {  	[hbm4b:s30+s28] =	stream.strided.scatter [tilespmem:s31], [sflag:$0x1], $0x100, s29, s28, $0x38;
	[tilespmem:$0xA880] =	vst v63  }
0x16a: {  	s9 =	simm.s32 $0x7200;
	s10 =	sld [smem:$0x7ED]  }
0x16b: {  	[hbm4b:s8+s28] =	stream.strided.scatter [tilespmem:s9], [sflag:$0x1], $0x100, s29, s28, $0x38;
	[tilespmem:$0xA880] =	vst v63  }
0x16c: {  	s11 =	simm.s32 $0x7E00;
	s12 =	sld [smem:$0x7EE]  }
0x16d: {  	[hbm4b:s10+s28] =	stream.strided.scatter [tilespmem:s11], [sflag:$0x1], $0x100, s29, s28, $0x38;
	[tilespmem:$0xA880] =	vst v63  }
0x16e: {  	s13 =	simm.s32 $0x8A00;
	s14 =	sld [smem:$0x7EF]  }
0x16f: {  	[hbm4b:s12+s28] =	stream.strided.scatter [tilespmem:s13], [sflag:$0x1], $0x100, s29, s28, $0x38;
	[tilespmem:$0xA880] =	vst v63  }
0x170: {  	s15 =	simm.s32 $0x9600;
	s16 =	sld [smem:$0x7F0]  }
0x171: {  	[hbm4b:s14+s28] =	stream.strided.scatter [tilespmem:s15], [sflag:$0x1], $0x100, s29, s28, $0x38;
	[tilespmem:$0xA880] =	vst v63  }
0x172: {  	s17 =	simm.s32 $0x7300;
	s18 =	sld [smem:$0x7F1]  }
0x173: {  	[hbm4b:s16+s28] =	stream.strided.scatter [tilespmem:s17], [sflag:$0x1], $0x100, s29, s28, $0x38;
	[tilespmem:$0xA880] =	vst v63  }
0x174: {  	s19 =	simm.s32 $0x7F00;
	s30 =	sld [smem:$0x7F2]  }
0x175: {  	[hbm4b:s18+s28] =	stream.strided.scatter [tilespmem:s19], [sflag:$0x1], $0x100, s29, s28, $0x38;
	[tilespmem:$0xA880] =	vst v63  }
0x176: {  	s31 =	simm.s32 $0x8B00;
	s8 =	sld [smem:$0x7F3]  }
0x177: {  	[hbm4b:s30+s28] =	stream.strided.scatter [tilespmem:s31], [sflag:$0x1], $0x100, s29, s28, $0x38;
	[tilespmem:$0xA880] =	vst v63  }
0x178: {  	s9 =	simm.s32 $0x9700;
	s10 =	sld [smem:$0x7F4]  }
0x179: {  	[hbm4b:s8+s28] =	stream.strided.scatter [tilespmem:s9], [sflag:$0x1], $0x100, s29, s28, $0x38;
	[tilespmem:$0xA880] =	vst v63  }
0x17a: {  	s11 =	simm.s32 $0x7400;
	s12 =	sld [smem:$0x7F5]  }
0x17b: {  	[hbm4b:s10+s28] =	stream.strided.scatter [tilespmem:s11], [sflag:$0x1], $0x100, s29, s28, $0x38;
	[tilespmem:$0xA880] =	vst v63  }
0x17c: {  	s13 =	simm.s32 $0x8000;
	s14 =	sld [smem:$0x7F6]  }
0x17d: {  	[hbm4b:s12+s28] =	stream.strided.scatter [tilespmem:s13], [sflag:$0x1], $0x100, s29, s28, $0x38;
	[tilespmem:$0xA880] =	vst v63  }
0x17e: {  	s15 =	simm.s32 $0x8C00;
	s16 =	sld [smem:$0x7F7]  }
0x17f: {  	[hbm4b:s14+s28] =	stream.strided.scatter [tilespmem:s15], [sflag:$0x1], $0x100, s29, s28, $0x38;
	[tilespmem:$0xA880] =	vst v63  }
0x180: {  	s17 =	simm.s32 $0x9800;
	s18 =	sld [smem:$0x7F8]  }
0x181: {  	[hbm4b:s16+s28] =	stream.strided.scatter [tilespmem:s17], [sflag:$0x1], $0x100, s29, s28, $0x38;
	[tilespmem:$0xA880] =	vst v63  }
0x182: {  	s19 =	simm.s32 $0x7500;
	s30 =	sld [smem:$0x7F9]  }
0x183: {  	[hbm4b:s18+s28] =	stream.strided.scatter [tilespmem:s19], [sflag:$0x1], $0x100, s29, s28, $0x38;
	[tilespmem:$0xA880] =	vst v63  }
0x184: {  	s31 =	simm.s32 $0x8100;
	s8 =	sld [smem:$0x7FA]  }
0x185: {  	[hbm4b:s30+s28] =	stream.strided.scatter [tilespmem:s31], [sflag:$0x1], $0x100, s29, s28, $0x38;
	[tilespmem:$0xA880] =	vst v63  }
0x186: {  	s9 =	simm.s32 $0x8D00;
	s10 =	sld [smem:$0x7FB]  }
0x187: {  	[hbm4b:s8+s28] =	stream.strided.scatter [tilespmem:s9], [sflag:$0x1], $0x100, s29, s28, $0x38;
	[tilespmem:$0xA880] =	vst v63  }
0x188: {  	s11 =	simm.s32 $0x9900;
	s12 =	sld [smem:$0x7FC]  }
0x189: {  	[hbm4b:s10+s28] =	stream.strided.scatter [tilespmem:s11], [sflag:$0x1], $0x100, s29, s28, $0x38;
	[tilespmem:$0xA880] =	vst v63  }
0x18a: {  	s13 =	simm.s32 $0x7600;
	s14 =	sld [smem:$0x7FD]  }
0x18b: {  	[hbm4b:s12+s28] =	stream.strided.scatter [tilespmem:s13], [sflag:$0x1], $0x100, s29, s28, $0x38;
	[tilespmem:$0xA880] =	vst v63  }
0x18c: {  	s15 =	simm.s32 $0x8200  }
0x18d: {  	[hbm4b:s14+s28] =	stream.strided.scatter [tilespmem:s15], [sflag:$0x1], $0x100, s29, s28, $0x38;
	[tilespmem:$0xA880] =	vst v63  }
0x18e: {  	s16 =	simm.s32 $0x8E00  }
0x18f: {  	[hbm4b:s20+s28] =	stream.strided.scatter [tilespmem:s16], [sflag:$0x1], $0x100, s29, s28, $0x38;
	[tilespmem:$0xA880] =	vst v63  }
0x190: {  	s17 =	simm.s32 $0x9A00  }
0x191: {  	[hbm4b:s21+s28] =	stream.strided.scatter [tilespmem:s17], [sflag:$0x1], $0x100, s29, s28, $0x38;
	[tilespmem:$0xA880] =	vst v63  }
0x192: {  	s18 =	simm.s32 $0x7700  }
0x193: {  	[hbm4b:s22+s28] =	stream.strided.scatter [tilespmem:s18], [sflag:$0x1], $0x100, s29, s28, $0x38;
	[tilespmem:$0xA880] =	vst v63  }
0x194: {  	s19 =	simm.s32 $0x8300  }
0x195: {  	[hbm4b:s23+s28] =	stream.strided.scatter [tilespmem:s19], [sflag:$0x1], $0x100, s29, s28, $0x38;
	[tilespmem:$0xA880] =	vst v63  }
0x196: {  	s30 =	simm.s32 $0x8F00  }
0x197: {  	[hbm4b:s24+s28] =	stream.strided.scatter [tilespmem:s30], [sflag:$0x1], $0x100, s29, s28, $0x38;
	[tilespmem:$0xA880] =	vst v63  }
0x198: {  	s31 =	simm.s32 $0x9B00  }
0x199: {  	[hbm4b:s25+s28] =	stream.strided.scatter [tilespmem:s31], [sflag:$0x1], $0x100, s29, s28, $0x38;
	[tilespmem:$0xA880] =	vst v63  }
0x19a: {  	_ =	swait.ge [sflag:s0], $0x100  }
0x19b: {  	[sflag:s0] =	ssyncset.done $0x0  }
0x19c: {  	[sflag:s0] =	ssyncadd.s32 $0xFFFFFF00  }
0x19d: {  	_ =	swait.ge [sflag:s0], $0x100  }
0x19e: {  	[sflag:s0] =	ssyncset.done $0x0  }
0x19f: {  	[sflag:s0] =	ssyncadd.s32 $0xFFFFFF00  }
0x1a0: {  	_ =	swait.ge [sflag:s0], $0x100  }
0x1a1: {  	[sflag:s0] =	ssyncset.done $0x0  }
0x1a2: {  	[sflag:s0] =	ssyncadd.s32 $0xFFFFFF00  }
0x1a3: {  	_ =	swait.ge [sflag:s0], $0x100  }
0x1a4: {  	[sflag:s0] =	ssyncset.done $0x0  }
0x1a5: {  	[sflag:s0] =	ssyncadd.s32 $0xFFFFFF00  }
0x1a6: {  	_ =	swait.ge [sflag:s0], $0x100  }
0x1a7: {  	[sflag:s0] =	ssyncset.done $0x0  }
0x1a8: {  	[sflag:s0] =	ssyncadd.s32 $0xFFFFFF00  }
0x1a9: {  	_ =	swait.ge [sflag:s0], $0x100  }
0x1aa: {  	[sflag:s0] =	ssyncset.done $0x0  }
0x1ab: {  	[sflag:s0] =	ssyncadd.s32 $0xFFFFFF00  }
0x1ac: {  	_ =	swait.ge [sflag:s0], $0x100  }
0x1ad: {  	[sflag:s0] =	ssyncset.done $0x0  }
0x1ae: {  	[sflag:s0] =	ssyncadd.s32 $0xFFFFFF00  }
0x1af: {  	_ =	swait.ge [sflag:s0], $0x100  }
0x1b0: {  	[sflag:s0] =	ssyncset.done $0x0  }
0x1b1: {  	[sflag:s0] =	ssyncadd.s32 $0xFFFFFF00  }
0x1b2: {  	_ =	swait.ge [sflag:s0], $0x100  }
0x1b3: {  	[sflag:s0] =	ssyncset.done $0x0  }
0x1b4: {  	[sflag:s0] =	ssyncadd.s32 $0xFFFFFF00  }
0x1b5: {  	_ =	swait.ge [sflag:s0], $0x100  }
0x1b6: {  	[sflag:s0] =	ssyncset.done $0x0  }
0x1b7: {  	[sflag:s0] =	ssyncadd.s32 $0xFFFFFF00  }
0x1b8: {  	_ =	swait.ge [sflag:s0], $0x100  }
0x1b9: {  	[sflag:s0] =	ssyncset.done $0x0  }
0x1ba: {  	[sflag:s0] =	ssyncadd.s32 $0xFFFFFF00  }
0x1bb: {  	_ =	swait.ge [sflag:s0], $0x100  }
0x1bc: {  	[sflag:s0] =	ssyncset.done $0x0  }
0x1bd: {  	[sflag:s0] =	ssyncadd.s32 $0xFFFFFF00  }
0x1be: {  	_ =	swait.ge [sflag:s0], $0x100  }
0x1bf: {  	[sflag:s0] =	ssyncset.done $0x0  }
0x1c0: {  	[sflag:s0] =	ssyncadd.s32 $0xFFFFFF00  }
0x1c1: {  	_ =	swait.ge [sflag:s0], $0x100  }
0x1c2: {  	[sflag:s0] =	ssyncset.done $0x0  }
0x1c3: {  	[sflag:s0] =	ssyncadd.s32 $0xFFFFFF00  }
0x1c4: {  	_ =	swait.ge [sflag:s0], $0x100  }
0x1c5: {  	[sflag:s0] =	ssyncset.done $0x0  }
0x1c6: {  	[sflag:s0] =	ssyncadd.s32 $0xFFFFFF00  }
0x1c7: {  	_ =	swait.ge [sflag:s0], $0x100  }
0x1c8: {  	[sflag:s0] =	ssyncset.done $0x0  }
0x1c9: {  	[sflag:s0] =	ssyncadd.s32 $0xFFFFFF00  }
0x1ca: {  	_ =	swait.ge [sflag:s0], $0x100  }
0x1cb: {  	[sflag:s0] =	ssyncset.done $0x0  }
0x1cc: {  	[sflag:s0] =	ssyncadd.s32 $0xFFFFFF00  }
0x1cd: {  	_ =	swait.ge [sflag:s0], $0x100  }
0x1ce: {  	[sflag:s0] =	ssyncset.done $0x0  }
0x1cf: {  	[sflag:s0] =	ssyncadd.s32 $0xFFFFFF00  }
0x1d0: {  	_ =	swait.ge [sflag:s0], $0x100  }
0x1d1: {  	[sflag:s0] =	ssyncset.done $0x0  }
0x1d2: {  	[sflag:s0] =	ssyncadd.s32 $0xFFFFFF00  }
0x1d3: {  	_ =	swait.ge [sflag:s0], $0x100  }
0x1d4: {  	[sflag:s0] =	ssyncset.done $0x0  }
0x1d5: {  	[sflag:s0] =	ssyncadd.s32 $0xFFFFFF00  }
0x1d6: {  	_ =	swait.ge [sflag:s0], $0x100  }
0x1d7: {  	[sflag:s0] =	ssyncset.done $0x0  }
0x1d8: {  	[sflag:s0] =	ssyncadd.s32 $0xFFFFFF00  }
0x1d9: {  	_ =	swait.ge [sflag:s0], $0x100  }
0x1da: {  	[sflag:s0] =	ssyncset.done $0x0  }
0x1db: {  	[sflag:s0] =	ssyncadd.s32 $0xFFFFFF00  }
0x1dc: {  	_ =	swait.ge [sflag:s0], $0x100  }
0x1dd: {  	[sflag:s0] =	ssyncset.done $0x0  }
0x1de: {  	[sflag:s0] =	ssyncadd.s32 $0xFFFFFF00  }
0x1df: {  	_ =	swait.ge [sflag:s0], $0x100  }
0x1e0: {  	[sflag:s0] =	ssyncset.done $0x0  }
0x1e1: {  	[sflag:s0] =	ssyncadd.s32 $0xFFFFFF00  }
0x1e2: {  	_ =	swait.ge [sflag:s0], $0x100  }
0x1e3: {  	[sflag:s0] =	ssyncset.done $0x0  }
0x1e4: {  	[sflag:s0] =	ssyncadd.s32 $0xFFFFFF00  }
0x1e5: {  	_ =	swait.ge [sflag:s0], $0x100  }
0x1e6: {  	[sflag:s0] =	ssyncset.done $0x0  }
0x1e7: {  	[sflag:s0] =	ssyncadd.s32 $0xFFFFFF00  }
0x1e8: {  	_ =	swait.ge [sflag:s0], $0x100  }
0x1e9: {  	[sflag:s0] =	ssyncset.done $0x0  }
0x1ea: {  	[sflag:s0] =	ssyncadd.s32 $0xFFFFFF00  }
0x1eb: {  	_ =	swait.ge [sflag:s0], $0x100  }
0x1ec: {  	[sflag:s0] =	ssyncset.done $0x0  }
0x1ed: {  	[sflag:s0] =	ssyncadd.s32 $0xFFFFFF00  }
0x1ee: {  	_ =	swait.ge [sflag:s0], $0x100  }
0x1ef: {  	[sflag:s0] =	ssyncset.done $0x0  }
0x1f0: {  	[sflag:s0] =	ssyncadd.s32 $0xFFFFFF00  }
0x1f1: {  	_ =	swait.ge [sflag:s0], $0x100  }
0x1f2: {  	[sflag:s0] =	ssyncset.done $0x0  }
0x1f3: {  	[sflag:s0] =	ssyncadd.s32 $0xFFFFFF00  }
0x1f4: {  	_ =	swait.ge [sflag:s0], $0x100  }
0x1f5: {  	[sflag:s0] =	ssyncset.done $0x0  }
0x1f6: {  	[sflag:s0] =	ssyncadd.s32 $0xFFFFFF00  }
0x1f7: {  	_ =	swait.ge [sflag:s0], $0x100  }
0x1f8: {  	[sflag:s0] =	ssyncset.done $0x0  }
0x1f9: {  	[sflag:s0] =	ssyncadd.s32 $0xFFFFFF00  }
0x1fa: {  	_ =	swait.ge [sflag:s0], $0x100  }
0x1fb: {  	[sflag:s0] =	ssyncset.done $0x0  }
0x1fc: {  	[sflag:s0] =	ssyncadd.s32 $0xFFFFFF00  }
0x1fd: {  	_ =	swait.ge [sflag:s0], $0x100  }
0x1fe: {  	[sflag:s0] =	ssyncset.done $0x0  }
0x1ff: {  	[sflag:s0] =	ssyncadd.s32 $0xFFFFFF00  }
0x200: {  	_ =	swait.ge [sflag:s0], $0x100  }
0x201: {  	[sflag:s0] =	ssyncset.done $0x0  }
0x202: {  	[sflag:s0] =	ssyncadd.s32 $0xFFFFFF00  }
0x203: {  	_ =	swait.ge [sflag:s0], $0x100  }
0x204: {  	[sflag:s0] =	ssyncset.done $0x0  }
0x205: {  	[sflag:s0] =	ssyncadd.s32 $0xFFFFFF00  }
0x206: {  	_ =	swait.ge [sflag:s0], $0x100  }
0x207: {  	[sflag:s0] =	ssyncset.done $0x0  }
0x208: {  	[sflag:s0] =	ssyncadd.s32 $0xFFFFFF00  }
0x209: {  	_ =	swait.ge [sflag:s0], $0x100  }
0x20a: {  	[sflag:s0] =	ssyncset.done $0x0  }
0x20b: {  	[sflag:s0] =	ssyncadd.s32 $0xFFFFFF00  }
0x20c: {  	_ =	swait.ge [sflag:s0], $0x100  }
0x20d: {  	[sflag:s0] =	ssyncset.done $0x0  }
0x20e: {  	[sflag:s0] =	ssyncadd.s32 $0xFFFFFF00  }
0x20f: {  	_ =	swait.ge [sflag:s0], $0x100  }
0x210: {  	[sflag:s0] =	ssyncset.done $0x0  }
0x211: {  	[sflag:s0] =	ssyncadd.s32 $0xFFFFFF00  }
0x212: {  	_ =	swait.ge [sflag:s0], $0x100  }
0x213: {  	[sflag:s0] =	ssyncset.done $0x0  }
0x214: {  	[sflag:s0] =	ssyncadd.s32 $0xFFFFFF00  }
0x215: {  	_ =	swait.ge [sflag:s0], $0x100  }
0x216: {  	[sflag:s0] =	ssyncset.done $0x0  }
0x217: {  	[sflag:s0] =	ssyncadd.s32 $0xFFFFFF00  }
0x218: {  	_ =	swait.ge [sflag:s0], $0x100  }
0x219: {  	[sflag:s0] =	ssyncset.done $0x0  }
0x21a: {  	[sflag:s0] =	ssyncadd.s32 $0xFFFFFF00  }
0x21b: {  	_ =	swait.ge [sflag:s0], $0x100  }
0x21c: {  	[sflag:s0] =	ssyncset.done $0x0  }
0x21d: {  	[sflag:s0] =	ssyncadd.s32 $0xFFFFFF00  }
0x21e: {  	_ =	swait.ge [sflag:s0], $0x100  }
0x21f: {  	[sflag:s0] =	ssyncset.done $0x0  }
0x220: {  	[sflag:s0] =	ssyncadd.s32 $0xFFFFFF00  }
0x221: {  	_ =	swait.ge [sflag:s0], $0x100  }
0x222: {  	[sflag:s0] =	ssyncset.done $0x0  }
0x223: {  	s5 =	sadd.s32 $0x1, s5;
	[sflag:s0] =	ssyncadd.s32 $0xFFFFFF00  }
0x224: {  	p0 =	sne.s32 s5, s26;
	_ =	swait.ge [sflag:s0], $0x100  }
.Ltmp2:
0x225: {  	[sflag:s0] =	ssyncset.done $0x0;
	(pc) =	sbr.rel @p0 .LBB2_1-.Ltmp2, $4  }
0x226: {  	[sflag:s0] =	ssyncadd.s32 $0xFFFFFF00  }
0x227: {  	_ =	swait.ge [sflag:s0], $0x100  }
0x228: {  	[sflag:s0] =	ssyncset.done $0x0  }
0x229: {  	[sflag:s0] =	ssyncadd.s32 $0xFFFFFF00  }
0x22a: {  	_ =	sfence.sel $0x180000  }
0x22b: {  	[bflag:$0x0] =	sbarrier.arrive $0xFFFF  }
0x22c: {  	_ =	strace $0x90000047  }
0x22d: {  	s0 =	stileid.u32;
	[bflag:$0x2] =	sbarrier.arrive $0xFFFF  }
0x22e: {  	p0 =	sne.s32 s0, $0x0;
	s0 =	rddreg [dreg:$0x4]  }
0x22f: {  	s0 =	sadd.s32 @!p0 $0x100000, s0  }
0x230: {  	[sflag:s0] =	ssyncadd.tile.s32 @!p0 $0x1;
	_ =	shalt  }
.Lfunc_end2:
_tile_overlayer_lowered:
.L_overlay_start_2:
0x231: {  	(tag) =	ssettag $0x2  }
0x232: {  	s0 =	rddreg [dreg:$0x0];
	s2 =	stileid.u32  }
0x233: {  	s1 =	rddreg [dreg:$0x1];
	p0 =	sne.s32 s2, $0x0  }
0x234: {  	s3 =	rddreg [dreg:$0x2];
	[bflag:$0x3] =	sbarrier.arrive $0xFFFF;
	s2 =	simm.s32 @!p0 $0x1C02  }
0x235: {  	[timem:s3], [sflag:s2] =	dma.local @!p0 [hbm:s0], s1  }
0x236: {  	s0 =	simm.s32 @!p0 $0x2  }
0x237: {  	_ =	swait.ge @!p0 [sflag:s0], s1  }
0x238: {  	s1 =	ssub.s32 @!p0 $0x0, s1;
	[sflag:s0] =	ssyncset.done @!p0 $0x0  }
0x239: {  	[sflag:s0] =	ssyncadd.s32 @!p0 s1  }
0x23a: {  	[bflag:$0x3] =	sbarrier.arrive $0xFFFF  }
0x23b: {  	_ =	shalt  }

</sc_bundles>
